<compile_context>
chip_gen: v7x
topology: tpu7x:2x2x1
jax: 0.10.2.dev20260603
libtpu: 0.0.44.dev20260713+nightly
codegen_flags: <defaults>
</compile_context>

<pallas_src>
import functools

import jax
import jax.numpy as jnp
from jax import lax
from jax.experimental import pallas as pl
from jax.experimental.pallas import tpu as pltpu
from jax.experimental.pallas import tpu_sc as plsc

B, L, D = 4096, 200, 64
V = 1000000
DP = 128
NC, NS = 2, 16
NW = NC * NS
ROWS_W = B // NW
SPLITS = ((0, 128), (128, 72))
R = 1
NT = ROWS_W // R
NBUF = 3
LANES = 16

_mesh = plsc.VectorSubcoreMesh(core_axis_name="c", subcore_axis_name="s")


@functools.partial(
    pl.kernel,
    out_type=jax.ShapeDtypeStruct((B, L, DP), jnp.float32),
    mesh=_mesh,
    compiler_params=pltpu.CompilerParams(use_tc_tiling_on_sc=True),
    scratch_types=[
        pltpu.VMEM((ROWS_W, L), jnp.int32),
        pltpu.VMEM((NBUF, R, L, DP), jnp.float32),
        [pltpu.SemaphoreType.DMA] * NBUF,
        [pltpu.SemaphoreType.DMA] * NBUF,
    ],
)
def _gather(idx_hbm, table_hbm, out_hbm, idx_v, rows_v, gsems, ssems):
  wid = lax.axis_index("s") * NC + lax.axis_index("c")
  row0 = wid * ROWS_W
  pltpu.sync_copy(idx_hbm.at[pl.ds(row0, ROWS_W)], idx_v)

  def start_group(t, b):
    for r in range(R):
      for off, size in SPLITS:
        pltpu.async_copy(
            table_hbm.at[idx_v.at[t * R + r, pl.ds(off, size)]],
            rows_v.at[b, r, pl.ds(off, size)],
            gsems[b],
        )

  def wait_gathers(b):
    pltpu.make_async_copy(
        table_hbm.at[pl.ds(0, R * L)], rows_v.at[0], gsems[b]
    ).wait()

  def wait_store(b):
    pltpu.make_async_copy(
        rows_v.at[0], out_hbm.at[pl.ds(0, R)], ssems[b]
    ).wait()

  def dispatch(t, fns):
    for b in range(NBUF):
      @pl.when(lax.rem(t, NBUF) == b)
      def _(b=b):
        fns(b)

  start_group(0, 0)
  start_group(1, 1)

  def body(t, carry):
    def slot(b):
      wait_gathers(b)

      @pl.when(t + 2 < NT)
      def _():
        b2 = (b + 2) % NBUF

        @pl.when(t >= 1)
        def _():
          wait_store(b2)
        start_group(t + 2, b2)

      pltpu.async_copy(
          rows_v.at[b],
          out_hbm.at[pl.ds(row0 + t * R, R)],
          ssems[b],
      )

    dispatch(t, slot)
    return carry

  lax.fori_loop(0, NT, body, 0)
  wait_store((NT - 2) % NBUF)
  wait_store((NT - 1) % NBUF)




CHUNK_COLS = 128
NFULL = V // CHUNK_COLS
TAIL = V - NFULL * CHUNK_COLS
CHUNKS_W = NFULL // NW
REM_W = NFULL - CHUNKS_W * NW


@functools.partial(
    pl.kernel,
    out_type=jax.ShapeDtypeStruct((V, DP), jnp.float32),
    mesh=_mesh,
    compiler_params=pltpu.CompilerParams(
        use_tc_tiling_on_sc=True, needs_layout_passes=False
    ),
    scratch_types=[
        pltpu.VMEM((NBUF * D, CHUNK_COLS), jnp.float32),
        pltpu.VMEM((NBUF * CHUNK_COLS, DP), jnp.float32),
        pltpu.VMEM((D, TAIL), jnp.float32),
        [pltpu.SemaphoreType.DMA] * NBUF,
        [pltpu.SemaphoreType.DMA] * NBUF,
    ],
)
def _relayout(tab_t_hbm, tail_t_hbm, out_hbm, src_v, dst_v, tail_v, gsems,
              ssems):
  wid = lax.axis_index("s") * NC + lax.axis_index("c")
  c0 = wid * CHUNKS_W + jnp.minimum(wid, REM_W)
  n = CHUNKS_W + (wid < REM_W).astype(jnp.int32)
  base16 = lax.iota(jnp.int32, LANES)

  def start_read(c, b):
    pltpu.async_copy(
        tab_t_hbm.at[:, pl.ds((c0 + c) * CHUNK_COLS, CHUNK_COLS)],
        src_v.at[pl.ds(b * D, D)],
        gsems[b],
    )

  def wait_read(b):
    pltpu.make_async_copy(
        tab_t_hbm.at[:, pl.ds(0, CHUNK_COLS)],
        src_v.at[pl.ds(0, D)],
        gsems[b],
    ).wait()

  def wait_write(b):
    pltpu.make_async_copy(
        dst_v.at[pl.ds(0, CHUNK_COLS)],
        out_hbm.at[pl.ds(0, CHUNK_COLS)],
        ssems[b],
    ).wait()

  def dispatch(t, fn):
    for b in range(NBUF):
      @pl.when(lax.rem(t, NBUF) == b)
      def _(b=b):
        fn(b)

  @pl.when(n >= 1)
  def _():
    start_read(0, 0)

  @pl.when(n >= 2)
  def _():
    start_read(1, 1)

  def body(c, carry):
    b = lax.rem(c, NBUF)
    dispatch(c, wait_read)

    @pl.when(c >= NBUF)
    def _():
      dispatch(c, wait_write)

    @pl.when(c + 2 < n)
    def _():
      def start_next(bb):
        start_read(c + 2, (bb + 2) % NBUF)
      dispatch(c, start_next)

    src_base = b * D
    dst_base = b * CHUNK_COLS

    def blk_body(t, carry):
      cb = lax.div(t, 2) * LANES
      rb = lax.rem(t, 2) * (2 * LANES)
      for rr in (0, LANES):
        rvec = src_base + rb + rr + base16
        col = rb + rr + base16
        for j in range(LANES):
          cj = cb + ((base16 + j) & (LANES - 1))
          vec = plsc.load_gather(src_v, [rvec, cj])
          plsc.store_scatter(dst_v, [dst_base + cj, col], vec)
      return carry

    lax.fori_loop(0, (CHUNK_COLS // LANES) * 2, blk_body, 0)

    def start_write(bb):
      pltpu.async_copy(
          dst_v.at[pl.ds(bb * CHUNK_COLS, CHUNK_COLS)],
          out_hbm.at[pl.ds((c0 + c) * CHUNK_COLS, CHUNK_COLS)],
          ssems[bb],
      )
    dispatch(c, start_write)
    return carry

  lax.fori_loop(0, n, body, 0)

  def drain(i, carry):
    dispatch(n - 1 - i, wait_write)
    return carry

  lax.fori_loop(0, jnp.minimum(n, NBUF), drain, 0)

  @pl.when(wid == NW - 1)
  def _():
    pltpu.sync_copy(tail_t_hbm, tail_v)

    def tail_blk(t, carry):
      cb = lax.div(t, D // LANES) * LANES
      rb = lax.rem(t, D // LANES) * LANES
      rvec = rb + base16
      for j in range(LANES):
        cj = cb + ((base16 + j) & (LANES - 1))
        vec = plsc.load_gather(tail_v, [rvec, cj])
        plsc.store_scatter(dst_v, [cj, rvec], vec)
      return carry

    lax.fori_loop(0, (TAIL // LANES) * (D // LANES), tail_blk, 0)
    pltpu.async_copy(
        dst_v.at[pl.ds(0, TAIL)],
        out_hbm.at[pl.ds(NFULL * CHUNK_COLS, TAIL)],
        ssems[0],
    )
    pltpu.make_async_copy(
        dst_v.at[pl.ds(0, TAIL)],
        out_hbm.at[pl.ds(0, TAIL)],
        ssems[0],
    ).wait()




def kernel(indices, table):
  tail_t = table[V - TAIL:].T
  table_pad = _relayout(table.T, tail_t)
  out = _gather(indices.astype(jnp.int32), table_pad)
  return out[:, :, :D]

# --- scband reference (transcript-rebuilt; emitter-appended) ---
"""Pipeline reference for scband-embeddings-lm-5059471475240 (READ-ONLY COPY).

The authoritative reference and input builder live on the scoring server;
editing this copy changes nothing except your own understanding.
"""

import jax, jax.numpy as jnp
import numpy as np

V = 1000000
D = 64

def setup_inputs(seed: int = 0) -> dict:
    key = jax.random.key(seed)
    k_idx, k_tab = jax.random.split(key)
    indices = jax.random.randint(k_idx, (4096, 200), 0, V, dtype=jnp.int64)
    table = jax.random.normal(k_tab, (V, D), dtype=jnp.float32)
    return {"indices": indices, "table": table}

def reference(indices, table):
    # EmbeddingsLM forward: embedding lookup (dropout_prob=0.0, so identity).
    # nn.Embedding lookup -> row gather from the table.
    out = jnp.take(table, indices, axis=0)  # [B, L, D]
    return out

if __name__ == "__main__":
    import jax
    _d = setup_inputs()
    print(jax.jit(kernel)(*tuple(_d.values())))

</pallas_src>

<mosaic_0001>
#map = affine_map<(d0, d1) -> (0, 0)>
#map1 = affine_map<(d0, d1) -> (0, 0, 0)>
module attributes {stable_mosaic.version = 14 : i64} {
  func.func @_gather(%arg0: i32, %arg1: i32, %arg2: memref<4096x200xi32, #tpu.memory_space<hbm>>, %arg3: memref<1000000x128xf32, #tpu.memory_space<hbm>>, %arg4: memref<4096x200x128xf32, #tpu.memory_space<hbm>>, %arg5: memref<128x200xi32, #tpu.memory_space<vmem>>, %arg6: memref<3x1x200x128xf32, #tpu.memory_space<vmem>>, %arg7: memref<!tpu.dma_semaphore, #tpu.memory_space<semaphore_mem>>, %arg8: memref<!tpu.dma_semaphore, #tpu.memory_space<semaphore_mem>>, %arg9: memref<!tpu.dma_semaphore, #tpu.memory_space<semaphore_mem>>, %arg10: memref<!tpu.dma_semaphore, #tpu.memory_space<semaphore_mem>>, %arg11: memref<!tpu.dma_semaphore, #tpu.memory_space<semaphore_mem>>, %arg12: memref<!tpu.dma_semaphore, #tpu.memory_space<semaphore_mem>>) attributes {dimension_semantics = [#tpu.dimension_semantics<core_parallel>, #tpu.dimension_semantics<subcore_parallel>], iteration_bounds = array<i64: 2, 16>, scalar_prefetch = 0 : i64, scratch_operands = 8 : i64, tpu.core_type = #tpu.core_type<sc_vector_subcore>, window_params = [{transform_indices = #map}, {transform_indices = #map}, {transform_indices = #map1}]} {
    %mul3A = arith.constant 2 : i32
    %mul3A_0 = arith.muli %arg1, %mul3A : i32
    %add3A = arith.addi %mul3A_0, %arg0 : i32
    %mul3A_1 = arith.constant 128 : i32
    %mul3A_2 = arith.muli %add3A, %mul3A_1 : i32
    "tpu.region"() ({
      %run_scoped3A = tpu.sem_alloc : memref<!tpu.dma_semaphore, #tpu.memory_space<semaphore_mem>>
      %dma_start3A_96 = arith.constant 0 : i32
      %dma_start3A_97 = tpu.memref_slice %arg2[%mul3A_2, %dma_start3A_96] : memref<4096x200xi32, #tpu.memory_space<hbm>> -> memref<128x200xi32, #tpu.memory_space<hbm>>
      %dma_start3A_98 = arith.constant 0 : i32
      %dma_start3A_99 = tpu.memref_slice %arg2[%mul3A_2, %dma_start3A_98] : memref<4096x200xi32, #tpu.memory_space<hbm>> -> memref<128x200xi32, #tpu.memory_space<hbm>>
      tpu.enqueue_dma source(%dma_start3A_99 : memref<128x200xi32, #tpu.memory_space<hbm>>) target(%arg5 : memref<128x200xi32, #tpu.memory_space<vmem>>) target_semaphore(%run_scoped3A : memref<!tpu.dma_semaphore, #tpu.memory_space<semaphore_mem>>)
      %dma_wait3A_100 = arith.constant 0 : i32
      %dma_wait3A_101 = tpu.memref_slice %arg2[%mul3A_2, %dma_wait3A_100] : memref<4096x200xi32, #tpu.memory_space<hbm>> -> memref<128x200xi32, #tpu.memory_space<hbm>>
      %dma_wait3A_102 = arith.constant 0 : i32
      %dma_wait3A_103 = tpu.memref_slice %arg2[%mul3A_2, %dma_wait3A_102] : memref<4096x200xi32, #tpu.memory_space<hbm>> -> memref<128x200xi32, #tpu.memory_space<hbm>>
      tpu.wait_dma2 semaphore(%run_scoped3A : memref<!tpu.dma_semaphore, #tpu.memory_space<semaphore_mem>>) src(%dma_wait3A_103 : memref<128x200xi32, #tpu.memory_space<hbm>>) dst(%arg5 : memref<128x200xi32, #tpu.memory_space<vmem>>)
      tpu.yield
    }) : () -> ()
    %dma_start3A = arith.constant 0 : i32
    %dma_start3A_3 = arith.constant 0 : i32
    %dma_start3A_4 = arith.constant 0 : i32
    %dma_start3A_5 = arith.constant 0 : i32
    %dma_start3A_6 = arith.constant 0 : i32
    %dma_start3A_7 = tpu.memref_slice %arg6[%dma_start3A_3, %dma_start3A_4, %dma_start3A_5, %dma_start3A_6] : memref<3x1x200x128xf32, #tpu.memory_space<vmem>> -> memref<1x1x128x128xf32, #tpu.memory_space<vmem>>
    %dma_start3A_8 = tpu.memref_squeeze %dma_start3A_7 : memref<1x1x128x128xf32, #tpu.memory_space<vmem>> -> memref<128x128xf32, #tpu.memory_space<vmem>>
    %dma_start3A_9 = arith.constant 0 : i32
    %dma_start3A_10 = tpu.memref_slice %arg5[%dma_start3A, %dma_start3A_9] : memref<128x200xi32, #tpu.memory_space<vmem>> -> memref<1x128xi32, #tpu.memory_space<vmem>>
    %dma_start3A_11 = tpu.memref_squeeze %dma_start3A_10 : memref<1x128xi32, #tpu.memory_space<vmem>> -> memref<128xi32, #tpu.memory_space<vmem>>
    %dma_start3A_12 = arith.constant 0 : i32
    %dma_start3A_13 = arith.constant 0 : i32
    %dma_start3A_14 = tpu.memref_slice %arg3[%dma_start3A_12, %dma_start3A_13] : memref<1000000x128xf32, #tpu.memory_space<hbm>> -> memref<1000000x128xf32, #tpu.memory_space<hbm>>
    tpu.enqueue_indirect_dma source(%dma_start3A_14 : memref<1000000x128xf32, #tpu.memory_space<hbm>>) target(%dma_start3A_8 : memref<128x128xf32, #tpu.memory_space<vmem>>) offsets(%dma_start3A_11 : memref<128xi32, #tpu.memory_space<vmem>>) semaphore(%arg7 : memref<!tpu.dma_semaphore, #tpu.memory_space<semaphore_mem>>)
    %dma_start3A_15 = arith.constant 0 : i32
    %dma_start3A_16 = arith.constant 0 : i32
    %dma_start3A_17 = arith.constant 0 : i32
    %dma_start3A_18 = arith.constant 128 : i32
    %dma_start3A_19 = arith.constant 0 : i32
    %dma_start3A_20 = tpu.memref_slice %arg6[%dma_start3A_16, %dma_start3A_17, %dma_start3A_18, %dma_start3A_19] : memref<3x1x200x128xf32, #tpu.memory_space<vmem>> -> memref<1x1x72x128xf32, #tpu.memory_space<vmem>>
    %dma_start3A_21 = tpu.memref_squeeze %dma_start3A_20 : memref<1x1x72x128xf32, #tpu.memory_space<vmem>> -> memref<72x128xf32, #tpu.memory_space<vmem>>
    %dma_start3A_22 = arith.constant 128 : i32
    %dma_start3A_23 = tpu.memref_slice %arg5[%dma_start3A_15, %dma_start3A_22] : memref<128x200xi32, #tpu.memory_space<vmem>> -> memref<1x72xi32, #tpu.memory_space<vmem>>
    %dma_start3A_24 = tpu.memref_squeeze %dma_start3A_23 : memref<1x72xi32, #tpu.memory_space<vmem>> -> memref<72xi32, #tpu.memory_space<vmem>>
    %dma_start3A_25 = arith.constant 0 : i32
    %dma_start3A_26 = arith.constant 0 : i32
    %dma_start3A_27 = tpu.memref_slice %arg3[%dma_start3A_25, %dma_start3A_26] : memref<1000000x128xf32, #tpu.memory_space<hbm>> -> memref<1000000x128xf32, #tpu.memory_space<hbm>>
    tpu.enqueue_indirect_dma source(%dma_start3A_27 : memref<1000000x128xf32, #tpu.memory_space<hbm>>) target(%dma_start3A_21 : memref<72x128xf32, #tpu.memory_space<vmem>>) offsets(%dma_start3A_24 : memref<72xi32, #tpu.memory_space<vmem>>) semaphore(%arg7 : memref<!tpu.dma_semaphore, #tpu.memory_space<semaphore_mem>>)
    %dma_start3A_28 = arith.constant 1 : i32
    %dma_start3A_29 = arith.constant 1 : i32
    %dma_start3A_30 = arith.constant 0 : i32
    %dma_start3A_31 = arith.constant 0 : i32
    %dma_start3A_32 = arith.constant 0 : i32
    %dma_start3A_33 = tpu.memref_slice %arg6[%dma_start3A_29, %dma_start3A_30, %dma_start3A_31, %dma_start3A_32] : memref<3x1x200x128xf32, #tpu.memory_space<vmem>> -> memref<1x1x128x128xf32, #tpu.memory_space<vmem>>
    %dma_start3A_34 = tpu.memref_squeeze %dma_start3A_33 : memref<1x1x128x128xf32, #tpu.memory_space<vmem>> -> memref<128x128xf32, #tpu.memory_space<vmem>>
    %dma_start3A_35 = arith.constant 0 : i32
    %dma_start3A_36 = tpu.memref_slice %arg5[%dma_start3A_28, %dma_start3A_35] : memref<128x200xi32, #tpu.memory_space<vmem>> -> memref<1x128xi32, #tpu.memory_space<vmem>>
    %dma_start3A_37 = tpu.memref_squeeze %dma_start3A_36 : memref<1x128xi32, #tpu.memory_space<vmem>> -> memref<128xi32, #tpu.memory_space<vmem>>
    %dma_start3A_38 = arith.constant 0 : i32
    %dma_start3A_39 = arith.constant 0 : i32
    %dma_start3A_40 = tpu.memref_slice %arg3[%dma_start3A_38, %dma_start3A_39] : memref<1000000x128xf32, #tpu.memory_space<hbm>> -> memref<1000000x128xf32, #tpu.memory_space<hbm>>
    tpu.enqueue_indirect_dma source(%dma_start3A_40 : memref<1000000x128xf32, #tpu.memory_space<hbm>>) target(%dma_start3A_34 : memref<128x128xf32, #tpu.memory_space<vmem>>) offsets(%dma_start3A_37 : memref<128xi32, #tpu.memory_space<vmem>>) semaphore(%arg8 : memref<!tpu.dma_semaphore, #tpu.memory_space<semaphore_mem>>)
    %dma_start3A_41 = arith.constant 1 : i32
    %dma_start3A_42 = arith.constant 1 : i32
    %dma_start3A_43 = arith.constant 0 : i32
    %dma_start3A_44 = arith.constant 128 : i32
    %dma_start3A_45 = arith.constant 0 : i32
    %dma_start3A_46 = tpu.memref_slice %arg6[%dma_start3A_42, %dma_start3A_43, %dma_start3A_44, %dma_start3A_45] : memref<3x1x200x128xf32, #tpu.memory_space<vmem>> -> memref<1x1x72x128xf32, #tpu.memory_space<vmem>>
    %dma_start3A_47 = tpu.memref_squeeze %dma_start3A_46 : memref<1x1x72x128xf32, #tpu.memory_space<vmem>> -> memref<72x128xf32, #tpu.memory_space<vmem>>
    %dma_start3A_48 = arith.constant 128 : i32
    %dma_start3A_49 = tpu.memref_slice %arg5[%dma_start3A_41, %dma_start3A_48] : memref<128x200xi32, #tpu.memory_space<vmem>> -> memref<1x72xi32, #tpu.memory_space<vmem>>
    %dma_start3A_50 = tpu.memref_squeeze %dma_start3A_49 : memref<1x72xi32, #tpu.memory_space<vmem>> -> memref<72xi32, #tpu.memory_space<vmem>>
    %dma_start3A_51 = arith.constant 0 : i32
    %dma_start3A_52 = arith.constant 0 : i32
    %dma_start3A_53 = tpu.memref_slice %arg3[%dma_start3A_51, %dma_start3A_52] : memref<1000000x128xf32, #tpu.memory_space<hbm>> -> memref<1000000x128xf32, #tpu.memory_space<hbm>>
    tpu.enqueue_indirect_dma source(%dma_start3A_53 : memref<1000000x128xf32, #tpu.memory_space<hbm>>) target(%dma_start3A_47 : memref<72x128xf32, #tpu.memory_space<vmem>>) offsets(%dma_start3A_50 : memref<72xi32, #tpu.memory_space<vmem>>) semaphore(%arg8 : memref<!tpu.dma_semaphore, #tpu.memory_space<semaphore_mem>>)
    %scan3A = arith.constant 0 : i32
    %scan3A_54 = arith.constant 0 : i32
    %scan3A_55 = arith.constant 128 : i32
    %scan3A_56 = arith.addi %scan3A_54, %scan3A_55 : i32
    %scan3A_57 = arith.constant 1 : i32
    scf.for %scan3A_96 = %scan3A_54 to %scan3A_56 step %scan3A_57  : i32 {
      %rem3A = arith.constant 3 : i32
      %rem3A_97 = arith.remsi %scan3A_96, %rem3A : i32
      %eq3A = arith.constant 0 : i32
      %eq3A_98 = arith.cmpi eq, %rem3A_97, %eq3A : i32
      %convert_element_type3A = arith.extui %eq3A_98 : i1 to i32
      %cond3A = arith.constant 0 : i32
      %cond3A_99 = arith.cmpi ne, %convert_element_type3A, %cond3A : i32
      scf.if %cond3A_99 {
        %dma_wait3A_114 = arith.constant 0 : i32
        %dma_wait3A_115 = arith.constant 0 : i32
        %dma_wait3A_116 = arith.constant 0 : i32
        %dma_wait3A_117 = arith.constant 0 : i32
        %dma_wait3A_118 = tpu.memref_slice %arg6[%dma_wait3A_114, %dma_wait3A_115, %dma_wait3A_116, %dma_wait3A_117] : memref<3x1x200x128xf32, #tpu.memory_space<vmem>> -> memref<1x1x200x128xf32, #tpu.memory_space<vmem>>
        %dma_wait3A_119 = tpu.memref_squeeze %dma_wait3A_118 : memref<1x1x200x128xf32, #tpu.memory_space<vmem>> -> memref<1x200x128xf32, #tpu.memory_space<vmem>>
        %dma_wait3A_120 = arith.constant 0 : i32
        %dma_wait3A_121 = arith.constant 0 : i32
        %dma_wait3A_122 = tpu.memref_slice %arg3[%dma_wait3A_120, %dma_wait3A_121] : memref<1000000x128xf32, #tpu.memory_space<hbm>> -> memref<200x128xf32, #tpu.memory_space<hbm>>
        %dma_wait3A_123 = arith.constant 0 : i32
        %dma_wait3A_124 = arith.constant 0 : i32
        %dma_wait3A_125 = arith.constant 0 : i32
        %dma_wait3A_126 = tpu.memref_slice %arg6[%dma_wait3A_114, %dma_wait3A_123, %dma_wait3A_124, %dma_wait3A_125] : memref<3x1x200x128xf32, #tpu.memory_space<vmem>> -> memref<1x1x200x128xf32, #tpu.memory_space<vmem>>
        %dma_wait3A_127 = tpu.memref_squeeze %dma_wait3A_126 : memref<1x1x200x128xf32, #tpu.memory_space<vmem>> -> memref<1x200x128xf32, #tpu.memory_space<vmem>>
        %dma_wait3A_128 = arith.constant 0 : i32
        %dma_wait3A_129 = arith.constant 0 : i32
        %dma_wait3A_130 = tpu.memref_slice %arg3[%dma_wait3A_128, %dma_wait3A_129] : memref<1000000x128xf32, #tpu.memory_space<hbm>> -> memref<200x128xf32, #tpu.memory_space<hbm>>
        tpu.wait_dma2 semaphore(%arg7 : memref<!tpu.dma_semaphore, #tpu.memory_space<semaphore_mem>>) src(%dma_wait3A_130 : memref<200x128xf32, #tpu.memory_space<hbm>>) dst(%dma_wait3A_127 : memref<1x200x128xf32, #tpu.memory_space<vmem>>)
        %add3A_131 = arith.constant 2 : i32
        %add3A_132 = arith.addi %scan3A_96, %add3A_131 : i32
        %lt3A = arith.constant 128 : i32
        %lt3A_133 = arith.cmpi slt, %add3A_132, %lt3A : i32
        %convert_element_type3A_134 = arith.extui %lt3A_133 : i1 to i32
        %cond3A_135 = arith.constant 0 : i32
        %cond3A_136 = arith.cmpi ne, %convert_element_type3A_134, %cond3A_135 : i32
        scf.if %cond3A_136 {
          %ge3A = arith.constant 1 : i32
          %ge3A_157 = arith.cmpi sge, %scan3A_96, %ge3A : i32
          %convert_element_type3A_158 = arith.extui %ge3A_157 : i1 to i32
          %cond3A_159 = arith.constant 0 : i32
          %cond3A_160 = arith.cmpi ne, %convert_element_type3A_158, %cond3A_159 : i32
          scf.if %cond3A_160 {
            %dma_wait3A_195 = arith.constant 0 : i32
            %dma_wait3A_196 = arith.constant 0 : i32
            %dma_wait3A_197 = arith.constant 0 : i32
            %dma_wait3A_198 = arith.constant 0 : i32
            %dma_wait3A_199 = tpu.memref_slice %arg6[%dma_wait3A_195, %dma_wait3A_196, %dma_wait3A_197, %dma_wait3A_198] : memref<3x1x200x128xf32, #tpu.memory_space<vmem>> -> memref<1x1x200x128xf32, #tpu.memory_space<vmem>>
            %dma_wait3A_200 = tpu.memref_squeeze %dma_wait3A_199 : memref<1x1x200x128xf32, #tpu.memory_space<vmem>> -> memref<1x200x128xf32, #tpu.memory_space<vmem>>
            %dma_wait3A_201 = arith.constant 0 : i32
            %dma_wait3A_202 = arith.constant 0 : i32
            %dma_wait3A_203 = arith.constant 0 : i32
            %dma_wait3A_204 = tpu.memref_slice %arg4[%dma_wait3A_201, %dma_wait3A_202, %dma_wait3A_203] : memref<4096x200x128xf32, #tpu.memory_space<hbm>> -> memref<1x200x128xf32, #tpu.memory_space<hbm>>
            %dma_wait3A_205 = arith.constant 0 : i32
            %dma_wait3A_206 = arith.constant 0 : i32
            %dma_wait3A_207 = arith.constant 0 : i32
            %dma_wait3A_208 = tpu.memref_slice %arg4[%dma_wait3A_205, %dma_wait3A_206, %dma_wait3A_207] : memref<4096x200x128xf32, #tpu.memory_space<hbm>> -> memref<1x200x128xf32, #tpu.memory_space<hbm>>
            %dma_wait3A_209 = arith.constant 0 : i32
            %dma_wait3A_210 = arith.constant 0 : i32
            %dma_wait3A_211 = arith.constant 0 : i32
            %dma_wait3A_212 = tpu.memref_slice %arg6[%dma_wait3A_195, %dma_wait3A_209, %dma_wait3A_210, %dma_wait3A_211] : memref<3x1x200x128xf32, #tpu.memory_space<vmem>> -> memref<1x1x200x128xf32, #tpu.memory_space<vmem>>
            %dma_wait3A_213 = tpu.memref_squeeze %dma_wait3A_212 : memref<1x1x200x128xf32, #tpu.memory_space<vmem>> -> memref<1x200x128xf32, #tpu.memory_space<vmem>>
            tpu.wait_dma2 semaphore(%arg12 : memref<!tpu.dma_semaphore, #tpu.memory_space<semaphore_mem>>) src(%dma_wait3A_213 : memref<1x200x128xf32, #tpu.memory_space<vmem>>) dst(%dma_wait3A_208 : memref<1x200x128xf32, #tpu.memory_space<hbm>>)
          } else {
          }
          %add3A_161 = arith.constant 2 : i32
          %add3A_162 = arith.addi %scan3A_96, %add3A_161 : i32
          %mul3A_163 = arith.constant 1 : i32
          %mul3A_164 = arith.muli %add3A_162, %mul3A_163 : i32
          %add3A_165 = arith.constant 0 : i32
          %add3A_166 = arith.addi %mul3A_164, %add3A_165 : i32
          %dma_start3A_167 = arith.constant 2 : i32
          %dma_start3A_168 = arith.constant 0 : i32
          %dma_start3A_169 = arith.constant 0 : i32
          %dma_start3A_170 = arith.constant 0 : i32
          %dma_start3A_171 = tpu.memref_slice %arg6[%dma_start3A_167, %dma_start3A_168, %dma_start3A_169, %dma_start3A_170] : memref<3x1x200x128xf32, #tpu.memory_space<vmem>> -> memref<1x1x128x128xf32, #tpu.memory_space<vmem>>
          %dma_start3A_172 = tpu.memref_squeeze %dma_start3A_171 : memref<1x1x128x128xf32, #tpu.memory_space<vmem>> -> memref<128x128xf32, #tpu.memory_space<vmem>>
          %dma_start3A_173 = arith.constant 0 : i32
          %dma_start3A_174 = tpu.memref_slice %arg5[%add3A_166, %dma_start3A_173] : memref<128x200xi32, #tpu.memory_space<vmem>> -> memref<1x128xi32, #tpu.memory_space<vmem>>
          %dma_start3A_175 = tpu.memref_squeeze %dma_start3A_174 : memref<1x128xi32, #tpu.memory_space<vmem>> -> memref<128xi32, #tpu.memory_space<vmem>>
          %dma_start3A_176 = arith.constant 0 : i32
          %dma_start3A_177 = arith.constant 0 : i32
          %dma_start3A_178 = tpu.memref_slice %arg3[%dma_start3A_176, %dma_start3A_177] : memref<1000000x128xf32, #tpu.memory_space<hbm>> -> memref<1000000x128xf32, #tpu.memory_space<hbm>>
          tpu.enqueue_indirect_dma source(%dma_start3A_178 : memref<1000000x128xf32, #tpu.memory_space<hbm>>) target(%dma_start3A_172 : memref<128x128xf32, #tpu.memory_space<vmem>>) offsets(%dma_start3A_175 : memref<128xi32, #tpu.memory_space<vmem>>) semaphore(%arg9 : memref<!tpu.dma_semaphore, #tpu.memory_space<semaphore_mem>>)
          %mul3A_179 = arith.constant 1 : i32
          %mul3A_180 = arith.muli %add3A_162, %mul3A_179 : i32
          %add3A_181 = arith.constant 0 : i32
          %add3A_182 = arith.addi %mul3A_180, %add3A_181 : i32
          %dma_start3A_183 = arith.constant 2 : i32
          %dma_start3A_184 = arith.constant 0 : i32
          %dma_start3A_185 = arith.constant 128 : i32
          %dma_start3A_186 = arith.constant 0 : i32
          %dma_start3A_187 = tpu.memref_slice %arg6[%dma_start3A_183, %dma_start3A_184, %dma_start3A_185, %dma_start3A_186] : memref<3x1x200x128xf32, #tpu.memory_space<vmem>> -> memref<1x1x72x128xf32, #tpu.memory_space<vmem>>
          %dma_start3A_188 = tpu.memref_squeeze %dma_start3A_187 : memref<1x1x72x128xf32, #tpu.memory_space<vmem>> -> memref<72x128xf32, #tpu.memory_space<vmem>>
          %dma_start3A_189 = arith.constant 128 : i32
          %dma_start3A_190 = tpu.memref_slice %arg5[%add3A_182, %dma_start3A_189] : memref<128x200xi32, #tpu.memory_space<vmem>> -> memref<1x72xi32, #tpu.memory_space<vmem>>
          %dma_start3A_191 = tpu.memref_squeeze %dma_start3A_190 : memref<1x72xi32, #tpu.memory_space<vmem>> -> memref<72xi32, #tpu.memory_space<vmem>>
          %dma_start3A_192 = arith.constant 0 : i32
          %dma_start3A_193 = arith.constant 0 : i32
          %dma_start3A_194 = tpu.memref_slice %arg3[%dma_start3A_192, %dma_start3A_193] : memref<1000000x128xf32, #tpu.memory_space<hbm>> -> memref<1000000x128xf32, #tpu.memory_space<hbm>>
          tpu.enqueue_indirect_dma source(%dma_start3A_194 : memref<1000000x128xf32, #tpu.memory_space<hbm>>) target(%dma_start3A_188 : memref<72x128xf32, #tpu.memory_space<vmem>>) offsets(%dma_start3A_191 : memref<72xi32, #tpu.memory_space<vmem>>) semaphore(%arg9 : memref<!tpu.dma_semaphore, #tpu.memory_space<semaphore_mem>>)
        } else {
        }
        %mul3A_137 = arith.constant 1 : i32
        %mul3A_138 = arith.muli %scan3A_96, %mul3A_137 : i32
        %add3A_139 = arith.addi %mul3A_2, %mul3A_138 : i32
        %dma_start3A_140 = arith.constant 0 : i32
        %dma_start3A_141 = arith.constant 0 : i32
        %dma_start3A_142 = arith.constant 0 : i32
        %dma_start3A_143 = arith.constant 0 : i32
        %dma_start3A_144 = tpu.memref_slice %arg6[%dma_start3A_140, %dma_start3A_141, %dma_start3A_142, %dma_start3A_143] : memref<3x1x200x128xf32, #tpu.memory_space<vmem>> -> memref<1x1x200x128xf32, #tpu.memory_space<vmem>>
        %dma_start3A_145 = tpu.memref_squeeze %dma_start3A_144 : memref<1x1x200x128xf32, #tpu.memory_space<vmem>> -> memref<1x200x128xf32, #tpu.memory_space<vmem>>
        %dma_start3A_146 = arith.constant 0 : i32
        %dma_start3A_147 = arith.constant 0 : i32
        %dma_start3A_148 = tpu.memref_slice %arg4[%add3A_139, %dma_start3A_146, %dma_start3A_147] : memref<4096x200x128xf32, #tpu.memory_space<hbm>> -> memref<1x200x128xf32, #tpu.memory_space<hbm>>
        %dma_start3A_149 = arith.constant 0 : i32
        %dma_start3A_150 = arith.constant 0 : i32
        %dma_start3A_151 = tpu.memref_slice %arg4[%add3A_139, %dma_start3A_149, %dma_start3A_150] : memref<4096x200x128xf32, #tpu.memory_space<hbm>> -> memref<1x200x128xf32, #tpu.memory_space<hbm>>
        %dma_start3A_152 = arith.constant 0 : i32
        %dma_start3A_153 = arith.constant 0 : i32
        %dma_start3A_154 = arith.constant 0 : i32
        %dma_start3A_155 = tpu.memref_slice %arg6[%dma_start3A_140, %dma_start3A_152, %dma_start3A_153, %dma_start3A_154] : memref<3x1x200x128xf32, #tpu.memory_space<vmem>> -> memref<1x1x200x128xf32, #tpu.memory_space<vmem>>
        %dma_start3A_156 = tpu.memref_squeeze %dma_start3A_155 : memref<1x1x200x128xf32, #tpu.memory_space<vmem>> -> memref<1x200x128xf32, #tpu.memory_space<vmem>>
        tpu.enqueue_dma source(%dma_start3A_156 : memref<1x200x128xf32, #tpu.memory_space<vmem>>) target(%dma_start3A_151 : memref<1x200x128xf32, #tpu.memory_space<hbm>>) target_semaphore(%arg10 : memref<!tpu.dma_semaphore, #tpu.memory_space<semaphore_mem>>)
      } else {
      }
      %rem3A_100 = arith.constant 3 : i32
      %rem3A_101 = arith.remsi %scan3A_96, %rem3A_100 : i32
      %eq3A_102 = arith.constant 1 : i32
      %eq3A_103 = arith.cmpi eq, %rem3A_101, %eq3A_102 : i32
      %convert_element_type3A_104 = arith.extui %eq3A_103 : i1 to i32
      %cond3A_105 = arith.constant 0 : i32
      %cond3A_106 = arith.cmpi ne, %convert_element_type3A_104, %cond3A_105 : i32
      scf.if %cond3A_106 {
        %dma_wait3A_114 = arith.constant 0 : i32
        %dma_wait3A_115 = arith.constant 0 : i32
        %dma_wait3A_116 = arith.constant 0 : i32
        %dma_wait3A_117 = arith.constant 0 : i32
        %dma_wait3A_118 = tpu.memref_slice %arg6[%dma_wait3A_114, %dma_wait3A_115, %dma_wait3A_116, %dma_wait3A_117] : memref<3x1x200x128xf32, #tpu.memory_space<vmem>> -> memref<1x1x200x128xf32, #tpu.memory_space<vmem>>
        %dma_wait3A_119 = tpu.memref_squeeze %dma_wait3A_118 : memref<1x1x200x128xf32, #tpu.memory_space<vmem>> -> memref<1x200x128xf32, #tpu.memory_space<vmem>>
        %dma_wait3A_120 = arith.constant 0 : i32
        %dma_wait3A_121 = arith.constant 0 : i32
        %dma_wait3A_122 = tpu.memref_slice %arg3[%dma_wait3A_120, %dma_wait3A_121] : memref<1000000x128xf32, #tpu.memory_space<hbm>> -> memref<200x128xf32, #tpu.memory_space<hbm>>
        %dma_wait3A_123 = arith.constant 0 : i32
        %dma_wait3A_124 = arith.constant 0 : i32
        %dma_wait3A_125 = arith.constant 0 : i32
        %dma_wait3A_126 = tpu.memref_slice %arg6[%dma_wait3A_114, %dma_wait3A_123, %dma_wait3A_124, %dma_wait3A_125] : memref<3x1x200x128xf32, #tpu.memory_space<vmem>> -> memref<1x1x200x128xf32, #tpu.memory_space<vmem>>
        %dma_wait3A_127 = tpu.memref_squeeze %dma_wait3A_126 : memref<1x1x200x128xf32, #tpu.memory_space<vmem>> -> memref<1x200x128xf32, #tpu.memory_space<vmem>>
        %dma_wait3A_128 = arith.constant 0 : i32
        %dma_wait3A_129 = arith.constant 0 : i32
        %dma_wait3A_130 = tpu.memref_slice %arg3[%dma_wait3A_128, %dma_wait3A_129] : memref<1000000x128xf32, #tpu.memory_space<hbm>> -> memref<200x128xf32, #tpu.memory_space<hbm>>
        tpu.wait_dma2 semaphore(%arg8 : memref<!tpu.dma_semaphore, #tpu.memory_space<semaphore_mem>>) src(%dma_wait3A_130 : memref<200x128xf32, #tpu.memory_space<hbm>>) dst(%dma_wait3A_127 : memref<1x200x128xf32, #tpu.memory_space<vmem>>)
        %add3A_131 = arith.constant 2 : i32
        %add3A_132 = arith.addi %scan3A_96, %add3A_131 : i32
        %lt3A = arith.constant 128 : i32
        %lt3A_133 = arith.cmpi slt, %add3A_132, %lt3A : i32
        %convert_element_type3A_134 = arith.extui %lt3A_133 : i1 to i32
        %cond3A_135 = arith.constant 0 : i32
        %cond3A_136 = arith.cmpi ne, %convert_element_type3A_134, %cond3A_135 : i32
        scf.if %cond3A_136 {
          %ge3A = arith.constant 1 : i32
          %ge3A_157 = arith.cmpi sge, %scan3A_96, %ge3A : i32
          %convert_element_type3A_158 = arith.extui %ge3A_157 : i1 to i32
          %cond3A_159 = arith.constant 0 : i32
          %cond3A_160 = arith.cmpi ne, %convert_element_type3A_158, %cond3A_159 : i32
          scf.if %cond3A_160 {
            %dma_wait3A_195 = arith.constant 0 : i32
            %dma_wait3A_196 = arith.constant 0 : i32
            %dma_wait3A_197 = arith.constant 0 : i32
            %dma_wait3A_198 = arith.constant 0 : i32
            %dma_wait3A_199 = tpu.memref_slice %arg6[%dma_wait3A_195, %dma_wait3A_196, %dma_wait3A_197, %dma_wait3A_198] : memref<3x1x200x128xf32, #tpu.memory_space<vmem>> -> memref<1x1x200x128xf32, #tpu.memory_space<vmem>>
            %dma_wait3A_200 = tpu.memref_squeeze %dma_wait3A_199 : memref<1x1x200x128xf32, #tpu.memory_space<vmem>> -> memref<1x200x128xf32, #tpu.memory_space<vmem>>
            %dma_wait3A_201 = arith.constant 0 : i32
            %dma_wait3A_202 = arith.constant 0 : i32
            %dma_wait3A_203 = arith.constant 0 : i32
            %dma_wait3A_204 = tpu.memref_slice %arg4[%dma_wait3A_201, %dma_wait3A_202, %dma_wait3A_203] : memref<4096x200x128xf32, #tpu.memory_space<hbm>> -> memref<1x200x128xf32, #tpu.memory_space<hbm>>
            %dma_wait3A_205 = arith.constant 0 : i32
            %dma_wait3A_206 = arith.constant 0 : i32
            %dma_wait3A_207 = arith.constant 0 : i32
            %dma_wait3A_208 = tpu.memref_slice %arg4[%dma_wait3A_205, %dma_wait3A_206, %dma_wait3A_207] : memref<4096x200x128xf32, #tpu.memory_space<hbm>> -> memref<1x200x128xf32, #tpu.memory_space<hbm>>
            %dma_wait3A_209 = arith.constant 0 : i32
            %dma_wait3A_210 = arith.constant 0 : i32
            %dma_wait3A_211 = arith.constant 0 : i32
            %dma_wait3A_212 = tpu.memref_slice %arg6[%dma_wait3A_195, %dma_wait3A_209, %dma_wait3A_210, %dma_wait3A_211] : memref<3x1x200x128xf32, #tpu.memory_space<vmem>> -> memref<1x1x200x128xf32, #tpu.memory_space<vmem>>
            %dma_wait3A_213 = tpu.memref_squeeze %dma_wait3A_212 : memref<1x1x200x128xf32, #tpu.memory_space<vmem>> -> memref<1x200x128xf32, #tpu.memory_space<vmem>>
            tpu.wait_dma2 semaphore(%arg10 : memref<!tpu.dma_semaphore, #tpu.memory_space<semaphore_mem>>) src(%dma_wait3A_213 : memref<1x200x128xf32, #tpu.memory_space<vmem>>) dst(%dma_wait3A_208 : memref<1x200x128xf32, #tpu.memory_space<hbm>>)
          } else {
          }
          %add3A_161 = arith.constant 2 : i32
          %add3A_162 = arith.addi %scan3A_96, %add3A_161 : i32
          %mul3A_163 = arith.constant 1 : i32
          %mul3A_164 = arith.muli %add3A_162, %mul3A_163 : i32
          %add3A_165 = arith.constant 0 : i32
          %add3A_166 = arith.addi %mul3A_164, %add3A_165 : i32
          %dma_start3A_167 = arith.constant 0 : i32
          %dma_start3A_168 = arith.constant 0 : i32
          %dma_start3A_169 = arith.constant 0 : i32
          %dma_start3A_170 = arith.constant 0 : i32
          %dma_start3A_171 = tpu.memref_slice %arg6[%dma_start3A_167, %dma_start3A_168, %dma_start3A_169, %dma_start3A_170] : memref<3x1x200x128xf32, #tpu.memory_space<vmem>> -> memref<1x1x128x128xf32, #tpu.memory_space<vmem>>
          %dma_start3A_172 = tpu.memref_squeeze %dma_start3A_171 : memref<1x1x128x128xf32, #tpu.memory_space<vmem>> -> memref<128x128xf32, #tpu.memory_space<vmem>>
          %dma_start3A_173 = arith.constant 0 : i32
          %dma_start3A_174 = tpu.memref_slice %arg5[%add3A_166, %dma_start3A_173] : memref<128x200xi32, #tpu.memory_space<vmem>> -> memref<1x128xi32, #tpu.memory_space<vmem>>
          %dma_start3A_175 = tpu.memref_squeeze %dma_start3A_174 : memref<1x128xi32, #tpu.memory_space<vmem>> -> memref<128xi32, #tpu.memory_space<vmem>>
          %dma_start3A_176 = arith.constant 0 : i32
          %dma_start3A_177 = arith.constant 0 : i32
          %dma_start3A_178 = tpu.memref_slice %arg3[%dma_start3A_176, %dma_start3A_177] : memref<1000000x128xf32, #tpu.memory_space<hbm>> -> memref<1000000x128xf32, #tpu.memory_space<hbm>>
          tpu.enqueue_indirect_dma source(%dma_start3A_178 : memref<1000000x128xf32, #tpu.memory_space<hbm>>) target(%dma_start3A_172 : memref<128x128xf32, #tpu.memory_space<vmem>>) offsets(%dma_start3A_175 : memref<128xi32, #tpu.memory_space<vmem>>) semaphore(%arg7 : memref<!tpu.dma_semaphore, #tpu.memory_space<semaphore_mem>>)
          %mul3A_179 = arith.constant 1 : i32
          %mul3A_180 = arith.muli %add3A_162, %mul3A_179 : i32
          %add3A_181 = arith.constant 0 : i32
          %add3A_182 = arith.addi %mul3A_180, %add3A_181 : i32
          %dma_start3A_183 = arith.constant 0 : i32
          %dma_start3A_184 = arith.constant 0 : i32
          %dma_start3A_185 = arith.constant 128 : i32
          %dma_start3A_186 = arith.constant 0 : i32
          %dma_start3A_187 = tpu.memref_slice %arg6[%dma_start3A_183, %dma_start3A_184, %dma_start3A_185, %dma_start3A_186] : memref<3x1x200x128xf32, #tpu.memory_space<vmem>> -> memref<1x1x72x128xf32, #tpu.memory_space<vmem>>
          %dma_start3A_188 = tpu.memref_squeeze %dma_start3A_187 : memref<1x1x72x128xf32, #tpu.memory_space<vmem>> -> memref<72x128xf32, #tpu.memory_space<vmem>>
          %dma_start3A_189 = arith.constant 128 : i32
          %dma_start3A_190 = tpu.memref_slice %arg5[%add3A_182, %dma_start3A_189] : memref<128x200xi32, #tpu.memory_space<vmem>> -> memref<1x72xi32, #tpu.memory_space<vmem>>
          %dma_start3A_191 = tpu.memref_squeeze %dma_start3A_190 : memref<1x72xi32, #tpu.memory_space<vmem>> -> memref<72xi32, #tpu.memory_space<vmem>>
          %dma_start3A_192 = arith.constant 0 : i32
          %dma_start3A_193 = arith.constant 0 : i32
          %dma_start3A_194 = tpu.memref_slice %arg3[%dma_start3A_192, %dma_start3A_193] : memref<1000000x128xf32, #tpu.memory_space<hbm>> -> memref<1000000x128xf32, #tpu.memory_space<hbm>>
          tpu.enqueue_indirect_dma source(%dma_start3A_194 : memref<1000000x128xf32, #tpu.memory_space<hbm>>) target(%dma_start3A_188 : memref<72x128xf32, #tpu.memory_space<vmem>>) offsets(%dma_start3A_191 : memref<72xi32, #tpu.memory_space<vmem>>) semaphore(%arg7 : memref<!tpu.dma_semaphore, #tpu.memory_space<semaphore_mem>>)
        } else {
        }
        %mul3A_137 = arith.constant 1 : i32
        %mul3A_138 = arith.muli %scan3A_96, %mul3A_137 : i32
        %add3A_139 = arith.addi %mul3A_2, %mul3A_138 : i32
        %dma_start3A_140 = arith.constant 1 : i32
        %dma_start3A_141 = arith.constant 0 : i32
        %dma_start3A_142 = arith.constant 0 : i32
        %dma_start3A_143 = arith.constant 0 : i32
        %dma_start3A_144 = tpu.memref_slice %arg6[%dma_start3A_140, %dma_start3A_141, %dma_start3A_142, %dma_start3A_143] : memref<3x1x200x128xf32, #tpu.memory_space<vmem>> -> memref<1x1x200x128xf32, #tpu.memory_space<vmem>>
        %dma_start3A_145 = tpu.memref_squeeze %dma_start3A_144 : memref<1x1x200x128xf32, #tpu.memory_space<vmem>> -> memref<1x200x128xf32, #tpu.memory_space<vmem>>
        %dma_start3A_146 = arith.constant 0 : i32
        %dma_start3A_147 = arith.constant 0 : i32
        %dma_start3A_148 = tpu.memref_slice %arg4[%add3A_139, %dma_start3A_146, %dma_start3A_147] : memref<4096x200x128xf32, #tpu.memory_space<hbm>> -> memref<1x200x128xf32, #tpu.memory_space<hbm>>
        %dma_start3A_149 = arith.constant 0 : i32
        %dma_start3A_150 = arith.constant 0 : i32
        %dma_start3A_151 = tpu.memref_slice %arg4[%add3A_139, %dma_start3A_149, %dma_start3A_150] : memref<4096x200x128xf32, #tpu.memory_space<hbm>> -> memref<1x200x128xf32, #tpu.memory_space<hbm>>
        %dma_start3A_152 = arith.constant 0 : i32
        %dma_start3A_153 = arith.constant 0 : i32
        %dma_start3A_154 = arith.constant 0 : i32
        %dma_start3A_155 = tpu.memref_slice %arg6[%dma_start3A_140, %dma_start3A_152, %dma_start3A_153, %dma_start3A_154] : memref<3x1x200x128xf32, #tpu.memory_space<vmem>> -> memref<1x1x200x128xf32, #tpu.memory_space<vmem>>
        %dma_start3A_156 = tpu.memref_squeeze %dma_start3A_155 : memref<1x1x200x128xf32, #tpu.memory_space<vmem>> -> memref<1x200x128xf32, #tpu.memory_space<vmem>>
        tpu.enqueue_dma source(%dma_start3A_156 : memref<1x200x128xf32, #tpu.memory_space<vmem>>) target(%dma_start3A_151 : memref<1x200x128xf32, #tpu.memory_space<hbm>>) target_semaphore(%arg11 : memref<!tpu.dma_semaphore, #tpu.memory_space<semaphore_mem>>)
      } else {
      }
      %rem3A_107 = arith.constant 3 : i32
      %rem3A_108 = arith.remsi %scan3A_96, %rem3A_107 : i32
      %eq3A_109 = arith.constant 2 : i32
      %eq3A_110 = arith.cmpi eq, %rem3A_108, %eq3A_109 : i32
      %convert_element_type3A_111 = arith.extui %eq3A_110 : i1 to i32
      %cond3A_112 = arith.constant 0 : i32
      %cond3A_113 = arith.cmpi ne, %convert_element_type3A_111, %cond3A_112 : i32
      scf.if %cond3A_113 {
        %dma_wait3A_114 = arith.constant 0 : i32
        %dma_wait3A_115 = arith.constant 0 : i32
        %dma_wait3A_116 = arith.constant 0 : i32
        %dma_wait3A_117 = arith.constant 0 : i32
        %dma_wait3A_118 = tpu.memref_slice %arg6[%dma_wait3A_114, %dma_wait3A_115, %dma_wait3A_116, %dma_wait3A_117] : memref<3x1x200x128xf32, #tpu.memory_space<vmem>> -> memref<1x1x200x128xf32, #tpu.memory_space<vmem>>
        %dma_wait3A_119 = tpu.memref_squeeze %dma_wait3A_118 : memref<1x1x200x128xf32, #tpu.memory_space<vmem>> -> memref<1x200x128xf32, #tpu.memory_space<vmem>>
        %dma_wait3A_120 = arith.constant 0 : i32
        %dma_wait3A_121 = arith.constant 0 : i32
        %dma_wait3A_122 = tpu.memref_slice %arg3[%dma_wait3A_120, %dma_wait3A_121] : memref<1000000x128xf32, #tpu.memory_space<hbm>> -> memref<200x128xf32, #tpu.memory_space<hbm>>
        %dma_wait3A_123 = arith.constant 0 : i32
        %dma_wait3A_124 = arith.constant 0 : i32
        %dma_wait3A_125 = arith.constant 0 : i32
        %dma_wait3A_126 = tpu.memref_slice %arg6[%dma_wait3A_114, %dma_wait3A_123, %dma_wait3A_124, %dma_wait3A_125] : memref<3x1x200x128xf32, #tpu.memory_space<vmem>> -> memref<1x1x200x128xf32, #tpu.memory_space<vmem>>
        %dma_wait3A_127 = tpu.memref_squeeze %dma_wait3A_126 : memref<1x1x200x128xf32, #tpu.memory_space<vmem>> -> memref<1x200x128xf32, #tpu.memory_space<vmem>>
        %dma_wait3A_128 = arith.constant 0 : i32
        %dma_wait3A_129 = arith.constant 0 : i32
        %dma_wait3A_130 = tpu.memref_slice %arg3[%dma_wait3A_128, %dma_wait3A_129] : memref<1000000x128xf32, #tpu.memory_space<hbm>> -> memref<200x128xf32, #tpu.memory_space<hbm>>
        tpu.wait_dma2 semaphore(%arg9 : memref<!tpu.dma_semaphore, #tpu.memory_space<semaphore_mem>>) src(%dma_wait3A_130 : memref<200x128xf32, #tpu.memory_space<hbm>>) dst(%dma_wait3A_127 : memref<1x200x128xf32, #tpu.memory_space<vmem>>)
        %add3A_131 = arith.constant 2 : i32
        %add3A_132 = arith.addi %scan3A_96, %add3A_131 : i32
        %lt3A = arith.constant 128 : i32
        %lt3A_133 = arith.cmpi slt, %add3A_132, %lt3A : i32
        %convert_element_type3A_134 = arith.extui %lt3A_133 : i1 to i32
        %cond3A_135 = arith.constant 0 : i32
        %cond3A_136 = arith.cmpi ne, %convert_element_type3A_134, %cond3A_135 : i32
        scf.if %cond3A_136 {
          %ge3A = arith.constant 1 : i32
          %ge3A_157 = arith.cmpi sge, %scan3A_96, %ge3A : i32
          %convert_element_type3A_158 = arith.extui %ge3A_157 : i1 to i32
          %cond3A_159 = arith.constant 0 : i32
          %cond3A_160 = arith.cmpi ne, %convert_element_type3A_158, %cond3A_159 : i32
          scf.if %cond3A_160 {
            %dma_wait3A_195 = arith.constant 0 : i32
            %dma_wait3A_196 = arith.constant 0 : i32
            %dma_wait3A_197 = arith.constant 0 : i32
            %dma_wait3A_198 = arith.constant 0 : i32
            %dma_wait3A_199 = tpu.memref_slice %arg6[%dma_wait3A_195, %dma_wait3A_196, %dma_wait3A_197, %dma_wait3A_198] : memref<3x1x200x128xf32, #tpu.memory_space<vmem>> -> memref<1x1x200x128xf32, #tpu.memory_space<vmem>>
            %dma_wait3A_200 = tpu.memref_squeeze %dma_wait3A_199 : memref<1x1x200x128xf32, #tpu.memory_space<vmem>> -> memref<1x200x128xf32, #tpu.memory_space<vmem>>
            %dma_wait3A_201 = arith.constant 0 : i32
            %dma_wait3A_202 = arith.constant 0 : i32
            %dma_wait3A_203 = arith.constant 0 : i32
            %dma_wait3A_204 = tpu.memref_slice %arg4[%dma_wait3A_201, %dma_wait3A_202, %dma_wait3A_203] : memref<4096x200x128xf32, #tpu.memory_space<hbm>> -> memref<1x200x128xf32, #tpu.memory_space<hbm>>
            %dma_wait3A_205 = arith.constant 0 : i32
            %dma_wait3A_206 = arith.constant 0 : i32
            %dma_wait3A_207 = arith.constant 0 : i32
            %dma_wait3A_208 = tpu.memref_slice %arg4[%dma_wait3A_205, %dma_wait3A_206, %dma_wait3A_207] : memref<4096x200x128xf32, #tpu.memory_space<hbm>> -> memref<1x200x128xf32, #tpu.memory_space<hbm>>
            %dma_wait3A_209 = arith.constant 0 : i32
            %dma_wait3A_210 = arith.constant 0 : i32
            %dma_wait3A_211 = arith.constant 0 : i32
            %dma_wait3A_212 = tpu.memref_slice %arg6[%dma_wait3A_195, %dma_wait3A_209, %dma_wait3A_210, %dma_wait3A_211] : memref<3x1x200x128xf32, #tpu.memory_space<vmem>> -> memref<1x1x200x128xf32, #tpu.memory_space<vmem>>
            %dma_wait3A_213 = tpu.memref_squeeze %dma_wait3A_212 : memref<1x1x200x128xf32, #tpu.memory_space<vmem>> -> memref<1x200x128xf32, #tpu.memory_space<vmem>>
            tpu.wait_dma2 semaphore(%arg11 : memref<!tpu.dma_semaphore, #tpu.memory_space<semaphore_mem>>) src(%dma_wait3A_213 : memref<1x200x128xf32, #tpu.memory_space<vmem>>) dst(%dma_wait3A_208 : memref<1x200x128xf32, #tpu.memory_space<hbm>>)
          } else {
          }
          %add3A_161 = arith.constant 2 : i32
          %add3A_162 = arith.addi %scan3A_96, %add3A_161 : i32
          %mul3A_163 = arith.constant 1 : i32
          %mul3A_164 = arith.muli %add3A_162, %mul3A_163 : i32
          %add3A_165 = arith.constant 0 : i32
          %add3A_166 = arith.addi %mul3A_164, %add3A_165 : i32
          %dma_start3A_167 = arith.constant 1 : i32
          %dma_start3A_168 = arith.constant 0 : i32
          %dma_start3A_169 = arith.constant 0 : i32
          %dma_start3A_170 = arith.constant 0 : i32
          %dma_start3A_171 = tpu.memref_slice %arg6[%dma_start3A_167, %dma_start3A_168, %dma_start3A_169, %dma_start3A_170] : memref<3x1x200x128xf32, #tpu.memory_space<vmem>> -> memref<1x1x128x128xf32, #tpu.memory_space<vmem>>
          %dma_start3A_172 = tpu.memref_squeeze %dma_start3A_171 : memref<1x1x128x128xf32, #tpu.memory_space<vmem>> -> memref<128x128xf32, #tpu.memory_space<vmem>>
          %dma_start3A_173 = arith.constant 0 : i32
          %dma_start3A_174 = tpu.memref_slice %arg5[%add3A_166, %dma_start3A_173] : memref<128x200xi32, #tpu.memory_space<vmem>> -> memref<1x128xi32, #tpu.memory_space<vmem>>
          %dma_start3A_175 = tpu.memref_squeeze %dma_start3A_174 : memref<1x128xi32, #tpu.memory_space<vmem>> -> memref<128xi32, #tpu.memory_space<vmem>>
          %dma_start3A_176 = arith.constant 0 : i32
          %dma_start3A_177 = arith.constant 0 : i32
          %dma_start3A_178 = tpu.memref_slice %arg3[%dma_start3A_176, %dma_start3A_177] : memref<1000000x128xf32, #tpu.memory_space<hbm>> -> memref<1000000x128xf32, #tpu.memory_space<hbm>>
          tpu.enqueue_indirect_dma source(%dma_start3A_178 : memref<1000000x128xf32, #tpu.memory_space<hbm>>) target(%dma_start3A_172 : memref<128x128xf32, #tpu.memory_space<vmem>>) offsets(%dma_start3A_175 : memref<128xi32, #tpu.memory_space<vmem>>) semaphore(%arg8 : memref<!tpu.dma_semaphore, #tpu.memory_space<semaphore_mem>>)
          %mul3A_179 = arith.constant 1 : i32
          %mul3A_180 = arith.muli %add3A_162, %mul3A_179 : i32
          %add3A_181 = arith.constant 0 : i32
          %add3A_182 = arith.addi %mul3A_180, %add3A_181 : i32
          %dma_start3A_183 = arith.constant 1 : i32
          %dma_start3A_184 = arith.constant 0 : i32
          %dma_start3A_185 = arith.constant 128 : i32
          %dma_start3A_186 = arith.constant 0 : i32
          %dma_start3A_187 = tpu.memref_slice %arg6[%dma_start3A_183, %dma_start3A_184, %dma_start3A_185, %dma_start3A_186] : memref<3x1x200x128xf32, #tpu.memory_space<vmem>> -> memref<1x1x72x128xf32, #tpu.memory_space<vmem>>
          %dma_start3A_188 = tpu.memref_squeeze %dma_start3A_187 : memref<1x1x72x128xf32, #tpu.memory_space<vmem>> -> memref<72x128xf32, #tpu.memory_space<vmem>>
          %dma_start3A_189 = arith.constant 128 : i32
          %dma_start3A_190 = tpu.memref_slice %arg5[%add3A_182, %dma_start3A_189] : memref<128x200xi32, #tpu.memory_space<vmem>> -> memref<1x72xi32, #tpu.memory_space<vmem>>
          %dma_start3A_191 = tpu.memref_squeeze %dma_start3A_190 : memref<1x72xi32, #tpu.memory_space<vmem>> -> memref<72xi32, #tpu.memory_space<vmem>>
          %dma_start3A_192 = arith.constant 0 : i32
          %dma_start3A_193 = arith.constant 0 : i32
          %dma_start3A_194 = tpu.memref_slice %arg3[%dma_start3A_192, %dma_start3A_193] : memref<1000000x128xf32, #tpu.memory_space<hbm>> -> memref<1000000x128xf32, #tpu.memory_space<hbm>>
          tpu.enqueue_indirect_dma source(%dma_start3A_194 : memref<1000000x128xf32, #tpu.memory_space<hbm>>) target(%dma_start3A_188 : memref<72x128xf32, #tpu.memory_space<vmem>>) offsets(%dma_start3A_191 : memref<72xi32, #tpu.memory_space<vmem>>) semaphore(%arg8 : memref<!tpu.dma_semaphore, #tpu.memory_space<semaphore_mem>>)
        } else {
        }
        %mul3A_137 = arith.constant 1 : i32
        %mul3A_138 = arith.muli %scan3A_96, %mul3A_137 : i32
        %add3A_139 = arith.addi %mul3A_2, %mul3A_138 : i32
        %dma_start3A_140 = arith.constant 2 : i32
        %dma_start3A_141 = arith.constant 0 : i32
        %dma_start3A_142 = arith.constant 0 : i32
        %dma_start3A_143 = arith.constant 0 : i32
        %dma_start3A_144 = tpu.memref_slice %arg6[%dma_start3A_140, %dma_start3A_141, %dma_start3A_142, %dma_start3A_143] : memref<3x1x200x128xf32, #tpu.memory_space<vmem>> -> memref<1x1x200x128xf32, #tpu.memory_space<vmem>>
        %dma_start3A_145 = tpu.memref_squeeze %dma_start3A_144 : memref<1x1x200x128xf32, #tpu.memory_space<vmem>> -> memref<1x200x128xf32, #tpu.memory_space<vmem>>
        %dma_start3A_146 = arith.constant 0 : i32
        %dma_start3A_147 = arith.constant 0 : i32
        %dma_start3A_148 = tpu.memref_slice %arg4[%add3A_139, %dma_start3A_146, %dma_start3A_147] : memref<4096x200x128xf32, #tpu.memory_space<hbm>> -> memref<1x200x128xf32, #tpu.memory_space<hbm>>
        %dma_start3A_149 = arith.constant 0 : i32
        %dma_start3A_150 = arith.constant 0 : i32
        %dma_start3A_151 = tpu.memref_slice %arg4[%add3A_139, %dma_start3A_149, %dma_start3A_150] : memref<4096x200x128xf32, #tpu.memory_space<hbm>> -> memref<1x200x128xf32, #tpu.memory_space<hbm>>
        %dma_start3A_152 = arith.constant 0 : i32
        %dma_start3A_153 = arith.constant 0 : i32
        %dma_start3A_154 = arith.constant 0 : i32
        %dma_start3A_155 = tpu.memref_slice %arg6[%dma_start3A_140, %dma_start3A_152, %dma_start3A_153, %dma_start3A_154] : memref<3x1x200x128xf32, #tpu.memory_space<vmem>> -> memref<1x1x200x128xf32, #tpu.memory_space<vmem>>
        %dma_start3A_156 = tpu.memref_squeeze %dma_start3A_155 : memref<1x1x200x128xf32, #tpu.memory_space<vmem>> -> memref<1x200x128xf32, #tpu.memory_space<vmem>>
        tpu.enqueue_dma source(%dma_start3A_156 : memref<1x200x128xf32, #tpu.memory_space<vmem>>) target(%dma_start3A_151 : memref<1x200x128xf32, #tpu.memory_space<hbm>>) target_semaphore(%arg12 : memref<!tpu.dma_semaphore, #tpu.memory_space<semaphore_mem>>)
      } else {
      }
    }
    %scan3A_58 = arith.constant 128 : i32
    %dma_wait3A = arith.constant 0 : i32
    %dma_wait3A_59 = arith.constant 0 : i32
    %dma_wait3A_60 = arith.constant 0 : i32
    %dma_wait3A_61 = arith.constant 0 : i32
    %dma_wait3A_62 = tpu.memref_slice %arg6[%dma_wait3A, %dma_wait3A_59, %dma_wait3A_60, %dma_wait3A_61] : memref<3x1x200x128xf32, #tpu.memory_space<vmem>> -> memref<1x1x200x128xf32, #tpu.memory_space<vmem>>
    %dma_wait3A_63 = tpu.memref_squeeze %dma_wait3A_62 : memref<1x1x200x128xf32, #tpu.memory_space<vmem>> -> memref<1x200x128xf32, #tpu.memory_space<vmem>>
    %dma_wait3A_64 = arith.constant 0 : i32
    %dma_wait3A_65 = arith.constant 0 : i32
    %dma_wait3A_66 = arith.constant 0 : i32
    %dma_wait3A_67 = tpu.memref_slice %arg4[%dma_wait3A_64, %dma_wait3A_65, %dma_wait3A_66] : memref<4096x200x128xf32, #tpu.memory_space<hbm>> -> memref<1x200x128xf32, #tpu.memory_space<hbm>>
    %dma_wait3A_68 = arith.constant 0 : i32
    %dma_wait3A_69 = arith.constant 0 : i32
    %dma_wait3A_70 = arith.constant 0 : i32
    %dma_wait3A_71 = tpu.memref_slice %arg4[%dma_wait3A_68, %dma_wait3A_69, %dma_wait3A_70] : memref<4096x200x128xf32, #tpu.memory_space<hbm>> -> memref<1x200x128xf32, #tpu.memory_space<hbm>>
    %dma_wait3A_72 = arith.constant 0 : i32
    %dma_wait3A_73 = arith.constant 0 : i32
    %dma_wait3A_74 = arith.constant 0 : i32
    %dma_wait3A_75 = tpu.memref_slice %arg6[%dma_wait3A, %dma_wait3A_72, %dma_wait3A_73, %dma_wait3A_74] : memref<3x1x200x128xf32, #tpu.memory_space<vmem>> -> memref<1x1x200x128xf32, #tpu.memory_space<vmem>>
    %dma_wait3A_76 = tpu.memref_squeeze %dma_wait3A_75 : memref<1x1x200x128xf32, #tpu.memory_space<vmem>> -> memref<1x200x128xf32, #tpu.memory_space<vmem>>
    tpu.wait_dma2 semaphore(%arg10 : memref<!tpu.dma_semaphore, #tpu.memory_space<semaphore_mem>>) src(%dma_wait3A_76 : memref<1x200x128xf32, #tpu.memory_space<vmem>>) dst(%dma_wait3A_71 : memref<1x200x128xf32, #tpu.memory_space<hbm>>)
    %dma_wait3A_77 = arith.constant 0 : i32
    %dma_wait3A_78 = arith.constant 0 : i32
    %dma_wait3A_79 = arith.constant 0 : i32
    %dma_wait3A_80 = arith.constant 0 : i32
    %dma_wait3A_81 = tpu.memref_slice %arg6[%dma_wait3A_77, %dma_wait3A_78, %dma_wait3A_79, %dma_wait3A_80] : memref<3x1x200x128xf32, #tpu.memory_space<vmem>> -> memref<1x1x200x128xf32, #tpu.memory_space<vmem>>
    %dma_wait3A_82 = tpu.memref_squeeze %dma_wait3A_81 : memref<1x1x200x128xf32, #tpu.memory_space<vmem>> -> memref<1x200x128xf32, #tpu.memory_space<vmem>>
    %dma_wait3A_83 = arith.constant 0 : i32
    %dma_wait3A_84 = arith.constant 0 : i32
    %dma_wait3A_85 = arith.constant 0 : i32
    %dma_wait3A_86 = tpu.memref_slice %arg4[%dma_wait3A_83, %dma_wait3A_84, %dma_wait3A_85] : memref<4096x200x128xf32, #tpu.memory_space<hbm>> -> memref<1x200x128xf32, #tpu.memory_space<hbm>>
    %dma_wait3A_87 = arith.constant 0 : i32
    %dma_wait3A_88 = arith.constant 0 : i32
    %dma_wait3A_89 = arith.constant 0 : i32
    %dma_wait3A_90 = tpu.memref_slice %arg4[%dma_wait3A_87, %dma_wait3A_88, %dma_wait3A_89] : memref<4096x200x128xf32, #tpu.memory_space<hbm>> -> memref<1x200x128xf32, #tpu.memory_space<hbm>>
    %dma_wait3A_91 = arith.constant 0 : i32
    %dma_wait3A_92 = arith.constant 0 : i32
    %dma_wait3A_93 = arith.constant 0 : i32
    %dma_wait3A_94 = tpu.memref_slice %arg6[%dma_wait3A_77, %dma_wait3A_91, %dma_wait3A_92, %dma_wait3A_93] : memref<3x1x200x128xf32, #tpu.memory_space<vmem>> -> memref<1x1x200x128xf32, #tpu.memory_space<vmem>>
    %dma_wait3A_95 = tpu.memref_squeeze %dma_wait3A_94 : memref<1x1x200x128xf32, #tpu.memory_space<vmem>> -> memref<1x200x128xf32, #tpu.memory_space<vmem>>
    tpu.wait_dma2 semaphore(%arg11 : memref<!tpu.dma_semaphore, #tpu.memory_space<semaphore_mem>>) src(%dma_wait3A_95 : memref<1x200x128xf32, #tpu.memory_space<vmem>>) dst(%dma_wait3A_90 : memref<1x200x128xf32, #tpu.memory_space<hbm>>)
    return
  }
}

#map = affine_map<(d0, d1) -> (0, 0)>
module attributes {stable_mosaic.version = 14 : i64} {
  func.func @_relayout(%arg0: i32, %arg1: i32, %arg2: memref<64x1000000xf32, #tpu.memory_space<hbm>>, %arg3: memref<64x64xf32, #tpu.memory_space<hbm>>, %arg4: memref<1000000x128xf32, #tpu.memory_space<hbm>>, %arg5: memref<192x128xf32, #tpu.memory_space<vmem>>, %arg6: memref<384x128xf32, #tpu.memory_space<vmem>>, %arg7: memref<64x64xf32, #tpu.memory_space<vmem>>, %arg8: memref<!tpu.dma_semaphore, #tpu.memory_space<semaphore_mem>>, %arg9: memref<!tpu.dma_semaphore, #tpu.memory_space<semaphore_mem>>, %arg10: memref<!tpu.dma_semaphore, #tpu.memory_space<semaphore_mem>>, %arg11: memref<!tpu.dma_semaphore, #tpu.memory_space<semaphore_mem>>, %arg12: memref<!tpu.dma_semaphore, #tpu.memory_space<semaphore_mem>>, %arg13: memref<!tpu.dma_semaphore, #tpu.memory_space<semaphore_mem>>) attributes {dimension_semantics = [#tpu.dimension_semantics<core_parallel>, #tpu.dimension_semantics<subcore_parallel>], iteration_bounds = array<i64: 2, 16>, scalar_prefetch = 0 : i64, scratch_operands = 9 : i64, tpu.core_type = #tpu.core_type<sc_vector_subcore>, window_params = [{transform_indices = #map}, {transform_indices = #map}, {transform_indices = #map}]} {
    %mul3A = arith.constant 2 : i32
    %mul3A_0 = arith.muli %arg1, %mul3A : i32
    %add3A = arith.addi %mul3A_0, %arg0 : i32
    %mul3A_1 = arith.constant 244 : i32
    %mul3A_2 = arith.muli %add3A, %mul3A_1 : i32
    %min3A = arith.constant 4 : i32
    %min3A_3 = arith.minsi %add3A, %min3A : i32
    %add3A_4 = arith.addi %mul3A_2, %min3A_3 : i32
    %lt3A = arith.constant 4 : i32
    %lt3A_5 = arith.cmpi slt, %add3A, %lt3A : i32
    %convert_element_type3A = arith.extui %lt3A_5 : i1 to i32
    %add3A_6 = arith.constant 244 : i32
    %add3A_7 = arith.addi %add3A_6, %convert_element_type3A : i32
    %iota3A = tpu.iota {dimensions = array<i32: 0>} : vector<16xi32>
    %ge3A = arith.constant 1 : i32
    %ge3A_8 = arith.cmpi sge, %add3A_7, %ge3A : i32
    %convert_element_type3A_9 = arith.extui %ge3A_8 : i1 to i32
    %cond3A = arith.constant 0 : i32
    %cond3A_10 = arith.cmpi ne, %convert_element_type3A_9, %cond3A : i32
    scf.if %cond3A_10 {
      %add3A_41 = arith.constant 0 : i32
      %add3A_42 = arith.addi %add3A_4, %add3A_41 : i32
      %mul3A_43 = arith.constant 128 : i32
      %mul3A_44 = arith.muli %add3A_42, %mul3A_43 : i32
      %dma_start3A = arith.constant 0 : i32
      %dma_start3A_45 = arith.constant 0 : i32
      %dma_start3A_46 = tpu.memref_slice %arg5[%dma_start3A, %dma_start3A_45] : memref<192x128xf32, #tpu.memory_space<vmem>> -> memref<64x128xf32, #tpu.memory_space<vmem>>
      %dma_start3A_47 = arith.constant 0 : i32
      %dma_start3A_48 = tpu.memref_slice %arg2[%dma_start3A_47, %mul3A_44] : memref<64x1000000xf32, #tpu.memory_space<hbm>> -> memref<64x128xf32, #tpu.memory_space<hbm>>
      %dma_start3A_49 = arith.constant 0 : i32
      %dma_start3A_50 = arith.constant 0 : i32
      %dma_start3A_51 = tpu.memref_slice %arg5[%dma_start3A_49, %dma_start3A_50] : memref<192x128xf32, #tpu.memory_space<vmem>> -> memref<64x128xf32, #tpu.memory_space<vmem>>
      %dma_start3A_52 = arith.constant 0 : i32
      %dma_start3A_53 = tpu.memref_slice %arg2[%dma_start3A_52, %mul3A_44] : memref<64x1000000xf32, #tpu.memory_space<hbm>> -> memref<64x128xf32, #tpu.memory_space<hbm>>
      tpu.enqueue_dma source(%dma_start3A_53 : memref<64x128xf32, #tpu.memory_space<hbm>>) target(%dma_start3A_51 : memref<64x128xf32, #tpu.memory_space<vmem>>) target_semaphore(%arg8 : memref<!tpu.dma_semaphore, #tpu.memory_space<semaphore_mem>>)
    } else {
    }
    %ge3A_11 = arith.constant 2 : i32
    %ge3A_12 = arith.cmpi sge, %add3A_7, %ge3A_11 : i32
    %convert_element_type3A_13 = arith.extui %ge3A_12 : i1 to i32
    %cond3A_14 = arith.constant 0 : i32
    %cond3A_15 = arith.cmpi ne, %convert_element_type3A_13, %cond3A_14 : i32
    scf.if %cond3A_15 {
      %add3A_41 = arith.constant 1 : i32
      %add3A_42 = arith.addi %add3A_4, %add3A_41 : i32
      %mul3A_43 = arith.constant 128 : i32
      %mul3A_44 = arith.muli %add3A_42, %mul3A_43 : i32
      %dma_start3A = arith.constant 64 : i32
      %dma_start3A_45 = arith.constant 0 : i32
      %dma_start3A_46 = tpu.memref_slice %arg5[%dma_start3A, %dma_start3A_45] : memref<192x128xf32, #tpu.memory_space<vmem>> -> memref<64x128xf32, #tpu.memory_space<vmem>>
      %dma_start3A_47 = arith.constant 0 : i32
      %dma_start3A_48 = tpu.memref_slice %arg2[%dma_start3A_47, %mul3A_44] : memref<64x1000000xf32, #tpu.memory_space<hbm>> -> memref<64x128xf32, #tpu.memory_space<hbm>>
      %dma_start3A_49 = arith.constant 64 : i32
      %dma_start3A_50 = arith.constant 0 : i32
      %dma_start3A_51 = tpu.memref_slice %arg5[%dma_start3A_49, %dma_start3A_50] : memref<192x128xf32, #tpu.memory_space<vmem>> -> memref<64x128xf32, #tpu.memory_space<vmem>>
      %dma_start3A_52 = arith.constant 0 : i32
      %dma_start3A_53 = tpu.memref_slice %arg2[%dma_start3A_52, %mul3A_44] : memref<64x1000000xf32, #tpu.memory_space<hbm>> -> memref<64x128xf32, #tpu.memory_space<hbm>>
      tpu.enqueue_dma source(%dma_start3A_53 : memref<64x128xf32, #tpu.memory_space<hbm>>) target(%dma_start3A_51 : memref<64x128xf32, #tpu.memory_space<vmem>>) target_semaphore(%arg9 : memref<!tpu.dma_semaphore, #tpu.memory_space<semaphore_mem>>)
    } else {
    }
    %while3A = arith.constant 0 : i32
    %while3A_16 = arith.constant 0 : i32
    %while3A_17 = arith.subi %add3A_7, %while3A_16 : i32
    %while3A_18 = arith.addi %while3A_16, %while3A_17 : i32
    %while3A_19 = arith.constant 1 : i32
    %while3A_20 = arith.divsi %while3A_17, %while3A_19 : i32
    %while3A_21 = arith.muli %while3A_20, %while3A_19 : i32
    %while3A_22 = arith.addi %while3A_16, %while3A_21 : i32
    %while3A_23 = arith.constant 1 : i32
    scf.for %while3A_41 = %while3A_16 to %while3A_22 step %while3A_23  : i32 {
      %rem3A = arith.constant 3 : i32
      %rem3A_42 = arith.remsi %while3A_41, %rem3A : i32
      %rem3A_43 = arith.constant 3 : i32
      %rem3A_44 = arith.remsi %while3A_41, %rem3A_43 : i32
      %eq3A_45 = arith.constant 0 : i32
      %eq3A_46 = arith.cmpi eq, %rem3A_44, %eq3A_45 : i32
      %convert_element_type3A_47 = arith.extui %eq3A_46 : i1 to i32
      %cond3A_48 = arith.constant 0 : i32
      %cond3A_49 = arith.cmpi ne, %convert_element_type3A_47, %cond3A_48 : i32
      scf.if %cond3A_49 {
        %dma_wait3A = arith.constant 0 : i32
        %dma_wait3A_105 = arith.constant 0 : i32
        %dma_wait3A_106 = tpu.memref_slice %arg5[%dma_wait3A, %dma_wait3A_105] : memref<192x128xf32, #tpu.memory_space<vmem>> -> memref<64x128xf32, #tpu.memory_space<vmem>>
        %dma_wait3A_107 = arith.constant 0 : i32
        %dma_wait3A_108 = arith.constant 0 : i32
        %dma_wait3A_109 = tpu.memref_slice %arg2[%dma_wait3A_107, %dma_wait3A_108] : memref<64x1000000xf32, #tpu.memory_space<hbm>> -> memref<64x128xf32, #tpu.memory_space<hbm>>
        %dma_wait3A_110 = arith.constant 0 : i32
        %dma_wait3A_111 = arith.constant 0 : i32
        %dma_wait3A_112 = tpu.memref_slice %arg5[%dma_wait3A_110, %dma_wait3A_111] : memref<192x128xf32, #tpu.memory_space<vmem>> -> memref<64x128xf32, #tpu.memory_space<vmem>>
        %dma_wait3A_113 = arith.constant 0 : i32
        %dma_wait3A_114 = arith.constant 0 : i32
        %dma_wait3A_115 = tpu.memref_slice %arg2[%dma_wait3A_113, %dma_wait3A_114] : memref<64x1000000xf32, #tpu.memory_space<hbm>> -> memref<64x128xf32, #tpu.memory_space<hbm>>
        tpu.wait_dma2 semaphore(%arg8 : memref<!tpu.dma_semaphore, #tpu.memory_space<semaphore_mem>>) src(%dma_wait3A_115 : memref<64x128xf32, #tpu.memory_space<hbm>>) dst(%dma_wait3A_112 : memref<64x128xf32, #tpu.memory_space<vmem>>)
      } else {
      }
      %rem3A_50 = arith.constant 3 : i32
      %rem3A_51 = arith.remsi %while3A_41, %rem3A_50 : i32
      %eq3A_52 = arith.constant 1 : i32
      %eq3A_53 = arith.cmpi eq, %rem3A_51, %eq3A_52 : i32
      %convert_element_type3A_54 = arith.extui %eq3A_53 : i1 to i32
      %cond3A_55 = arith.constant 0 : i32
      %cond3A_56 = arith.cmpi ne, %convert_element_type3A_54, %cond3A_55 : i32
      scf.if %cond3A_56 {
        %dma_wait3A = arith.constant 0 : i32
        %dma_wait3A_105 = arith.constant 0 : i32
        %dma_wait3A_106 = tpu.memref_slice %arg5[%dma_wait3A, %dma_wait3A_105] : memref<192x128xf32, #tpu.memory_space<vmem>> -> memref<64x128xf32, #tpu.memory_space<vmem>>
        %dma_wait3A_107 = arith.constant 0 : i32
        %dma_wait3A_108 = arith.constant 0 : i32
        %dma_wait3A_109 = tpu.memref_slice %arg2[%dma_wait3A_107, %dma_wait3A_108] : memref<64x1000000xf32, #tpu.memory_space<hbm>> -> memref<64x128xf32, #tpu.memory_space<hbm>>
        %dma_wait3A_110 = arith.constant 0 : i32
        %dma_wait3A_111 = arith.constant 0 : i32
        %dma_wait3A_112 = tpu.memref_slice %arg5[%dma_wait3A_110, %dma_wait3A_111] : memref<192x128xf32, #tpu.memory_space<vmem>> -> memref<64x128xf32, #tpu.memory_space<vmem>>
        %dma_wait3A_113 = arith.constant 0 : i32
        %dma_wait3A_114 = arith.constant 0 : i32
        %dma_wait3A_115 = tpu.memref_slice %arg2[%dma_wait3A_113, %dma_wait3A_114] : memref<64x1000000xf32, #tpu.memory_space<hbm>> -> memref<64x128xf32, #tpu.memory_space<hbm>>
        tpu.wait_dma2 semaphore(%arg9 : memref<!tpu.dma_semaphore, #tpu.memory_space<semaphore_mem>>) src(%dma_wait3A_115 : memref<64x128xf32, #tpu.memory_space<hbm>>) dst(%dma_wait3A_112 : memref<64x128xf32, #tpu.memory_space<vmem>>)
      } else {
      }
      %rem3A_57 = arith.constant 3 : i32
      %rem3A_58 = arith.remsi %while3A_41, %rem3A_57 : i32
      %eq3A_59 = arith.constant 2 : i32
      %eq3A_60 = arith.cmpi eq, %rem3A_58, %eq3A_59 : i32
      %convert_element_type3A_61 = arith.extui %eq3A_60 : i1 to i32
      %cond3A_62 = arith.constant 0 : i32
      %cond3A_63 = arith.cmpi ne, %convert_element_type3A_61, %cond3A_62 : i32
      scf.if %cond3A_63 {
        %dma_wait3A = arith.constant 0 : i32
        %dma_wait3A_105 = arith.constant 0 : i32
        %dma_wait3A_106 = tpu.memref_slice %arg5[%dma_wait3A, %dma_wait3A_105] : memref<192x128xf32, #tpu.memory_space<vmem>> -> memref<64x128xf32, #tpu.memory_space<vmem>>
        %dma_wait3A_107 = arith.constant 0 : i32
        %dma_wait3A_108 = arith.constant 0 : i32
        %dma_wait3A_109 = tpu.memref_slice %arg2[%dma_wait3A_107, %dma_wait3A_108] : memref<64x1000000xf32, #tpu.memory_space<hbm>> -> memref<64x128xf32, #tpu.memory_space<hbm>>
        %dma_wait3A_110 = arith.constant 0 : i32
        %dma_wait3A_111 = arith.constant 0 : i32
        %dma_wait3A_112 = tpu.memref_slice %arg5[%dma_wait3A_110, %dma_wait3A_111] : memref<192x128xf32, #tpu.memory_space<vmem>> -> memref<64x128xf32, #tpu.memory_space<vmem>>
        %dma_wait3A_113 = arith.constant 0 : i32
        %dma_wait3A_114 = arith.constant 0 : i32
        %dma_wait3A_115 = tpu.memref_slice %arg2[%dma_wait3A_113, %dma_wait3A_114] : memref<64x1000000xf32, #tpu.memory_space<hbm>> -> memref<64x128xf32, #tpu.memory_space<hbm>>
        tpu.wait_dma2 semaphore(%arg10 : memref<!tpu.dma_semaphore, #tpu.memory_space<semaphore_mem>>) src(%dma_wait3A_115 : memref<64x128xf32, #tpu.memory_space<hbm>>) dst(%dma_wait3A_112 : memref<64x128xf32, #tpu.memory_space<vmem>>)
      } else {
      }
      %ge3A_64 = arith.constant 3 : i32
      %ge3A_65 = arith.cmpi sge, %while3A_41, %ge3A_64 : i32
      %convert_element_type3A_66 = arith.extui %ge3A_65 : i1 to i32
      %cond3A_67 = arith.constant 0 : i32
      %cond3A_68 = arith.cmpi ne, %convert_element_type3A_66, %cond3A_67 : i32
      scf.if %cond3A_68 {
        %rem3A_105 = arith.constant 3 : i32
        %rem3A_106 = arith.remsi %while3A_41, %rem3A_105 : i32
        %eq3A_107 = arith.constant 0 : i32
        %eq3A_108 = arith.cmpi eq, %rem3A_106, %eq3A_107 : i32
        %convert_element_type3A_109 = arith.extui %eq3A_108 : i1 to i32
        %cond3A_110 = arith.constant 0 : i32
        %cond3A_111 = arith.cmpi ne, %convert_element_type3A_109, %cond3A_110 : i32
        scf.if %cond3A_111 {
          %dma_wait3A = arith.constant 0 : i32
          %dma_wait3A_126 = arith.constant 0 : i32
          %dma_wait3A_127 = tpu.memref_slice %arg6[%dma_wait3A, %dma_wait3A_126] : memref<384x128xf32, #tpu.memory_space<vmem>> -> memref<128x128xf32, #tpu.memory_space<vmem>>
          %dma_wait3A_128 = arith.constant 0 : i32
          %dma_wait3A_129 = arith.constant 0 : i32
          %dma_wait3A_130 = tpu.memref_slice %arg4[%dma_wait3A_128, %dma_wait3A_129] : memref<1000000x128xf32, #tpu.memory_space<hbm>> -> memref<128x128xf32, #tpu.memory_space<hbm>>
          %dma_wait3A_131 = arith.constant 0 : i32
          %dma_wait3A_132 = arith.constant 0 : i32
          %dma_wait3A_133 = tpu.memref_slice %arg4[%dma_wait3A_131, %dma_wait3A_132] : memref<1000000x128xf32, #tpu.memory_space<hbm>> -> memref<128x128xf32, #tpu.memory_space<hbm>>
          %dma_wait3A_134 = arith.constant 0 : i32
          %dma_wait3A_135 = arith.constant 0 : i32
          %dma_wait3A_136 = tpu.memref_slice %arg6[%dma_wait3A_134, %dma_wait3A_135] : memref<384x128xf32, #tpu.memory_space<vmem>> -> memref<128x128xf32, #tpu.memory_space<vmem>>
          tpu.wait_dma2 semaphore(%arg11 : memref<!tpu.dma_semaphore, #tpu.memory_space<semaphore_mem>>) src(%dma_wait3A_136 : memref<128x128xf32, #tpu.memory_space<vmem>>) dst(%dma_wait3A_133 : memref<128x128xf32, #tpu.memory_space<hbm>>)
        } else {
        }
        %rem3A_112 = arith.constant 3 : i32
        %rem3A_113 = arith.remsi %while3A_41, %rem3A_112 : i32
        %eq3A_114 = arith.constant 1 : i32
        %eq3A_115 = arith.cmpi eq, %rem3A_113, %eq3A_114 : i32
        %convert_element_type3A_116 = arith.extui %eq3A_115 : i1 to i32
        %cond3A_117 = arith.constant 0 : i32
        %cond3A_118 = arith.cmpi ne, %convert_element_type3A_116, %cond3A_117 : i32
        scf.if %cond3A_118 {
          %dma_wait3A = arith.constant 0 : i32
          %dma_wait3A_126 = arith.constant 0 : i32
          %dma_wait3A_127 = tpu.memref_slice %arg6[%dma_wait3A, %dma_wait3A_126] : memref<384x128xf32, #tpu.memory_space<vmem>> -> memref<128x128xf32, #tpu.memory_space<vmem>>
          %dma_wait3A_128 = arith.constant 0 : i32
          %dma_wait3A_129 = arith.constant 0 : i32
          %dma_wait3A_130 = tpu.memref_slice %arg4[%dma_wait3A_128, %dma_wait3A_129] : memref<1000000x128xf32, #tpu.memory_space<hbm>> -> memref<128x128xf32, #tpu.memory_space<hbm>>
          %dma_wait3A_131 = arith.constant 0 : i32
          %dma_wait3A_132 = arith.constant 0 : i32
          %dma_wait3A_133 = tpu.memref_slice %arg4[%dma_wait3A_131, %dma_wait3A_132] : memref<1000000x128xf32, #tpu.memory_space<hbm>> -> memref<128x128xf32, #tpu.memory_space<hbm>>
          %dma_wait3A_134 = arith.constant 0 : i32
          %dma_wait3A_135 = arith.constant 0 : i32
          %dma_wait3A_136 = tpu.memref_slice %arg6[%dma_wait3A_134, %dma_wait3A_135] : memref<384x128xf32, #tpu.memory_space<vmem>> -> memref<128x128xf32, #tpu.memory_space<vmem>>
          tpu.wait_dma2 semaphore(%arg12 : memref<!tpu.dma_semaphore, #tpu.memory_space<semaphore_mem>>) src(%dma_wait3A_136 : memref<128x128xf32, #tpu.memory_space<vmem>>) dst(%dma_wait3A_133 : memref<128x128xf32, #tpu.memory_space<hbm>>)
        } else {
        }
        %rem3A_119 = arith.constant 3 : i32
        %rem3A_120 = arith.remsi %while3A_41, %rem3A_119 : i32
        %eq3A_121 = arith.constant 2 : i32
        %eq3A_122 = arith.cmpi eq, %rem3A_120, %eq3A_121 : i32
        %convert_element_type3A_123 = arith.extui %eq3A_122 : i1 to i32
        %cond3A_124 = arith.constant 0 : i32
        %cond3A_125 = arith.cmpi ne, %convert_element_type3A_123, %cond3A_124 : i32
        scf.if %cond3A_125 {
          %dma_wait3A = arith.constant 0 : i32
          %dma_wait3A_126 = arith.constant 0 : i32
          %dma_wait3A_127 = tpu.memref_slice %arg6[%dma_wait3A, %dma_wait3A_126] : memref<384x128xf32, #tpu.memory_space<vmem>> -> memref<128x128xf32, #tpu.memory_space<vmem>>
          %dma_wait3A_128 = arith.constant 0 : i32
          %dma_wait3A_129 = arith.constant 0 : i32
          %dma_wait3A_130 = tpu.memref_slice %arg4[%dma_wait3A_128, %dma_wait3A_129] : memref<1000000x128xf32, #tpu.memory_space<hbm>> -> memref<128x128xf32, #tpu.memory_space<hbm>>
          %dma_wait3A_131 = arith.constant 0 : i32
          %dma_wait3A_132 = arith.constant 0 : i32
          %dma_wait3A_133 = tpu.memref_slice %arg4[%dma_wait3A_131, %dma_wait3A_132] : memref<1000000x128xf32, #tpu.memory_space<hbm>> -> memref<128x128xf32, #tpu.memory_space<hbm>>
          %dma_wait3A_134 = arith.constant 0 : i32
          %dma_wait3A_135 = arith.constant 0 : i32
          %dma_wait3A_136 = tpu.memref_slice %arg6[%dma_wait3A_134, %dma_wait3A_135] : memref<384x128xf32, #tpu.memory_space<vmem>> -> memref<128x128xf32, #tpu.memory_space<vmem>>
          tpu.wait_dma2 semaphore(%arg13 : memref<!tpu.dma_semaphore, #tpu.memory_space<semaphore_mem>>) src(%dma_wait3A_136 : memref<128x128xf32, #tpu.memory_space<vmem>>) dst(%dma_wait3A_133 : memref<128x128xf32, #tpu.memory_space<hbm>>)
        } else {
        }
      } else {
      }
      %add3A_69 = arith.constant 2 : i32
      %add3A_70 = arith.addi %while3A_41, %add3A_69 : i32
      %lt3A_71 = arith.cmpi slt, %add3A_70, %add3A_7 : i32
      %convert_element_type3A_72 = arith.extui %lt3A_71 : i1 to i32
      %cond3A_73 = arith.constant 0 : i32
      %cond3A_74 = arith.cmpi ne, %convert_element_type3A_72, %cond3A_73 : i32
      scf.if %cond3A_74 {
        %rem3A_105 = arith.constant 3 : i32
        %rem3A_106 = arith.remsi %while3A_41, %rem3A_105 : i32
        %eq3A_107 = arith.constant 0 : i32
        %eq3A_108 = arith.cmpi eq, %rem3A_106, %eq3A_107 : i32
        %convert_element_type3A_109 = arith.extui %eq3A_108 : i1 to i32
        %cond3A_110 = arith.constant 0 : i32
        %cond3A_111 = arith.cmpi ne, %convert_element_type3A_109, %cond3A_110 : i32
        scf.if %cond3A_111 {
          %add3A_126 = arith.constant 2 : i32
          %add3A_127 = arith.addi %while3A_41, %add3A_126 : i32
          %add3A_128 = arith.addi %add3A_4, %add3A_127 : i32
          %mul3A_129 = arith.constant 128 : i32
          %mul3A_130 = arith.muli %add3A_128, %mul3A_129 : i32
          %dma_start3A = arith.constant 128 : i32
          %dma_start3A_131 = arith.constant 0 : i32
          %dma_start3A_132 = tpu.memref_slice %arg5[%dma_start3A, %dma_start3A_131] : memref<192x128xf32, #tpu.memory_space<vmem>> -> memref<64x128xf32, #tpu.memory_space<vmem>>
          %dma_start3A_133 = arith.constant 0 : i32
          %dma_start3A_134 = tpu.memref_slice %arg2[%dma_start3A_133, %mul3A_130] : memref<64x1000000xf32, #tpu.memory_space<hbm>> -> memref<64x128xf32, #tpu.memory_space<hbm>>
          %dma_start3A_135 = arith.constant 128 : i32
          %dma_start3A_136 = arith.constant 0 : i32
          %dma_start3A_137 = tpu.memref_slice %arg5[%dma_start3A_135, %dma_start3A_136] : memref<192x128xf32, #tpu.memory_space<vmem>> -> memref<64x128xf32, #tpu.memory_space<vmem>>
          %dma_start3A_138 = arith.constant 0 : i32
          %dma_start3A_139 = tpu.memref_slice %arg2[%dma_start3A_138, %mul3A_130] : memref<64x1000000xf32, #tpu.memory_space<hbm>> -> memref<64x128xf32, #tpu.memory_space<hbm>>
          tpu.enqueue_dma source(%dma_start3A_139 : memref<64x128xf32, #tpu.memory_space<hbm>>) target(%dma_start3A_137 : memref<64x128xf32, #tpu.memory_space<vmem>>) target_semaphore(%arg10 : memref<!tpu.dma_semaphore, #tpu.memory_space<semaphore_mem>>)
        } else {
        }
        %rem3A_112 = arith.constant 3 : i32
        %rem3A_113 = arith.remsi %while3A_41, %rem3A_112 : i32
        %eq3A_114 = arith.constant 1 : i32
        %eq3A_115 = arith.cmpi eq, %rem3A_113, %eq3A_114 : i32
        %convert_element_type3A_116 = arith.extui %eq3A_115 : i1 to i32
        %cond3A_117 = arith.constant 0 : i32
        %cond3A_118 = arith.cmpi ne, %convert_element_type3A_116, %cond3A_117 : i32
        scf.if %cond3A_118 {
          %add3A_126 = arith.constant 2 : i32
          %add3A_127 = arith.addi %while3A_41, %add3A_126 : i32
          %add3A_128 = arith.addi %add3A_4, %add3A_127 : i32
          %mul3A_129 = arith.constant 128 : i32
          %mul3A_130 = arith.muli %add3A_128, %mul3A_129 : i32
          %dma_start3A = arith.constant 0 : i32
          %dma_start3A_131 = arith.constant 0 : i32
          %dma_start3A_132 = tpu.memref_slice %arg5[%dma_start3A, %dma_start3A_131] : memref<192x128xf32, #tpu.memory_space<vmem>> -> memref<64x128xf32, #tpu.memory_space<vmem>>
          %dma_start3A_133 = arith.constant 0 : i32
          %dma_start3A_134 = tpu.memref_slice %arg2[%dma_start3A_133, %mul3A_130] : memref<64x1000000xf32, #tpu.memory_space<hbm>> -> memref<64x128xf32, #tpu.memory_space<hbm>>
          %dma_start3A_135 = arith.constant 0 : i32
          %dma_start3A_136 = arith.constant 0 : i32
          %dma_start3A_137 = tpu.memref_slice %arg5[%dma_start3A_135, %dma_start3A_136] : memref<192x128xf32, #tpu.memory_space<vmem>> -> memref<64x128xf32, #tpu.memory_space<vmem>>
          %dma_start3A_138 = arith.constant 0 : i32
          %dma_start3A_139 = tpu.memref_slice %arg2[%dma_start3A_138, %mul3A_130] : memref<64x1000000xf32, #tpu.memory_space<hbm>> -> memref<64x128xf32, #tpu.memory_space<hbm>>
          tpu.enqueue_dma source(%dma_start3A_139 : memref<64x128xf32, #tpu.memory_space<hbm>>) target(%dma_start3A_137 : memref<64x128xf32, #tpu.memory_space<vmem>>) target_semaphore(%arg8 : memref<!tpu.dma_semaphore, #tpu.memory_space<semaphore_mem>>)
        } else {
        }
        %rem3A_119 = arith.constant 3 : i32
        %rem3A_120 = arith.remsi %while3A_41, %rem3A_119 : i32
        %eq3A_121 = arith.constant 2 : i32
        %eq3A_122 = arith.cmpi eq, %rem3A_120, %eq3A_121 : i32
        %convert_element_type3A_123 = arith.extui %eq3A_122 : i1 to i32
        %cond3A_124 = arith.constant 0 : i32
        %cond3A_125 = arith.cmpi ne, %convert_element_type3A_123, %cond3A_124 : i32
        scf.if %cond3A_125 {
          %add3A_126 = arith.constant 2 : i32
          %add3A_127 = arith.addi %while3A_41, %add3A_126 : i32
          %add3A_128 = arith.addi %add3A_4, %add3A_127 : i32
          %mul3A_129 = arith.constant 128 : i32
          %mul3A_130 = arith.muli %add3A_128, %mul3A_129 : i32
          %dma_start3A = arith.constant 64 : i32
          %dma_start3A_131 = arith.constant 0 : i32
          %dma_start3A_132 = tpu.memref_slice %arg5[%dma_start3A, %dma_start3A_131] : memref<192x128xf32, #tpu.memory_space<vmem>> -> memref<64x128xf32, #tpu.memory_space<vmem>>
          %dma_start3A_133 = arith.constant 0 : i32
          %dma_start3A_134 = tpu.memref_slice %arg2[%dma_start3A_133, %mul3A_130] : memref<64x1000000xf32, #tpu.memory_space<hbm>> -> memref<64x128xf32, #tpu.memory_space<hbm>>
          %dma_start3A_135 = arith.constant 64 : i32
          %dma_start3A_136 = arith.constant 0 : i32
          %dma_start3A_137 = tpu.memref_slice %arg5[%dma_start3A_135, %dma_start3A_136] : memref<192x128xf32, #tpu.memory_space<vmem>> -> memref<64x128xf32, #tpu.memory_space<vmem>>
          %dma_start3A_138 = arith.constant 0 : i32
          %dma_start3A_139 = tpu.memref_slice %arg2[%dma_start3A_138, %mul3A_130] : memref<64x1000000xf32, #tpu.memory_space<hbm>> -> memref<64x128xf32, #tpu.memory_space<hbm>>
          tpu.enqueue_dma source(%dma_start3A_139 : memref<64x128xf32, #tpu.memory_space<hbm>>) target(%dma_start3A_137 : memref<64x128xf32, #tpu.memory_space<vmem>>) target_semaphore(%arg9 : memref<!tpu.dma_semaphore, #tpu.memory_space<semaphore_mem>>)
        } else {
        }
      } else {
      }
      %mul3A_75 = arith.constant 64 : i32
      %mul3A_76 = arith.muli %rem3A_42, %mul3A_75 : i32
      %mul3A_77 = arith.constant 128 : i32
      %mul3A_78 = arith.muli %rem3A_42, %mul3A_77 : i32
      %scan3A = arith.constant 0 : i32
      %scan3A_79 = arith.constant 0 : i32
      %scan3A_80 = arith.constant 16 : i32
      %scan3A_81 = arith.addi %scan3A_79, %scan3A_80 : i32
      %scan3A_82 = arith.constant 1 : i32
      scf.for %scan3A_105 = %scan3A_79 to %scan3A_81 step %scan3A_82  : i32 {
        %div3A = arith.constant 2 : i32
        %div3A_106 = arith.divsi %scan3A_105, %div3A : i32
        %mul3A_107 = arith.constant 16 : i32
        %mul3A_108 = arith.muli %div3A_106, %mul3A_107 : i32
        %rem3A_109 = arith.constant 2 : i32
        %rem3A_110 = arith.remsi %scan3A_105, %rem3A_109 : i32
        %mul3A_111 = arith.constant 32 : i32
        %mul3A_112 = arith.muli %rem3A_110, %mul3A_111 : i32
        %add3A_113 = arith.addi %mul3A_76, %mul3A_112 : i32
        %add3A_114 = arith.constant 0 : i32
        %add3A_115 = arith.addi %add3A_113, %add3A_114 : i32
        %add3A_116 = vector.broadcast %add3A_115 : i32 to vector<16xi32>
        %add3A_117 = arith.addi %add3A_116, %iota3A : vector<16xi32>
        %add3A_118 = arith.constant 0 : i32
        %add3A_119 = arith.addi %mul3A_112, %add3A_118 : i32
        %add3A_120 = vector.broadcast %add3A_119 : i32 to vector<16xi32>
        %add3A_121 = arith.addi %add3A_120, %iota3A : vector<16xi32>
        %add3A_122 = arith.constant 0 : i32
        %add3A_123 = vector.broadcast %add3A_122 : i32 to vector<16xi32>
        %add3A_124 = arith.addi %iota3A, %add3A_123 : vector<16xi32>
        %and3A = arith.constant 15 : i32
        %and3A_125 = vector.broadcast %and3A : i32 to vector<16xi32>
        %and3A_126 = arith.andi %add3A_124, %and3A_125 : vector<16xi32>
        %add3A_127 = vector.broadcast %mul3A_108 : i32 to vector<16xi32>
        %add3A_128 = arith.addi %add3A_127, %and3A_126 : vector<16xi32>
        %gather3A = tpu.vector_load_idx %arg5[%add3A_117, %add3A_128] : memref<192x128xf32, #tpu.memory_space<vmem>>[vector<16xi32>, vector<16xi32>], vector<16xf32>,
        %add3A_129 = vector.broadcast %mul3A_78 : i32 to vector<16xi32>
        %add3A_130 = arith.addi %add3A_129, %add3A_128 : vector<16xi32>
        tpu.vector_store_idx %arg6[%add3A_130, %add3A_121], %gather3A : memref<384x128xf32, #tpu.memory_space<vmem>>[vector<16xi32>, vector<16xi32>], vector<16xf32>,
        %add3A_131 = arith.constant 1 : i32
        %add3A_132 = vector.broadcast %add3A_131 : i32 to vector<16xi32>
        %add3A_133 = arith.addi %iota3A, %add3A_132 : vector<16xi32>
        %and3A_134 = arith.constant 15 : i32
        %and3A_135 = vector.broadcast %and3A_134 : i32 to vector<16xi32>
        %and3A_136 = arith.andi %add3A_133, %and3A_135 : vector<16xi32>
        %add3A_137 = vector.broadcast %mul3A_108 : i32 to vector<16xi32>
        %add3A_138 = arith.addi %add3A_137, %and3A_136 : vector<16xi32>
        %gather3A_139 = tpu.vector_load_idx %arg5[%add3A_117, %add3A_138] : memref<192x128xf32, #tpu.memory_space<vmem>>[vector<16xi32>, vector<16xi32>], vector<16xf32>,
        %add3A_140 = vector.broadcast %mul3A_78 : i32 to vector<16xi32>
        %add3A_141 = arith.addi %add3A_140, %add3A_138 : vector<16xi32>
        tpu.vector_store_idx %arg6[%add3A_141, %add3A_121], %gather3A_139 : memref<384x128xf32, #tpu.memory_space<vmem>>[vector<16xi32>, vector<16xi32>], vector<16xf32>,
        %add3A_142 = arith.constant 2 : i32
        %add3A_143 = vector.broadcast %add3A_142 : i32 to vector<16xi32>
        %add3A_144 = arith.addi %iota3A, %add3A_143 : vector<16xi32>
        %and3A_145 = arith.constant 15 : i32
        %and3A_146 = vector.broadcast %and3A_145 : i32 to vector<16xi32>
        %and3A_147 = arith.andi %add3A_144, %and3A_146 : vector<16xi32>
        %add3A_148 = vector.broadcast %mul3A_108 : i32 to vector<16xi32>
        %add3A_149 = arith.addi %add3A_148, %and3A_147 : vector<16xi32>
        %gather3A_150 = tpu.vector_load_idx %arg5[%add3A_117, %add3A_149] : memref<192x128xf32, #tpu.memory_space<vmem>>[vector<16xi32>, vector<16xi32>], vector<16xf32>,
        %add3A_151 = vector.broadcast %mul3A_78 : i32 to vector<16xi32>
        %add3A_152 = arith.addi %add3A_151, %add3A_149 : vector<16xi32>
        tpu.vector_store_idx %arg6[%add3A_152, %add3A_121], %gather3A_150 : memref<384x128xf32, #tpu.memory_space<vmem>>[vector<16xi32>, vector<16xi32>], vector<16xf32>,
        %add3A_153 = arith.constant 3 : i32
        %add3A_154 = vector.broadcast %add3A_153 : i32 to vector<16xi32>
        %add3A_155 = arith.addi %iota3A, %add3A_154 : vector<16xi32>
        %and3A_156 = arith.constant 15 : i32
        %and3A_157 = vector.broadcast %and3A_156 : i32 to vector<16xi32>
        %and3A_158 = arith.andi %add3A_155, %and3A_157 : vector<16xi32>
        %add3A_159 = vector.broadcast %mul3A_108 : i32 to vector<16xi32>
        %add3A_160 = arith.addi %add3A_159, %and3A_158 : vector<16xi32>
        %gather3A_161 = tpu.vector_load_idx %arg5[%add3A_117, %add3A_160] : memref<192x128xf32, #tpu.memory_space<vmem>>[vector<16xi32>, vector<16xi32>], vector<16xf32>,
        %add3A_162 = vector.broadcast %mul3A_78 : i32 to vector<16xi32>
        %add3A_163 = arith.addi %add3A_162, %add3A_160 : vector<16xi32>
        tpu.vector_store_idx %arg6[%add3A_163, %add3A_121], %gather3A_161 : memref<384x128xf32, #tpu.memory_space<vmem>>[vector<16xi32>, vector<16xi32>], vector<16xf32>,
        %add3A_164 = arith.constant 4 : i32
        %add3A_165 = vector.broadcast %add3A_164 : i32 to vector<16xi32>
        %add3A_166 = arith.addi %iota3A, %add3A_165 : vector<16xi32>
        %and3A_167 = arith.constant 15 : i32
        %and3A_168 = vector.broadcast %and3A_167 : i32 to vector<16xi32>
        %and3A_169 = arith.andi %add3A_166, %and3A_168 : vector<16xi32>
        %add3A_170 = vector.broadcast %mul3A_108 : i32 to vector<16xi32>
        %add3A_171 = arith.addi %add3A_170, %and3A_169 : vector<16xi32>
        %gather3A_172 = tpu.vector_load_idx %arg5[%add3A_117, %add3A_171] : memref<192x128xf32, #tpu.memory_space<vmem>>[vector<16xi32>, vector<16xi32>], vector<16xf32>,
        %add3A_173 = vector.broadcast %mul3A_78 : i32 to vector<16xi32>
        %add3A_174 = arith.addi %add3A_173, %add3A_171 : vector<16xi32>
        tpu.vector_store_idx %arg6[%add3A_174, %add3A_121], %gather3A_172 : memref<384x128xf32, #tpu.memory_space<vmem>>[vector<16xi32>, vector<16xi32>], vector<16xf32>,
        %add3A_175 = arith.constant 5 : i32
        %add3A_176 = vector.broadcast %add3A_175 : i32 to vector<16xi32>
        %add3A_177 = arith.addi %iota3A, %add3A_176 : vector<16xi32>
        %and3A_178 = arith.constant 15 : i32
        %and3A_179 = vector.broadcast %and3A_178 : i32 to vector<16xi32>
        %and3A_180 = arith.andi %add3A_177, %and3A_179 : vector<16xi32>
        %add3A_181 = vector.broadcast %mul3A_108 : i32 to vector<16xi32>
        %add3A_182 = arith.addi %add3A_181, %and3A_180 : vector<16xi32>
        %gather3A_183 = tpu.vector_load_idx %arg5[%add3A_117, %add3A_182] : memref<192x128xf32, #tpu.memory_space<vmem>>[vector<16xi32>, vector<16xi32>], vector<16xf32>,
        %add3A_184 = vector.broadcast %mul3A_78 : i32 to vector<16xi32>
        %add3A_185 = arith.addi %add3A_184, %add3A_182 : vector<16xi32>
        tpu.vector_store_idx %arg6[%add3A_185, %add3A_121], %gather3A_183 : memref<384x128xf32, #tpu.memory_space<vmem>>[vector<16xi32>, vector<16xi32>], vector<16xf32>,
        %add3A_186 = arith.constant 6 : i32
        %add3A_187 = vector.broadcast %add3A_186 : i32 to vector<16xi32>
        %add3A_188 = arith.addi %iota3A, %add3A_187 : vector<16xi32>
        %and3A_189 = arith.constant 15 : i32
        %and3A_190 = vector.broadcast %and3A_189 : i32 to vector<16xi32>
        %and3A_191 = arith.andi %add3A_188, %and3A_190 : vector<16xi32>
        %add3A_192 = vector.broadcast %mul3A_108 : i32 to vector<16xi32>
        %add3A_193 = arith.addi %add3A_192, %and3A_191 : vector<16xi32>
        %gather3A_194 = tpu.vector_load_idx %arg5[%add3A_117, %add3A_193] : memref<192x128xf32, #tpu.memory_space<vmem>>[vector<16xi32>, vector<16xi32>], vector<16xf32>,
        %add3A_195 = vector.broadcast %mul3A_78 : i32 to vector<16xi32>
        %add3A_196 = arith.addi %add3A_195, %add3A_193 : vector<16xi32>
        tpu.vector_store_idx %arg6[%add3A_196, %add3A_121], %gather3A_194 : memref<384x128xf32, #tpu.memory_space<vmem>>[vector<16xi32>, vector<16xi32>], vector<16xf32>,
        %add3A_197 = arith.constant 7 : i32
        %add3A_198 = vector.broadcast %add3A_197 : i32 to vector<16xi32>
        %add3A_199 = arith.addi %iota3A, %add3A_198 : vector<16xi32>
        %and3A_200 = arith.constant 15 : i32
        %and3A_201 = vector.broadcast %and3A_200 : i32 to vector<16xi32>
        %and3A_202 = arith.andi %add3A_199, %and3A_201 : vector<16xi32>
        %add3A_203 = vector.broadcast %mul3A_108 : i32 to vector<16xi32>
        %add3A_204 = arith.addi %add3A_203, %and3A_202 : vector<16xi32>
        %gather3A_205 = tpu.vector_load_idx %arg5[%add3A_117, %add3A_204] : memref<192x128xf32, #tpu.memory_space<vmem>>[vector<16xi32>, vector<16xi32>], vector<16xf32>,
        %add3A_206 = vector.broadcast %mul3A_78 : i32 to vector<16xi32>
        %add3A_207 = arith.addi %add3A_206, %add3A_204 : vector<16xi32>
        tpu.vector_store_idx %arg6[%add3A_207, %add3A_121], %gather3A_205 : memref<384x128xf32, #tpu.memory_space<vmem>>[vector<16xi32>, vector<16xi32>], vector<16xf32>,
        %add3A_208 = arith.constant 8 : i32
        %add3A_209 = vector.broadcast %add3A_208 : i32 to vector<16xi32>
        %add3A_210 = arith.addi %iota3A, %add3A_209 : vector<16xi32>
        %and3A_211 = arith.constant 15 : i32
        %and3A_212 = vector.broadcast %and3A_211 : i32 to vector<16xi32>
        %and3A_213 = arith.andi %add3A_210, %and3A_212 : vector<16xi32>
        %add3A_214 = vector.broadcast %mul3A_108 : i32 to vector<16xi32>
        %add3A_215 = arith.addi %add3A_214, %and3A_213 : vector<16xi32>
        %gather3A_216 = tpu.vector_load_idx %arg5[%add3A_117, %add3A_215] : memref<192x128xf32, #tpu.memory_space<vmem>>[vector<16xi32>, vector<16xi32>], vector<16xf32>,
        %add3A_217 = vector.broadcast %mul3A_78 : i32 to vector<16xi32>
        %add3A_218 = arith.addi %add3A_217, %add3A_215 : vector<16xi32>
        tpu.vector_store_idx %arg6[%add3A_218, %add3A_121], %gather3A_216 : memref<384x128xf32, #tpu.memory_space<vmem>>[vector<16xi32>, vector<16xi32>], vector<16xf32>,
        %add3A_219 = arith.constant 9 : i32
        %add3A_220 = vector.broadcast %add3A_219 : i32 to vector<16xi32>
        %add3A_221 = arith.addi %iota3A, %add3A_220 : vector<16xi32>
        %and3A_222 = arith.constant 15 : i32
        %and3A_223 = vector.broadcast %and3A_222 : i32 to vector<16xi32>
        %and3A_224 = arith.andi %add3A_221, %and3A_223 : vector<16xi32>
        %add3A_225 = vector.broadcast %mul3A_108 : i32 to vector<16xi32>
        %add3A_226 = arith.addi %add3A_225, %and3A_224 : vector<16xi32>
        %gather3A_227 = tpu.vector_load_idx %arg5[%add3A_117, %add3A_226] : memref<192x128xf32, #tpu.memory_space<vmem>>[vector<16xi32>, vector<16xi32>], vector<16xf32>,
        %add3A_228 = vector.broadcast %mul3A_78 : i32 to vector<16xi32>
        %add3A_229 = arith.addi %add3A_228, %add3A_226 : vector<16xi32>
        tpu.vector_store_idx %arg6[%add3A_229, %add3A_121], %gather3A_227 : memref<384x128xf32, #tpu.memory_space<vmem>>[vector<16xi32>, vector<16xi32>], vector<16xf32>,
        %add3A_230 = arith.constant 10 : i32
        %add3A_231 = vector.broadcast %add3A_230 : i32 to vector<16xi32>
        %add3A_232 = arith.addi %iota3A, %add3A_231 : vector<16xi32>
        %and3A_233 = arith.constant 15 : i32
        %and3A_234 = vector.broadcast %and3A_233 : i32 to vector<16xi32>
        %and3A_235 = arith.andi %add3A_232, %and3A_234 : vector<16xi32>
        %add3A_236 = vector.broadcast %mul3A_108 : i32 to vector<16xi32>
        %add3A_237 = arith.addi %add3A_236, %and3A_235 : vector<16xi32>
        %gather3A_238 = tpu.vector_load_idx %arg5[%add3A_117, %add3A_237] : memref<192x128xf32, #tpu.memory_space<vmem>>[vector<16xi32>, vector<16xi32>], vector<16xf32>,
        %add3A_239 = vector.broadcast %mul3A_78 : i32 to vector<16xi32>
        %add3A_240 = arith.addi %add3A_239, %add3A_237 : vector<16xi32>
        tpu.vector_store_idx %arg6[%add3A_240, %add3A_121], %gather3A_238 : memref<384x128xf32, #tpu.memory_space<vmem>>[vector<16xi32>, vector<16xi32>], vector<16xf32>,
        %add3A_241 = arith.constant 11 : i32
        %add3A_242 = vector.broadcast %add3A_241 : i32 to vector<16xi32>
        %add3A_243 = arith.addi %iota3A, %add3A_242 : vector<16xi32>
        %and3A_244 = arith.constant 15 : i32
        %and3A_245 = vector.broadcast %and3A_244 : i32 to vector<16xi32>
        %and3A_246 = arith.andi %add3A_243, %and3A_245 : vector<16xi32>
        %add3A_247 = vector.broadcast %mul3A_108 : i32 to vector<16xi32>
        %add3A_248 = arith.addi %add3A_247, %and3A_246 : vector<16xi32>
        %gather3A_249 = tpu.vector_load_idx %arg5[%add3A_117, %add3A_248] : memref<192x128xf32, #tpu.memory_space<vmem>>[vector<16xi32>, vector<16xi32>], vector<16xf32>,
        %add3A_250 = vector.broadcast %mul3A_78 : i32 to vector<16xi32>
        %add3A_251 = arith.addi %add3A_250, %add3A_248 : vector<16xi32>
        tpu.vector_store_idx %arg6[%add3A_251, %add3A_121], %gather3A_249 : memref<384x128xf32, #tpu.memory_space<vmem>>[vector<16xi32>, vector<16xi32>], vector<16xf32>,
        %add3A_252 = arith.constant 12 : i32
        %add3A_253 = vector.broadcast %add3A_252 : i32 to vector<16xi32>
        %add3A_254 = arith.addi %iota3A, %add3A_253 : vector<16xi32>
        %and3A_255 = arith.constant 15 : i32
        %and3A_256 = vector.broadcast %and3A_255 : i32 to vector<16xi32>
        %and3A_257 = arith.andi %add3A_254, %and3A_256 : vector<16xi32>
        %add3A_258 = vector.broadcast %mul3A_108 : i32 to vector<16xi32>
        %add3A_259 = arith.addi %add3A_258, %and3A_257 : vector<16xi32>
        %gather3A_260 = tpu.vector_load_idx %arg5[%add3A_117, %add3A_259] : memref<192x128xf32, #tpu.memory_space<vmem>>[vector<16xi32>, vector<16xi32>], vector<16xf32>,
        %add3A_261 = vector.broadcast %mul3A_78 : i32 to vector<16xi32>
        %add3A_262 = arith.addi %add3A_261, %add3A_259 : vector<16xi32>
        tpu.vector_store_idx %arg6[%add3A_262, %add3A_121], %gather3A_260 : memref<384x128xf32, #tpu.memory_space<vmem>>[vector<16xi32>, vector<16xi32>], vector<16xf32>,
        %add3A_263 = arith.constant 13 : i32
        %add3A_264 = vector.broadcast %add3A_263 : i32 to vector<16xi32>
        %add3A_265 = arith.addi %iota3A, %add3A_264 : vector<16xi32>
        %and3A_266 = arith.constant 15 : i32
        %and3A_267 = vector.broadcast %and3A_266 : i32 to vector<16xi32>
        %and3A_268 = arith.andi %add3A_265, %and3A_267 : vector<16xi32>
        %add3A_269 = vector.broadcast %mul3A_108 : i32 to vector<16xi32>
        %add3A_270 = arith.addi %add3A_269, %and3A_268 : vector<16xi32>
        %gather3A_271 = tpu.vector_load_idx %arg5[%add3A_117, %add3A_270] : memref<192x128xf32, #tpu.memory_space<vmem>>[vector<16xi32>, vector<16xi32>], vector<16xf32>,
        %add3A_272 = vector.broadcast %mul3A_78 : i32 to vector<16xi32>
        %add3A_273 = arith.addi %add3A_272, %add3A_270 : vector<16xi32>
        tpu.vector_store_idx %arg6[%add3A_273, %add3A_121], %gather3A_271 : memref<384x128xf32, #tpu.memory_space<vmem>>[vector<16xi32>, vector<16xi32>], vector<16xf32>,
        %add3A_274 = arith.constant 14 : i32
        %add3A_275 = vector.broadcast %add3A_274 : i32 to vector<16xi32>
        %add3A_276 = arith.addi %iota3A, %add3A_275 : vector<16xi32>
        %and3A_277 = arith.constant 15 : i32
        %and3A_278 = vector.broadcast %and3A_277 : i32 to vector<16xi32>
        %and3A_279 = arith.andi %add3A_276, %and3A_278 : vector<16xi32>
        %add3A_280 = vector.broadcast %mul3A_108 : i32 to vector<16xi32>
        %add3A_281 = arith.addi %add3A_280, %and3A_279 : vector<16xi32>
        %gather3A_282 = tpu.vector_load_idx %arg5[%add3A_117, %add3A_281] : memref<192x128xf32, #tpu.memory_space<vmem>>[vector<16xi32>, vector<16xi32>], vector<16xf32>,
        %add3A_283 = vector.broadcast %mul3A_78 : i32 to vector<16xi32>
        %add3A_284 = arith.addi %add3A_283, %add3A_281 : vector<16xi32>
        tpu.vector_store_idx %arg6[%add3A_284, %add3A_121], %gather3A_282 : memref<384x128xf32, #tpu.memory_space<vmem>>[vector<16xi32>, vector<16xi32>], vector<16xf32>,
        %add3A_285 = arith.constant 15 : i32
        %add3A_286 = vector.broadcast %add3A_285 : i32 to vector<16xi32>
        %add3A_287 = arith.addi %iota3A, %add3A_286 : vector<16xi32>
        %and3A_288 = arith.constant 15 : i32
        %and3A_289 = vector.broadcast %and3A_288 : i32 to vector<16xi32>
        %and3A_290 = arith.andi %add3A_287, %and3A_289 : vector<16xi32>
        %add3A_291 = vector.broadcast %mul3A_108 : i32 to vector<16xi32>
        %add3A_292 = arith.addi %add3A_291, %and3A_290 : vector<16xi32>
        %gather3A_293 = tpu.vector_load_idx %arg5[%add3A_117, %add3A_292] : memref<192x128xf32, #tpu.memory_space<vmem>>[vector<16xi32>, vector<16xi32>], vector<16xf32>,
        %add3A_294 = vector.broadcast %mul3A_78 : i32 to vector<16xi32>
        %add3A_295 = arith.addi %add3A_294, %add3A_292 : vector<16xi32>
        tpu.vector_store_idx %arg6[%add3A_295, %add3A_121], %gather3A_293 : memref<384x128xf32, #tpu.memory_space<vmem>>[vector<16xi32>, vector<16xi32>], vector<16xf32>,
        %add3A_296 = arith.addi %mul3A_76, %mul3A_112 : i32
        %add3A_297 = arith.constant 16 : i32
        %add3A_298 = arith.addi %add3A_296, %add3A_297 : i32
        %add3A_299 = vector.broadcast %add3A_298 : i32 to vector<16xi32>
        %add3A_300 = arith.addi %add3A_299, %iota3A : vector<16xi32>
        %add3A_301 = arith.constant 16 : i32
        %add3A_302 = arith.addi %mul3A_112, %add3A_301 : i32
        %add3A_303 = vector.broadcast %add3A_302 : i32 to vector<16xi32>
        %add3A_304 = arith.addi %add3A_303, %iota3A : vector<16xi32>
        %add3A_305 = arith.constant 0 : i32
        %add3A_306 = vector.broadcast %add3A_305 : i32 to vector<16xi32>
        %add3A_307 = arith.addi %iota3A, %add3A_306 : vector<16xi32>
        %and3A_308 = arith.constant 15 : i32
        %and3A_309 = vector.broadcast %and3A_308 : i32 to vector<16xi32>
        %and3A_310 = arith.andi %add3A_307, %and3A_309 : vector<16xi32>
        %add3A_311 = vector.broadcast %mul3A_108 : i32 to vector<16xi32>
        %add3A_312 = arith.addi %add3A_311, %and3A_310 : vector<16xi32>
        %gather3A_313 = tpu.vector_load_idx %arg5[%add3A_300, %add3A_312] : memref<192x128xf32, #tpu.memory_space<vmem>>[vector<16xi32>, vector<16xi32>], vector<16xf32>,
        %add3A_314 = vector.broadcast %mul3A_78 : i32 to vector<16xi32>
        %add3A_315 = arith.addi %add3A_314, %add3A_312 : vector<16xi32>
        tpu.vector_store_idx %arg6[%add3A_315, %add3A_304], %gather3A_313 : memref<384x128xf32, #tpu.memory_space<vmem>>[vector<16xi32>, vector<16xi32>], vector<16xf32>,
        %add3A_316 = arith.constant 1 : i32
        %add3A_317 = vector.broadcast %add3A_316 : i32 to vector<16xi32>
        %add3A_318 = arith.addi %iota3A, %add3A_317 : vector<16xi32>
        %and3A_319 = arith.constant 15 : i32
        %and3A_320 = vector.broadcast %and3A_319 : i32 to vector<16xi32>
        %and3A_321 = arith.andi %add3A_318, %and3A_320 : vector<16xi32>
        %add3A_322 = vector.broadcast %mul3A_108 : i32 to vector<16xi32>
        %add3A_323 = arith.addi %add3A_322, %and3A_321 : vector<16xi32>
        %gather3A_324 = tpu.vector_load_idx %arg5[%add3A_300, %add3A_323] : memref<192x128xf32, #tpu.memory_space<vmem>>[vector<16xi32>, vector<16xi32>], vector<16xf32>,
        %add3A_325 = vector.broadcast %mul3A_78 : i32 to vector<16xi32>
        %add3A_326 = arith.addi %add3A_325, %add3A_323 : vector<16xi32>
        tpu.vector_store_idx %arg6[%add3A_326, %add3A_304], %gather3A_324 : memref<384x128xf32, #tpu.memory_space<vmem>>[vector<16xi32>, vector<16xi32>], vector<16xf32>,
        %add3A_327 = arith.constant 2 : i32
        %add3A_328 = vector.broadcast %add3A_327 : i32 to vector<16xi32>
        %add3A_329 = arith.addi %iota3A, %add3A_328 : vector<16xi32>
        %and3A_330 = arith.constant 15 : i32
        %and3A_331 = vector.broadcast %and3A_330 : i32 to vector<16xi32>
        %and3A_332 = arith.andi %add3A_329, %and3A_331 : vector<16xi32>
        %add3A_333 = vector.broadcast %mul3A_108 : i32 to vector<16xi32>
        %add3A_334 = arith.addi %add3A_333, %and3A_332 : vector<16xi32>
        %gather3A_335 = tpu.vector_load_idx %arg5[%add3A_300, %add3A_334] : memref<192x128xf32, #tpu.memory_space<vmem>>[vector<16xi32>, vector<16xi32>], vector<16xf32>,
        %add3A_336 = vector.broadcast %mul3A_78 : i32 to vector<16xi32>
        %add3A_337 = arith.addi %add3A_336, %add3A_334 : vector<16xi32>
        tpu.vector_store_idx %arg6[%add3A_337, %add3A_304], %gather3A_335 : memref<384x128xf32, #tpu.memory_space<vmem>>[vector<16xi32>, vector<16xi32>], vector<16xf32>,
        %add3A_338 = arith.constant 3 : i32
        %add3A_339 = vector.broadcast %add3A_338 : i32 to vector<16xi32>
        %add3A_340 = arith.addi %iota3A, %add3A_339 : vector<16xi32>
        %and3A_341 = arith.constant 15 : i32
        %and3A_342 = vector.broadcast %and3A_341 : i32 to vector<16xi32>
        %and3A_343 = arith.andi %add3A_340, %and3A_342 : vector<16xi32>
        %add3A_344 = vector.broadcast %mul3A_108 : i32 to vector<16xi32>
        %add3A_345 = arith.addi %add3A_344, %and3A_343 : vector<16xi32>
        %gather3A_346 = tpu.vector_load_idx %arg5[%add3A_300, %add3A_345] : memref<192x128xf32, #tpu.memory_space<vmem>>[vector<16xi32>, vector<16xi32>], vector<16xf32>,
        %add3A_347 = vector.broadcast %mul3A_78 : i32 to vector<16xi32>
        %add3A_348 = arith.addi %add3A_347, %add3A_345 : vector<16xi32>
        tpu.vector_store_idx %arg6[%add3A_348, %add3A_304], %gather3A_346 : memref<384x128xf32, #tpu.memory_space<vmem>>[vector<16xi32>, vector<16xi32>], vector<16xf32>,
        %add3A_349 = arith.constant 4 : i32
        %add3A_350 = vector.broadcast %add3A_349 : i32 to vector<16xi32>
        %add3A_351 = arith.addi %iota3A, %add3A_350 : vector<16xi32>
        %and3A_352 = arith.constant 15 : i32
        %and3A_353 = vector.broadcast %and3A_352 : i32 to vector<16xi32>
        %and3A_354 = arith.andi %add3A_351, %and3A_353 : vector<16xi32>
        %add3A_355 = vector.broadcast %mul3A_108 : i32 to vector<16xi32>
        %add3A_356 = arith.addi %add3A_355, %and3A_354 : vector<16xi32>
        %gather3A_357 = tpu.vector_load_idx %arg5[%add3A_300, %add3A_356] : memref<192x128xf32, #tpu.memory_space<vmem>>[vector<16xi32>, vector<16xi32>], vector<16xf32>,
        %add3A_358 = vector.broadcast %mul3A_78 : i32 to vector<16xi32>
        %add3A_359 = arith.addi %add3A_358, %add3A_356 : vector<16xi32>
        tpu.vector_store_idx %arg6[%add3A_359, %add3A_304], %gather3A_357 : memref<384x128xf32, #tpu.memory_space<vmem>>[vector<16xi32>, vector<16xi32>], vector<16xf32>,
        %add3A_360 = arith.constant 5 : i32
        %add3A_361 = vector.broadcast %add3A_360 : i32 to vector<16xi32>
        %add3A_362 = arith.addi %iota3A, %add3A_361 : vector<16xi32>
        %and3A_363 = arith.constant 15 : i32
        %and3A_364 = vector.broadcast %and3A_363 : i32 to vector<16xi32>
        %and3A_365 = arith.andi %add3A_362, %and3A_364 : vector<16xi32>
        %add3A_366 = vector.broadcast %mul3A_108 : i32 to vector<16xi32>
        %add3A_367 = arith.addi %add3A_366, %and3A_365 : vector<16xi32>
        %gather3A_368 = tpu.vector_load_idx %arg5[%add3A_300, %add3A_367] : memref<192x128xf32, #tpu.memory_space<vmem>>[vector<16xi32>, vector<16xi32>], vector<16xf32>,
        %add3A_369 = vector.broadcast %mul3A_78 : i32 to vector<16xi32>
        %add3A_370 = arith.addi %add3A_369, %add3A_367 : vector<16xi32>
        tpu.vector_store_idx %arg6[%add3A_370, %add3A_304], %gather3A_368 : memref<384x128xf32, #tpu.memory_space<vmem>>[vector<16xi32>, vector<16xi32>], vector<16xf32>,
        %add3A_371 = arith.constant 6 : i32
        %add3A_372 = vector.broadcast %add3A_371 : i32 to vector<16xi32>
        %add3A_373 = arith.addi %iota3A, %add3A_372 : vector<16xi32>
        %and3A_374 = arith.constant 15 : i32
        %and3A_375 = vector.broadcast %and3A_374 : i32 to vector<16xi32>
        %and3A_376 = arith.andi %add3A_373, %and3A_375 : vector<16xi32>
        %add3A_377 = vector.broadcast %mul3A_108 : i32 to vector<16xi32>
        %add3A_378 = arith.addi %add3A_377, %and3A_376 : vector<16xi32>
        %gather3A_379 = tpu.vector_load_idx %arg5[%add3A_300, %add3A_378] : memref<192x128xf32, #tpu.memory_space<vmem>>[vector<16xi32>, vector<16xi32>], vector<16xf32>,
        %add3A_380 = vector.broadcast %mul3A_78 : i32 to vector<16xi32>
        %add3A_381 = arith.addi %add3A_380, %add3A_378 : vector<16xi32>
        tpu.vector_store_idx %arg6[%add3A_381, %add3A_304], %gather3A_379 : memref<384x128xf32, #tpu.memory_space<vmem>>[vector<16xi32>, vector<16xi32>], vector<16xf32>,
        %add3A_382 = arith.constant 7 : i32
        %add3A_383 = vector.broadcast %add3A_382 : i32 to vector<16xi32>
        %add3A_384 = arith.addi %iota3A, %add3A_383 : vector<16xi32>
        %and3A_385 = arith.constant 15 : i32
        %and3A_386 = vector.broadcast %and3A_385 : i32 to vector<16xi32>
        %and3A_387 = arith.andi %add3A_384, %and3A_386 : vector<16xi32>
        %add3A_388 = vector.broadcast %mul3A_108 : i32 to vector<16xi32>
        %add3A_389 = arith.addi %add3A_388, %and3A_387 : vector<16xi32>
        %gather3A_390 = tpu.vector_load_idx %arg5[%add3A_300, %add3A_389] : memref<192x128xf32, #tpu.memory_space<vmem>>[vector<16xi32>, vector<16xi32>], vector<16xf32>,
        %add3A_391 = vector.broadcast %mul3A_78 : i32 to vector<16xi32>
        %add3A_392 = arith.addi %add3A_391, %add3A_389 : vector<16xi32>
        tpu.vector_store_idx %arg6[%add3A_392, %add3A_304], %gather3A_390 : memref<384x128xf32, #tpu.memory_space<vmem>>[vector<16xi32>, vector<16xi32>], vector<16xf32>,
        %add3A_393 = arith.constant 8 : i32
        %add3A_394 = vector.broadcast %add3A_393 : i32 to vector<16xi32>
        %add3A_395 = arith.addi %iota3A, %add3A_394 : vector<16xi32>
        %and3A_396 = arith.constant 15 : i32
        %and3A_397 = vector.broadcast %and3A_396 : i32 to vector<16xi32>
        %and3A_398 = arith.andi %add3A_395, %and3A_397 : vector<16xi32>
        %add3A_399 = vector.broadcast %mul3A_108 : i32 to vector<16xi32>
        %add3A_400 = arith.addi %add3A_399, %and3A_398 : vector<16xi32>
        %gather3A_401 = tpu.vector_load_idx %arg5[%add3A_300, %add3A_400] : memref<192x128xf32, #tpu.memory_space<vmem>>[vector<16xi32>, vector<16xi32>], vector<16xf32>,
        %add3A_402 = vector.broadcast %mul3A_78 : i32 to vector<16xi32>
        %add3A_403 = arith.addi %add3A_402, %add3A_400 : vector<16xi32>
        tpu.vector_store_idx %arg6[%add3A_403, %add3A_304], %gather3A_401 : memref<384x128xf32, #tpu.memory_space<vmem>>[vector<16xi32>, vector<16xi32>], vector<16xf32>,
        %add3A_404 = arith.constant 9 : i32
        %add3A_405 = vector.broadcast %add3A_404 : i32 to vector<16xi32>
        %add3A_406 = arith.addi %iota3A, %add3A_405 : vector<16xi32>
        %and3A_407 = arith.constant 15 : i32
        %and3A_408 = vector.broadcast %and3A_407 : i32 to vector<16xi32>
        %and3A_409 = arith.andi %add3A_406, %and3A_408 : vector<16xi32>
        %add3A_410 = vector.broadcast %mul3A_108 : i32 to vector<16xi32>
        %add3A_411 = arith.addi %add3A_410, %and3A_409 : vector<16xi32>
        %gather3A_412 = tpu.vector_load_idx %arg5[%add3A_300, %add3A_411] : memref<192x128xf32, #tpu.memory_space<vmem>>[vector<16xi32>, vector<16xi32>], vector<16xf32>,
        %add3A_413 = vector.broadcast %mul3A_78 : i32 to vector<16xi32>
        %add3A_414 = arith.addi %add3A_413, %add3A_411 : vector<16xi32>
        tpu.vector_store_idx %arg6[%add3A_414, %add3A_304], %gather3A_412 : memref<384x128xf32, #tpu.memory_space<vmem>>[vector<16xi32>, vector<16xi32>], vector<16xf32>,
        %add3A_415 = arith.constant 10 : i32
        %add3A_416 = vector.broadcast %add3A_415 : i32 to vector<16xi32>
        %add3A_417 = arith.addi %iota3A, %add3A_416 : vector<16xi32>
        %and3A_418 = arith.constant 15 : i32
        %and3A_419 = vector.broadcast %and3A_418 : i32 to vector<16xi32>
        %and3A_420 = arith.andi %add3A_417, %and3A_419 : vector<16xi32>
        %add3A_421 = vector.broadcast %mul3A_108 : i32 to vector<16xi32>
        %add3A_422 = arith.addi %add3A_421, %and3A_420 : vector<16xi32>
        %gather3A_423 = tpu.vector_load_idx %arg5[%add3A_300, %add3A_422] : memref<192x128xf32, #tpu.memory_space<vmem>>[vector<16xi32>, vector<16xi32>], vector<16xf32>,
        %add3A_424 = vector.broadcast %mul3A_78 : i32 to vector<16xi32>
        %add3A_425 = arith.addi %add3A_424, %add3A_422 : vector<16xi32>
        tpu.vector_store_idx %arg6[%add3A_425, %add3A_304], %gather3A_423 : memref<384x128xf32, #tpu.memory_space<vmem>>[vector<16xi32>, vector<16xi32>], vector<16xf32>,
        %add3A_426 = arith.constant 11 : i32
        %add3A_427 = vector.broadcast %add3A_426 : i32 to vector<16xi32>
        %add3A_428 = arith.addi %iota3A, %add3A_427 : vector<16xi32>
        %and3A_429 = arith.constant 15 : i32
        %and3A_430 = vector.broadcast %and3A_429 : i32 to vector<16xi32>
        %and3A_431 = arith.andi %add3A_428, %and3A_430 : vector<16xi32>
        %add3A_432 = vector.broadcast %mul3A_108 : i32 to vector<16xi32>
        %add3A_433 = arith.addi %add3A_432, %and3A_431 : vector<16xi32>
        %gather3A_434 = tpu.vector_load_idx %arg5[%add3A_300, %add3A_433] : memref<192x128xf32, #tpu.memory_space<vmem>>[vector<16xi32>, vector<16xi32>], vector<16xf32>,
        %add3A_435 = vector.broadcast %mul3A_78 : i32 to vector<16xi32>
        %add3A_436 = arith.addi %add3A_435, %add3A_433 : vector<16xi32>
        tpu.vector_store_idx %arg6[%add3A_436, %add3A_304], %gather3A_434 : memref<384x128xf32, #tpu.memory_space<vmem>>[vector<16xi32>, vector<16xi32>], vector<16xf32>,
        %add3A_437 = arith.constant 12 : i32
        %add3A_438 = vector.broadcast %add3A_437 : i32 to vector<16xi32>
        %add3A_439 = arith.addi %iota3A, %add3A_438 : vector<16xi32>
        %and3A_440 = arith.constant 15 : i32
        %and3A_441 = vector.broadcast %and3A_440 : i32 to vector<16xi32>
        %and3A_442 = arith.andi %add3A_439, %and3A_441 : vector<16xi32>
        %add3A_443 = vector.broadcast %mul3A_108 : i32 to vector<16xi32>
        %add3A_444 = arith.addi %add3A_443, %and3A_442 : vector<16xi32>
        %gather3A_445 = tpu.vector_load_idx %arg5[%add3A_300, %add3A_444] : memref<192x128xf32, #tpu.memory_space<vmem>>[vector<16xi32>, vector<16xi32>], vector<16xf32>,
        %add3A_446 = vector.broadcast %mul3A_78 : i32 to vector<16xi32>
        %add3A_447 = arith.addi %add3A_446, %add3A_444 : vector<16xi32>
        tpu.vector_store_idx %arg6[%add3A_447, %add3A_304], %gather3A_445 : memref<384x128xf32, #tpu.memory_space<vmem>>[vector<16xi32>, vector<16xi32>], vector<16xf32>,
        %add3A_448 = arith.constant 13 : i32
        %add3A_449 = vector.broadcast %add3A_448 : i32 to vector<16xi32>
        %add3A_450 = arith.addi %iota3A, %add3A_449 : vector<16xi32>
        %and3A_451 = arith.constant 15 : i32
        %and3A_452 = vector.broadcast %and3A_451 : i32 to vector<16xi32>
        %and3A_453 = arith.andi %add3A_450, %and3A_452 : vector<16xi32>
        %add3A_454 = vector.broadcast %mul3A_108 : i32 to vector<16xi32>
        %add3A_455 = arith.addi %add3A_454, %and3A_453 : vector<16xi32>
        %gather3A_456 = tpu.vector_load_idx %arg5[%add3A_300, %add3A_455] : memref<192x128xf32, #tpu.memory_space<vmem>>[vector<16xi32>, vector<16xi32>], vector<16xf32>,
        %add3A_457 = vector.broadcast %mul3A_78 : i32 to vector<16xi32>
        %add3A_458 = arith.addi %add3A_457, %add3A_455 : vector<16xi32>
        tpu.vector_store_idx %arg6[%add3A_458, %add3A_304], %gather3A_456 : memref<384x128xf32, #tpu.memory_space<vmem>>[vector<16xi32>, vector<16xi32>], vector<16xf32>,
        %add3A_459 = arith.constant 14 : i32
        %add3A_460 = vector.broadcast %add3A_459 : i32 to vector<16xi32>
        %add3A_461 = arith.addi %iota3A, %add3A_460 : vector<16xi32>
        %and3A_462 = arith.constant 15 : i32
        %and3A_463 = vector.broadcast %and3A_462 : i32 to vector<16xi32>
        %and3A_464 = arith.andi %add3A_461, %and3A_463 : vector<16xi32>
        %add3A_465 = vector.broadcast %mul3A_108 : i32 to vector<16xi32>
        %add3A_466 = arith.addi %add3A_465, %and3A_464 : vector<16xi32>
        %gather3A_467 = tpu.vector_load_idx %arg5[%add3A_300, %add3A_466] : memref<192x128xf32, #tpu.memory_space<vmem>>[vector<16xi32>, vector<16xi32>], vector<16xf32>,
        %add3A_468 = vector.broadcast %mul3A_78 : i32 to vector<16xi32>
        %add3A_469 = arith.addi %add3A_468, %add3A_466 : vector<16xi32>
        tpu.vector_store_idx %arg6[%add3A_469, %add3A_304], %gather3A_467 : memref<384x128xf32, #tpu.memory_space<vmem>>[vector<16xi32>, vector<16xi32>], vector<16xf32>,
        %add3A_470 = arith.constant 15 : i32
        %add3A_471 = vector.broadcast %add3A_470 : i32 to vector<16xi32>
        %add3A_472 = arith.addi %iota3A, %add3A_471 : vector<16xi32>
        %and3A_473 = arith.constant 15 : i32
        %and3A_474 = vector.broadcast %and3A_473 : i32 to vector<16xi32>
        %and3A_475 = arith.andi %add3A_472, %and3A_474 : vector<16xi32>
        %add3A_476 = vector.broadcast %mul3A_108 : i32 to vector<16xi32>
        %add3A_477 = arith.addi %add3A_476, %and3A_475 : vector<16xi32>
        %gather3A_478 = tpu.vector_load_idx %arg5[%add3A_300, %add3A_477] : memref<192x128xf32, #tpu.memory_space<vmem>>[vector<16xi32>, vector<16xi32>], vector<16xf32>,
        %add3A_479 = vector.broadcast %mul3A_78 : i32 to vector<16xi32>
        %add3A_480 = arith.addi %add3A_479, %add3A_477 : vector<16xi32>
        tpu.vector_store_idx %arg6[%add3A_480, %add3A_304], %gather3A_478 : memref<384x128xf32, #tpu.memory_space<vmem>>[vector<16xi32>, vector<16xi32>], vector<16xf32>,
      }
      %scan3A_83 = arith.constant 16 : i32
      %rem3A_84 = arith.constant 3 : i32
      %rem3A_85 = arith.remsi %while3A_41, %rem3A_84 : i32
      %eq3A_86 = arith.constant 0 : i32
      %eq3A_87 = arith.cmpi eq, %rem3A_85, %eq3A_86 : i32
      %convert_element_type3A_88 = arith.extui %eq3A_87 : i1 to i32
      %cond3A_89 = arith.constant 0 : i32
      %cond3A_90 = arith.cmpi ne, %convert_element_type3A_88, %cond3A_89 : i32
      scf.if %cond3A_90 {
        %add3A_105 = arith.addi %add3A_4, %while3A_41 : i32
        %mul3A_106 = arith.constant 128 : i32
        %mul3A_107 = arith.muli %add3A_105, %mul3A_106 : i32
        %dma_start3A = arith.constant 0 : i32
        %dma_start3A_108 = arith.constant 0 : i32
        %dma_start3A_109 = tpu.memref_slice %arg6[%dma_start3A, %dma_start3A_108] : memref<384x128xf32, #tpu.memory_space<vmem>> -> memref<128x128xf32, #tpu.memory_space<vmem>>
        %dma_start3A_110 = arith.constant 0 : i32
        %dma_start3A_111 = tpu.memref_slice %arg4[%mul3A_107, %dma_start3A_110] : memref<1000000x128xf32, #tpu.memory_space<hbm>> -> memref<128x128xf32, #tpu.memory_space<hbm>>
        %dma_start3A_112 = arith.constant 0 : i32
        %dma_start3A_113 = tpu.memref_slice %arg4[%mul3A_107, %dma_start3A_112] : memref<1000000x128xf32, #tpu.memory_space<hbm>> -> memref<128x128xf32, #tpu.memory_space<hbm>>
        %dma_start3A_114 = arith.constant 0 : i32
        %dma_start3A_115 = arith.constant 0 : i32
        %dma_start3A_116 = tpu.memref_slice %arg6[%dma_start3A_114, %dma_start3A_115] : memref<384x128xf32, #tpu.memory_space<vmem>> -> memref<128x128xf32, #tpu.memory_space<vmem>>
        tpu.enqueue_dma source(%dma_start3A_116 : memref<128x128xf32, #tpu.memory_space<vmem>>) target(%dma_start3A_113 : memref<128x128xf32, #tpu.memory_space<hbm>>) target_semaphore(%arg11 : memref<!tpu.dma_semaphore, #tpu.memory_space<semaphore_mem>>)
      } else {
      }
      %rem3A_91 = arith.constant 3 : i32
      %rem3A_92 = arith.remsi %while3A_41, %rem3A_91 : i32
      %eq3A_93 = arith.constant 1 : i32
      %eq3A_94 = arith.cmpi eq, %rem3A_92, %eq3A_93 : i32
      %convert_element_type3A_95 = arith.extui %eq3A_94 : i1 to i32
      %cond3A_96 = arith.constant 0 : i32
      %cond3A_97 = arith.cmpi ne, %convert_element_type3A_95, %cond3A_96 : i32
      scf.if %cond3A_97 {
        %add3A_105 = arith.addi %add3A_4, %while3A_41 : i32
        %mul3A_106 = arith.constant 128 : i32
        %mul3A_107 = arith.muli %add3A_105, %mul3A_106 : i32
        %dma_start3A = arith.constant 128 : i32
        %dma_start3A_108 = arith.constant 0 : i32
        %dma_start3A_109 = tpu.memref_slice %arg6[%dma_start3A, %dma_start3A_108] : memref<384x128xf32, #tpu.memory_space<vmem>> -> memref<128x128xf32, #tpu.memory_space<vmem>>
        %dma_start3A_110 = arith.constant 0 : i32
        %dma_start3A_111 = tpu.memref_slice %arg4[%mul3A_107, %dma_start3A_110] : memref<1000000x128xf32, #tpu.memory_space<hbm>> -> memref<128x128xf32, #tpu.memory_space<hbm>>
        %dma_start3A_112 = arith.constant 0 : i32
        %dma_start3A_113 = tpu.memref_slice %arg4[%mul3A_107, %dma_start3A_112] : memref<1000000x128xf32, #tpu.memory_space<hbm>> -> memref<128x128xf32, #tpu.memory_space<hbm>>
        %dma_start3A_114 = arith.constant 128 : i32
        %dma_start3A_115 = arith.constant 0 : i32
        %dma_start3A_116 = tpu.memref_slice %arg6[%dma_start3A_114, %dma_start3A_115] : memref<384x128xf32, #tpu.memory_space<vmem>> -> memref<128x128xf32, #tpu.memory_space<vmem>>
        tpu.enqueue_dma source(%dma_start3A_116 : memref<128x128xf32, #tpu.memory_space<vmem>>) target(%dma_start3A_113 : memref<128x128xf32, #tpu.memory_space<hbm>>) target_semaphore(%arg12 : memref<!tpu.dma_semaphore, #tpu.memory_space<semaphore_mem>>)
      } else {
      }
      %rem3A_98 = arith.constant 3 : i32
      %rem3A_99 = arith.remsi %while3A_41, %rem3A_98 : i32
      %eq3A_100 = arith.constant 2 : i32
      %eq3A_101 = arith.cmpi eq, %rem3A_99, %eq3A_100 : i32
      %convert_element_type3A_102 = arith.extui %eq3A_101 : i1 to i32
      %cond3A_103 = arith.constant 0 : i32
      %cond3A_104 = arith.cmpi ne, %convert_element_type3A_102, %cond3A_103 : i32
      scf.if %cond3A_104 {
        %add3A_105 = arith.addi %add3A_4, %while3A_41 : i32
        %mul3A_106 = arith.constant 128 : i32
        %mul3A_107 = arith.muli %add3A_105, %mul3A_106 : i32
        %dma_start3A = arith.constant 256 : i32
        %dma_start3A_108 = arith.constant 0 : i32
        %dma_start3A_109 = tpu.memref_slice %arg6[%dma_start3A, %dma_start3A_108] : memref<384x128xf32, #tpu.memory_space<vmem>> -> memref<128x128xf32, #tpu.memory_space<vmem>>
        %dma_start3A_110 = arith.constant 0 : i32
        %dma_start3A_111 = tpu.memref_slice %arg4[%mul3A_107, %dma_start3A_110] : memref<1000000x128xf32, #tpu.memory_space<hbm>> -> memref<128x128xf32, #tpu.memory_space<hbm>>
        %dma_start3A_112 = arith.constant 0 : i32
        %dma_start3A_113 = tpu.memref_slice %arg4[%mul3A_107, %dma_start3A_112] : memref<1000000x128xf32, #tpu.memory_space<hbm>> -> memref<128x128xf32, #tpu.memory_space<hbm>>
        %dma_start3A_114 = arith.constant 256 : i32
        %dma_start3A_115 = arith.constant 0 : i32
        %dma_start3A_116 = tpu.memref_slice %arg6[%dma_start3A_114, %dma_start3A_115] : memref<384x128xf32, #tpu.memory_space<vmem>> -> memref<128x128xf32, #tpu.memory_space<vmem>>
        tpu.enqueue_dma source(%dma_start3A_116 : memref<128x128xf32, #tpu.memory_space<vmem>>) target(%dma_start3A_113 : memref<128x128xf32, #tpu.memory_space<hbm>>) target_semaphore(%arg13 : memref<!tpu.dma_semaphore, #tpu.memory_space<semaphore_mem>>)
      } else {
      }
    }
    %while3A_24 = arith.constant 1 : i32
    scf.for %while3A_41 = %while3A_22 to %while3A_18 step %while3A_24  : i32 {
      %rem3A = arith.constant 3 : i32
      %rem3A_42 = arith.remsi %while3A_41, %rem3A : i32
      %rem3A_43 = arith.constant 3 : i32
      %rem3A_44 = arith.remsi %while3A_41, %rem3A_43 : i32
      %eq3A_45 = arith.constant 0 : i32
      %eq3A_46 = arith.cmpi eq, %rem3A_44, %eq3A_45 : i32
      %convert_element_type3A_47 = arith.extui %eq3A_46 : i1 to i32
      %cond3A_48 = arith.constant 0 : i32
      %cond3A_49 = arith.cmpi ne, %convert_element_type3A_47, %cond3A_48 : i32
      scf.if %cond3A_49 {
        %dma_wait3A = arith.constant 0 : i32
        %dma_wait3A_105 = arith.constant 0 : i32
        %dma_wait3A_106 = tpu.memref_slice %arg5[%dma_wait3A, %dma_wait3A_105] : memref<192x128xf32, #tpu.memory_space<vmem>> -> memref<64x128xf32, #tpu.memory_space<vmem>>
        %dma_wait3A_107 = arith.constant 0 : i32
        %dma_wait3A_108 = arith.constant 0 : i32
        %dma_wait3A_109 = tpu.memref_slice %arg2[%dma_wait3A_107, %dma_wait3A_108] : memref<64x1000000xf32, #tpu.memory_space<hbm>> -> memref<64x128xf32, #tpu.memory_space<hbm>>
        %dma_wait3A_110 = arith.constant 0 : i32
        %dma_wait3A_111 = arith.constant 0 : i32
        %dma_wait3A_112 = tpu.memref_slice %arg5[%dma_wait3A_110, %dma_wait3A_111] : memref<192x128xf32, #tpu.memory_space<vmem>> -> memref<64x128xf32, #tpu.memory_space<vmem>>
        %dma_wait3A_113 = arith.constant 0 : i32
        %dma_wait3A_114 = arith.constant 0 : i32
        %dma_wait3A_115 = tpu.memref_slice %arg2[%dma_wait3A_113, %dma_wait3A_114] : memref<64x1000000xf32, #tpu.memory_space<hbm>> -> memref<64x128xf32, #tpu.memory_space<hbm>>
        tpu.wait_dma2 semaphore(%arg8 : memref<!tpu.dma_semaphore, #tpu.memory_space<semaphore_mem>>) src(%dma_wait3A_115 : memref<64x128xf32, #tpu.memory_space<hbm>>) dst(%dma_wait3A_112 : memref<64x128xf32, #tpu.memory_space<vmem>>)
      } else {
      }
      %rem3A_50 = arith.constant 3 : i32
      %rem3A_51 = arith.remsi %while3A_41, %rem3A_50 : i32
      %eq3A_52 = arith.constant 1 : i32
      %eq3A_53 = arith.cmpi eq, %rem3A_51, %eq3A_52 : i32
      %convert_element_type3A_54 = arith.extui %eq3A_53 : i1 to i32
      %cond3A_55 = arith.constant 0 : i32
      %cond3A_56 = arith.cmpi ne, %convert_element_type3A_54, %cond3A_55 : i32
      scf.if %cond3A_56 {
        %dma_wait3A = arith.constant 0 : i32
        %dma_wait3A_105 = arith.constant 0 : i32
        %dma_wait3A_106 = tpu.memref_slice %arg5[%dma_wait3A, %dma_wait3A_105] : memref<192x128xf32, #tpu.memory_space<vmem>> -> memref<64x128xf32, #tpu.memory_space<vmem>>
        %dma_wait3A_107 = arith.constant 0 : i32
        %dma_wait3A_108 = arith.constant 0 : i32
        %dma_wait3A_109 = tpu.memref_slice %arg2[%dma_wait3A_107, %dma_wait3A_108] : memref<64x1000000xf32, #tpu.memory_space<hbm>> -> memref<64x128xf32, #tpu.memory_space<hbm>>
        %dma_wait3A_110 = arith.constant 0 : i32
        %dma_wait3A_111 = arith.constant 0 : i32
        %dma_wait3A_112 = tpu.memref_slice %arg5[%dma_wait3A_110, %dma_wait3A_111] : memref<192x128xf32, #tpu.memory_space<vmem>> -> memref<64x128xf32, #tpu.memory_space<vmem>>
        %dma_wait3A_113 = arith.constant 0 : i32
        %dma_wait3A_114 = arith.constant 0 : i32
        %dma_wait3A_115 = tpu.memref_slice %arg2[%dma_wait3A_113, %dma_wait3A_114] : memref<64x1000000xf32, #tpu.memory_space<hbm>> -> memref<64x128xf32, #tpu.memory_space<hbm>>
        tpu.wait_dma2 semaphore(%arg9 : memref<!tpu.dma_semaphore, #tpu.memory_space<semaphore_mem>>) src(%dma_wait3A_115 : memref<64x128xf32, #tpu.memory_space<hbm>>) dst(%dma_wait3A_112 : memref<64x128xf32, #tpu.memory_space<vmem>>)
      } else {
      }
      %rem3A_57 = arith.constant 3 : i32
      %rem3A_58 = arith.remsi %while3A_41, %rem3A_57 : i32
      %eq3A_59 = arith.constant 2 : i32
      %eq3A_60 = arith.cmpi eq, %rem3A_58, %eq3A_59 : i32
      %convert_element_type3A_61 = arith.extui %eq3A_60 : i1 to i32
      %cond3A_62 = arith.constant 0 : i32
      %cond3A_63 = arith.cmpi ne, %convert_element_type3A_61, %cond3A_62 : i32
      scf.if %cond3A_63 {
        %dma_wait3A = arith.constant 0 : i32
        %dma_wait3A_105 = arith.constant 0 : i32
        %dma_wait3A_106 = tpu.memref_slice %arg5[%dma_wait3A, %dma_wait3A_105] : memref<192x128xf32, #tpu.memory_space<vmem>> -> memref<64x128xf32, #tpu.memory_space<vmem>>
        %dma_wait3A_107 = arith.constant 0 : i32
        %dma_wait3A_108 = arith.constant 0 : i32
        %dma_wait3A_109 = tpu.memref_slice %arg2[%dma_wait3A_107, %dma_wait3A_108] : memref<64x1000000xf32, #tpu.memory_space<hbm>> -> memref<64x128xf32, #tpu.memory_space<hbm>>
        %dma_wait3A_110 = arith.constant 0 : i32
        %dma_wait3A_111 = arith.constant 0 : i32
        %dma_wait3A_112 = tpu.memref_slice %arg5[%dma_wait3A_110, %dma_wait3A_111] : memref<192x128xf32, #tpu.memory_space<vmem>> -> memref<64x128xf32, #tpu.memory_space<vmem>>
        %dma_wait3A_113 = arith.constant 0 : i32
        %dma_wait3A_114 = arith.constant 0 : i32
        %dma_wait3A_115 = tpu.memref_slice %arg2[%dma_wait3A_113, %dma_wait3A_114] : memref<64x1000000xf32, #tpu.memory_space<hbm>> -> memref<64x128xf32, #tpu.memory_space<hbm>>
        tpu.wait_dma2 semaphore(%arg10 : memref<!tpu.dma_semaphore, #tpu.memory_space<semaphore_mem>>) src(%dma_wait3A_115 : memref<64x128xf32, #tpu.memory_space<hbm>>) dst(%dma_wait3A_112 : memref<64x128xf32, #tpu.memory_space<vmem>>)
      } else {
      }
      %ge3A_64 = arith.constant 3 : i32
      %ge3A_65 = arith.cmpi sge, %while3A_41, %ge3A_64 : i32
      %convert_element_type3A_66 = arith.extui %ge3A_65 : i1 to i32
      %cond3A_67 = arith.constant 0 : i32
      %cond3A_68 = arith.cmpi ne, %convert_element_type3A_66, %cond3A_67 : i32
      scf.if %cond3A_68 {
        %rem3A_105 = arith.constant 3 : i32
        %rem3A_106 = arith.remsi %while3A_41, %rem3A_105 : i32
        %eq3A_107 = arith.constant 0 : i32
        %eq3A_108 = arith.cmpi eq, %rem3A_106, %eq3A_107 : i32
        %convert_element_type3A_109 = arith.extui %eq3A_108 : i1 to i32
        %cond3A_110 = arith.constant 0 : i32
        %cond3A_111 = arith.cmpi ne, %convert_element_type3A_109, %cond3A_110 : i32
        scf.if %cond3A_111 {
          %dma_wait3A = arith.constant 0 : i32
          %dma_wait3A_126 = arith.constant 0 : i32
          %dma_wait3A_127 = tpu.memref_slice %arg6[%dma_wait3A, %dma_wait3A_126] : memref<384x128xf32, #tpu.memory_space<vmem>> -> memref<128x128xf32, #tpu.memory_space<vmem>>
          %dma_wait3A_128 = arith.constant 0 : i32
          %dma_wait3A_129 = arith.constant 0 : i32
          %dma_wait3A_130 = tpu.memref_slice %arg4[%dma_wait3A_128, %dma_wait3A_129] : memref<1000000x128xf32, #tpu.memory_space<hbm>> -> memref<128x128xf32, #tpu.memory_space<hbm>>
          %dma_wait3A_131 = arith.constant 0 : i32
          %dma_wait3A_132 = arith.constant 0 : i32
          %dma_wait3A_133 = tpu.memref_slice %arg4[%dma_wait3A_131, %dma_wait3A_132] : memref<1000000x128xf32, #tpu.memory_space<hbm>> -> memref<128x128xf32, #tpu.memory_space<hbm>>
          %dma_wait3A_134 = arith.constant 0 : i32
          %dma_wait3A_135 = arith.constant 0 : i32
          %dma_wait3A_136 = tpu.memref_slice %arg6[%dma_wait3A_134, %dma_wait3A_135] : memref<384x128xf32, #tpu.memory_space<vmem>> -> memref<128x128xf32, #tpu.memory_space<vmem>>
          tpu.wait_dma2 semaphore(%arg11 : memref<!tpu.dma_semaphore, #tpu.memory_space<semaphore_mem>>) src(%dma_wait3A_136 : memref<128x128xf32, #tpu.memory_space<vmem>>) dst(%dma_wait3A_133 : memref<128x128xf32, #tpu.memory_space<hbm>>)
        } else {
        }
        %rem3A_112 = arith.constant 3 : i32
        %rem3A_113 = arith.remsi %while3A_41, %rem3A_112 : i32
        %eq3A_114 = arith.constant 1 : i32
        %eq3A_115 = arith.cmpi eq, %rem3A_113, %eq3A_114 : i32
        %convert_element_type3A_116 = arith.extui %eq3A_115 : i1 to i32
        %cond3A_117 = arith.constant 0 : i32
        %cond3A_118 = arith.cmpi ne, %convert_element_type3A_116, %cond3A_117 : i32
        scf.if %cond3A_118 {
          %dma_wait3A = arith.constant 0 : i32
          %dma_wait3A_126 = arith.constant 0 : i32
          %dma_wait3A_127 = tpu.memref_slice %arg6[%dma_wait3A, %dma_wait3A_126] : memref<384x128xf32, #tpu.memory_space<vmem>> -> memref<128x128xf32, #tpu.memory_space<vmem>>
          %dma_wait3A_128 = arith.constant 0 : i32
          %dma_wait3A_129 = arith.constant 0 : i32
          %dma_wait3A_130 = tpu.memref_slice %arg4[%dma_wait3A_128, %dma_wait3A_129] : memref<1000000x128xf32, #tpu.memory_space<hbm>> -> memref<128x128xf32, #tpu.memory_space<hbm>>
          %dma_wait3A_131 = arith.constant 0 : i32
          %dma_wait3A_132 = arith.constant 0 : i32
          %dma_wait3A_133 = tpu.memref_slice %arg4[%dma_wait3A_131, %dma_wait3A_132] : memref<1000000x128xf32, #tpu.memory_space<hbm>> -> memref<128x128xf32, #tpu.memory_space<hbm>>
          %dma_wait3A_134 = arith.constant 0 : i32
          %dma_wait3A_135 = arith.constant 0 : i32
          %dma_wait3A_136 = tpu.memref_slice %arg6[%dma_wait3A_134, %dma_wait3A_135] : memref<384x128xf32, #tpu.memory_space<vmem>> -> memref<128x128xf32, #tpu.memory_space<vmem>>
          tpu.wait_dma2 semaphore(%arg12 : memref<!tpu.dma_semaphore, #tpu.memory_space<semaphore_mem>>) src(%dma_wait3A_136 : memref<128x128xf32, #tpu.memory_space<vmem>>) dst(%dma_wait3A_133 : memref<128x128xf32, #tpu.memory_space<hbm>>)
        } else {
        }
        %rem3A_119 = arith.constant 3 : i32
        %rem3A_120 = arith.remsi %while3A_41, %rem3A_119 : i32
        %eq3A_121 = arith.constant 2 : i32
        %eq3A_122 = arith.cmpi eq, %rem3A_120, %eq3A_121 : i32
        %convert_element_type3A_123 = arith.extui %eq3A_122 : i1 to i32
        %cond3A_124 = arith.constant 0 : i32
        %cond3A_125 = arith.cmpi ne, %convert_element_type3A_123, %cond3A_124 : i32
        scf.if %cond3A_125 {
          %dma_wait3A = arith.constant 0 : i32
          %dma_wait3A_126 = arith.constant 0 : i32
          %dma_wait3A_127 = tpu.memref_slice %arg6[%dma_wait3A, %dma_wait3A_126] : memref<384x128xf32, #tpu.memory_space<vmem>> -> memref<128x128xf32, #tpu.memory_space<vmem>>
          %dma_wait3A_128 = arith.constant 0 : i32
          %dma_wait3A_129 = arith.constant 0 : i32
          %dma_wait3A_130 = tpu.memref_slice %arg4[%dma_wait3A_128, %dma_wait3A_129] : memref<1000000x128xf32, #tpu.memory_space<hbm>> -> memref<128x128xf32, #tpu.memory_space<hbm>>
          %dma_wait3A_131 = arith.constant 0 : i32
          %dma_wait3A_132 = arith.constant 0 : i32
          %dma_wait3A_133 = tpu.memref_slice %arg4[%dma_wait3A_131, %dma_wait3A_132] : memref<1000000x128xf32, #tpu.memory_space<hbm>> -> memref<128x128xf32, #tpu.memory_space<hbm>>
          %dma_wait3A_134 = arith.constant 0 : i32
          %dma_wait3A_135 = arith.constant 0 : i32
          %dma_wait3A_136 = tpu.memref_slice %arg6[%dma_wait3A_134, %dma_wait3A_135] : memref<384x128xf32, #tpu.memory_space<vmem>> -> memref<128x128xf32, #tpu.memory_space<vmem>>
          tpu.wait_dma2 semaphore(%arg13 : memref<!tpu.dma_semaphore, #tpu.memory_space<semaphore_mem>>) src(%dma_wait3A_136 : memref<128x128xf32, #tpu.memory_space<vmem>>) dst(%dma_wait3A_133 : memref<128x128xf32, #tpu.memory_space<hbm>>)
        } else {
        }
      } else {
      }
      %add3A_69 = arith.constant 2 : i32
      %add3A_70 = arith.addi %while3A_41, %add3A_69 : i32
      %lt3A_71 = arith.cmpi slt, %add3A_70, %add3A_7 : i32
      %convert_element_type3A_72 = arith.extui %lt3A_71 : i1 to i32
      %cond3A_73 = arith.constant 0 : i32
      %cond3A_74 = arith.cmpi ne, %convert_element_type3A_72, %cond3A_73 : i32
      scf.if %cond3A_74 {
        %rem3A_105 = arith.constant 3 : i32
        %rem3A_106 = arith.remsi %while3A_41, %rem3A_105 : i32
        %eq3A_107 = arith.constant 0 : i32
        %eq3A_108 = arith.cmpi eq, %rem3A_106, %eq3A_107 : i32
        %convert_element_type3A_109 = arith.extui %eq3A_108 : i1 to i32
        %cond3A_110 = arith.constant 0 : i32
        %cond3A_111 = arith.cmpi ne, %convert_element_type3A_109, %cond3A_110 : i32
        scf.if %cond3A_111 {
          %add3A_126 = arith.constant 2 : i32
          %add3A_127 = arith.addi %while3A_41, %add3A_126 : i32
          %add3A_128 = arith.addi %add3A_4, %add3A_127 : i32
          %mul3A_129 = arith.constant 128 : i32
          %mul3A_130 = arith.muli %add3A_128, %mul3A_129 : i32
          %dma_start3A = arith.constant 128 : i32
          %dma_start3A_131 = arith.constant 0 : i32
          %dma_start3A_132 = tpu.memref_slice %arg5[%dma_start3A, %dma_start3A_131] : memref<192x128xf32, #tpu.memory_space<vmem>> -> memref<64x128xf32, #tpu.memory_space<vmem>>
          %dma_start3A_133 = arith.constant 0 : i32
          %dma_start3A_134 = tpu.memref_slice %arg2[%dma_start3A_133, %mul3A_130] : memref<64x1000000xf32, #tpu.memory_space<hbm>> -> memref<64x128xf32, #tpu.memory_space<hbm>>
          %dma_start3A_135 = arith.constant 128 : i32
          %dma_start3A_136 = arith.constant 0 : i32
          %dma_start3A_137 = tpu.memref_slice %arg5[%dma_start3A_135, %dma_start3A_136] : memref<192x128xf32, #tpu.memory_space<vmem>> -> memref<64x128xf32, #tpu.memory_space<vmem>>
          %dma_start3A_138 = arith.constant 0 : i32
          %dma_start3A_139 = tpu.memref_slice %arg2[%dma_start3A_138, %mul3A_130] : memref<64x1000000xf32, #tpu.memory_space<hbm>> -> memref<64x128xf32, #tpu.memory_space<hbm>>
          tpu.enqueue_dma source(%dma_start3A_139 : memref<64x128xf32, #tpu.memory_space<hbm>>) target(%dma_start3A_137 : memref<64x128xf32, #tpu.memory_space<vmem>>) target_semaphore(%arg10 : memref<!tpu.dma_semaphore, #tpu.memory_space<semaphore_mem>>)
        } else {
        }
        %rem3A_112 = arith.constant 3 : i32
        %rem3A_113 = arith.remsi %while3A_41, %rem3A_112 : i32
        %eq3A_114 = arith.constant 1 : i32
        %eq3A_115 = arith.cmpi eq, %rem3A_113, %eq3A_114 : i32
        %convert_element_type3A_116 = arith.extui %eq3A_115 : i1 to i32
        %cond3A_117 = arith.constant 0 : i32
        %cond3A_118 = arith.cmpi ne, %convert_element_type3A_116, %cond3A_117 : i32
        scf.if %cond3A_118 {
          %add3A_126 = arith.constant 2 : i32
          %add3A_127 = arith.addi %while3A_41, %add3A_126 : i32
          %add3A_128 = arith.addi %add3A_4, %add3A_127 : i32
          %mul3A_129 = arith.constant 128 : i32
          %mul3A_130 = arith.muli %add3A_128, %mul3A_129 : i32
          %dma_start3A = arith.constant 0 : i32
          %dma_start3A_131 = arith.constant 0 : i32
          %dma_start3A_132 = tpu.memref_slice %arg5[%dma_start3A, %dma_start3A_131] : memref<192x128xf32, #tpu.memory_space<vmem>> -> memref<64x128xf32, #tpu.memory_space<vmem>>
          %dma_start3A_133 = arith.constant 0 : i32
          %dma_start3A_134 = tpu.memref_slice %arg2[%dma_start3A_133, %mul3A_130] : memref<64x1000000xf32, #tpu.memory_space<hbm>> -> memref<64x128xf32, #tpu.memory_space<hbm>>
          %dma_start3A_135 = arith.constant 0 : i32
          %dma_start3A_136 = arith.constant 0 : i32
          %dma_start3A_137 = tpu.memref_slice %arg5[%dma_start3A_135, %dma_start3A_136] : memref<192x128xf32, #tpu.memory_space<vmem>> -> memref<64x128xf32, #tpu.memory_space<vmem>>
          %dma_start3A_138 = arith.constant 0 : i32
          %dma_start3A_139 = tpu.memref_slice %arg2[%dma_start3A_138, %mul3A_130] : memref<64x1000000xf32, #tpu.memory_space<hbm>> -> memref<64x128xf32, #tpu.memory_space<hbm>>
          tpu.enqueue_dma source(%dma_start3A_139 : memref<64x128xf32, #tpu.memory_space<hbm>>) target(%dma_start3A_137 : memref<64x128xf32, #tpu.memory_space<vmem>>) target_semaphore(%arg8 : memref<!tpu.dma_semaphore, #tpu.memory_space<semaphore_mem>>)
        } else {
        }
        %rem3A_119 = arith.constant 3 : i32
        %rem3A_120 = arith.remsi %while3A_41, %rem3A_119 : i32
        %eq3A_121 = arith.constant 2 : i32
        %eq3A_122 = arith.cmpi eq, %rem3A_120, %eq3A_121 : i32
        %convert_element_type3A_123 = arith.extui %eq3A_122 : i1 to i32
        %cond3A_124 = arith.constant 0 : i32
        %cond3A_125 = arith.cmpi ne, %convert_element_type3A_123, %cond3A_124 : i32
        scf.if %cond3A_125 {
          %add3A_126 = arith.constant 2 : i32
          %add3A_127 = arith.addi %while3A_41, %add3A_126 : i32
          %add3A_128 = arith.addi %add3A_4, %add3A_127 : i32
          %mul3A_129 = arith.constant 128 : i32
          %mul3A_130 = arith.muli %add3A_128, %mul3A_129 : i32
          %dma_start3A = arith.constant 64 : i32
          %dma_start3A_131 = arith.constant 0 : i32
          %dma_start3A_132 = tpu.memref_slice %arg5[%dma_start3A, %dma_start3A_131] : memref<192x128xf32, #tpu.memory_space<vmem>> -> memref<64x128xf32, #tpu.memory_space<vmem>>
          %dma_start3A_133 = arith.constant 0 : i32
          %dma_start3A_134 = tpu.memref_slice %arg2[%dma_start3A_133, %mul3A_130] : memref<64x1000000xf32, #tpu.memory_space<hbm>> -> memref<64x128xf32, #tpu.memory_space<hbm>>
          %dma_start3A_135 = arith.constant 64 : i32
          %dma_start3A_136 = arith.constant 0 : i32
          %dma_start3A_137 = tpu.memref_slice %arg5[%dma_start3A_135, %dma_start3A_136] : memref<192x128xf32, #tpu.memory_space<vmem>> -> memref<64x128xf32, #tpu.memory_space<vmem>>
          %dma_start3A_138 = arith.constant 0 : i32
          %dma_start3A_139 = tpu.memref_slice %arg2[%dma_start3A_138, %mul3A_130] : memref<64x1000000xf32, #tpu.memory_space<hbm>> -> memref<64x128xf32, #tpu.memory_space<hbm>>
          tpu.enqueue_dma source(%dma_start3A_139 : memref<64x128xf32, #tpu.memory_space<hbm>>) target(%dma_start3A_137 : memref<64x128xf32, #tpu.memory_space<vmem>>) target_semaphore(%arg9 : memref<!tpu.dma_semaphore, #tpu.memory_space<semaphore_mem>>)
        } else {
        }
      } else {
      }
      %mul3A_75 = arith.constant 64 : i32
      %mul3A_76 = arith.muli %rem3A_42, %mul3A_75 : i32
      %mul3A_77 = arith.constant 128 : i32
      %mul3A_78 = arith.muli %rem3A_42, %mul3A_77 : i32
      %scan3A = arith.constant 0 : i32
      %scan3A_79 = arith.constant 0 : i32
      %scan3A_80 = arith.constant 16 : i32
      %scan3A_81 = arith.addi %scan3A_79, %scan3A_80 : i32
      %scan3A_82 = arith.constant 1 : i32
      scf.for %scan3A_105 = %scan3A_79 to %scan3A_81 step %scan3A_82  : i32 {
        %div3A = arith.constant 2 : i32
        %div3A_106 = arith.divsi %scan3A_105, %div3A : i32
        %mul3A_107 = arith.constant 16 : i32
        %mul3A_108 = arith.muli %div3A_106, %mul3A_107 : i32
        %rem3A_109 = arith.constant 2 : i32
        %rem3A_110 = arith.remsi %scan3A_105, %rem3A_109 : i32
        %mul3A_111 = arith.constant 32 : i32
        %mul3A_112 = arith.muli %rem3A_110, %mul3A_111 : i32
        %add3A_113 = arith.addi %mul3A_76, %mul3A_112 : i32
        %add3A_114 = arith.constant 0 : i32
        %add3A_115 = arith.addi %add3A_113, %add3A_114 : i32
        %add3A_116 = vector.broadcast %add3A_115 : i32 to vector<16xi32>
        %add3A_117 = arith.addi %add3A_116, %iota3A : vector<16xi32>
        %add3A_118 = arith.constant 0 : i32
        %add3A_119 = arith.addi %mul3A_112, %add3A_118 : i32
        %add3A_120 = vector.broadcast %add3A_119 : i32 to vector<16xi32>
        %add3A_121 = arith.addi %add3A_120, %iota3A : vector<16xi32>
        %add3A_122 = arith.constant 0 : i32
        %add3A_123 = vector.broadcast %add3A_122 : i32 to vector<16xi32>
        %add3A_124 = arith.addi %iota3A, %add3A_123 : vector<16xi32>
        %and3A = arith.constant 15 : i32
        %and3A_125 = vector.broadcast %and3A : i32 to vector<16xi32>
        %and3A_126 = arith.andi %add3A_124, %and3A_125 : vector<16xi32>
        %add3A_127 = vector.broadcast %mul3A_108 : i32 to vector<16xi32>
        %add3A_128 = arith.addi %add3A_127, %and3A_126 : vector<16xi32>
        %gather3A = tpu.vector_load_idx %arg5[%add3A_117, %add3A_128] : memref<192x128xf32, #tpu.memory_space<vmem>>[vector<16xi32>, vector<16xi32>], vector<16xf32>,
        %add3A_129 = vector.broadcast %mul3A_78 : i32 to vector<16xi32>
        %add3A_130 = arith.addi %add3A_129, %add3A_128 : vector<16xi32>
        tpu.vector_store_idx %arg6[%add3A_130, %add3A_121], %gather3A : memref<384x128xf32, #tpu.memory_space<vmem>>[vector<16xi32>, vector<16xi32>], vector<16xf32>,
        %add3A_131 = arith.constant 1 : i32
        %add3A_132 = vector.broadcast %add3A_131 : i32 to vector<16xi32>
        %add3A_133 = arith.addi %iota3A, %add3A_132 : vector<16xi32>
        %and3A_134 = arith.constant 15 : i32
        %and3A_135 = vector.broadcast %and3A_134 : i32 to vector<16xi32>
        %and3A_136 = arith.andi %add3A_133, %and3A_135 : vector<16xi32>
        %add3A_137 = vector.broadcast %mul3A_108 : i32 to vector<16xi32>
        %add3A_138 = arith.addi %add3A_137, %and3A_136 : vector<16xi32>
        %gather3A_139 = tpu.vector_load_idx %arg5[%add3A_117, %add3A_138] : memref<192x128xf32, #tpu.memory_space<vmem>>[vector<16xi32>, vector<16xi32>], vector<16xf32>,
        %add3A_140 = vector.broadcast %mul3A_78 : i32 to vector<16xi32>
        %add3A_141 = arith.addi %add3A_140, %add3A_138 : vector<16xi32>
        tpu.vector_store_idx %arg6[%add3A_141, %add3A_121], %gather3A_139 : memref<384x128xf32, #tpu.memory_space<vmem>>[vector<16xi32>, vector<16xi32>], vector<16xf32>,
        %add3A_142 = arith.constant 2 : i32
        %add3A_143 = vector.broadcast %add3A_142 : i32 to vector<16xi32>
        %add3A_144 = arith.addi %iota3A, %add3A_143 : vector<16xi32>
        %and3A_145 = arith.constant 15 : i32
        %and3A_146 = vector.broadcast %and3A_145 : i32 to vector<16xi32>
        %and3A_147 = arith.andi %add3A_144, %and3A_146 : vector<16xi32>
        %add3A_148 = vector.broadcast %mul3A_108 : i32 to vector<16xi32>
        %add3A_149 = arith.addi %add3A_148, %and3A_147 : vector<16xi32>
        %gather3A_150 = tpu.vector_load_idx %arg5[%add3A_117, %add3A_149] : memref<192x128xf32, #tpu.memory_space<vmem>>[vector<16xi32>, vector<16xi32>], vector<16xf32>,
        %add3A_151 = vector.broadcast %mul3A_78 : i32 to vector<16xi32>
        %add3A_152 = arith.addi %add3A_151, %add3A_149 : vector<16xi32>
        tpu.vector_store_idx %arg6[%add3A_152, %add3A_121], %gather3A_150 : memref<384x128xf32, #tpu.memory_space<vmem>>[vector<16xi32>, vector<16xi32>], vector<16xf32>,
        %add3A_153 = arith.constant 3 : i32
        %add3A_154 = vector.broadcast %add3A_153 : i32 to vector<16xi32>
        %add3A_155 = arith.addi %iota3A, %add3A_154 : vector<16xi32>
        %and3A_156 = arith.constant 15 : i32
        %and3A_157 = vector.broadcast %and3A_156 : i32 to vector<16xi32>
        %and3A_158 = arith.andi %add3A_155, %and3A_157 : vector<16xi32>
        %add3A_159 = vector.broadcast %mul3A_108 : i32 to vector<16xi32>
        %add3A_160 = arith.addi %add3A_159, %and3A_158 : vector<16xi32>
        %gather3A_161 = tpu.vector_load_idx %arg5[%add3A_117, %add3A_160] : memref<192x128xf32, #tpu.memory_space<vmem>>[vector<16xi32>, vector<16xi32>], vector<16xf32>,
        %add3A_162 = vector.broadcast %mul3A_78 : i32 to vector<16xi32>
        %add3A_163 = arith.addi %add3A_162, %add3A_160 : vector<16xi32>
        tpu.vector_store_idx %arg6[%add3A_163, %add3A_121], %gather3A_161 : memref<384x128xf32, #tpu.memory_space<vmem>>[vector<16xi32>, vector<16xi32>], vector<16xf32>,
        %add3A_164 = arith.constant 4 : i32
        %add3A_165 = vector.broadcast %add3A_164 : i32 to vector<16xi32>
        %add3A_166 = arith.addi %iota3A, %add3A_165 : vector<16xi32>
        %and3A_167 = arith.constant 15 : i32
        %and3A_168 = vector.broadcast %and3A_167 : i32 to vector<16xi32>
        %and3A_169 = arith.andi %add3A_166, %and3A_168 : vector<16xi32>
        %add3A_170 = vector.broadcast %mul3A_108 : i32 to vector<16xi32>
        %add3A_171 = arith.addi %add3A_170, %and3A_169 : vector<16xi32>
        %gather3A_172 = tpu.vector_load_idx %arg5[%add3A_117, %add3A_171] : memref<192x128xf32, #tpu.memory_space<vmem>>[vector<16xi32>, vector<16xi32>], vector<16xf32>,
        %add3A_173 = vector.broadcast %mul3A_78 : i32 to vector<16xi32>
        %add3A_174 = arith.addi %add3A_173, %add3A_171 : vector<16xi32>
        tpu.vector_store_idx %arg6[%add3A_174, %add3A_121], %gather3A_172 : memref<384x128xf32, #tpu.memory_space<vmem>>[vector<16xi32>, vector<16xi32>], vector<16xf32>,
        %add3A_175 = arith.constant 5 : i32
        %add3A_176 = vector.broadcast %add3A_175 : i32 to vector<16xi32>
        %add3A_177 = arith.addi %iota3A, %add3A_176 : vector<16xi32>
        %and3A_178 = arith.constant 15 : i32
        %and3A_179 = vector.broadcast %and3A_178 : i32 to vector<16xi32>
        %and3A_180 = arith.andi %add3A_177, %and3A_179 : vector<16xi32>
        %add3A_181 = vector.broadcast %mul3A_108 : i32 to vector<16xi32>
        %add3A_182 = arith.addi %add3A_181, %and3A_180 : vector<16xi32>
        %gather3A_183 = tpu.vector_load_idx %arg5[%add3A_117, %add3A_182] : memref<192x128xf32, #tpu.memory_space<vmem>>[vector<16xi32>, vector<16xi32>], vector<16xf32>,
        %add3A_184 = vector.broadcast %mul3A_78 : i32 to vector<16xi32>
        %add3A_185 = arith.addi %add3A_184, %add3A_182 : vector<16xi32>
        tpu.vector_store_idx %arg6[%add3A_185, %add3A_121], %gather3A_183 : memref<384x128xf32, #tpu.memory_space<vmem>>[vector<16xi32>, vector<16xi32>], vector<16xf32>,
        %add3A_186 = arith.constant 6 : i32
        %add3A_187 = vector.broadcast %add3A_186 : i32 to vector<16xi32>
        %add3A_188 = arith.addi %iota3A, %add3A_187 : vector<16xi32>
        %and3A_189 = arith.constant 15 : i32
        %and3A_190 = vector.broadcast %and3A_189 : i32 to vector<16xi32>
        %and3A_191 = arith.andi %add3A_188, %and3A_190 : vector<16xi32>
        %add3A_192 = vector.broadcast %mul3A_108 : i32 to vector<16xi32>
        %add3A_193 = arith.addi %add3A_192, %and3A_191 : vector<16xi32>
        %gather3A_194 = tpu.vector_load_idx %arg5[%add3A_117, %add3A_193] : memref<192x128xf32, #tpu.memory_space<vmem>>[vector<16xi32>, vector<16xi32>], vector<16xf32>,
        %add3A_195 = vector.broadcast %mul3A_78 : i32 to vector<16xi32>
        %add3A_196 = arith.addi %add3A_195, %add3A_193 : vector<16xi32>
        tpu.vector_store_idx %arg6[%add3A_196, %add3A_121], %gather3A_194 : memref<384x128xf32, #tpu.memory_space<vmem>>[vector<16xi32>, vector<16xi32>], vector<16xf32>,
        %add3A_197 = arith.constant 7 : i32
        %add3A_198 = vector.broadcast %add3A_197 : i32 to vector<16xi32>
        %add3A_199 = arith.addi %iota3A, %add3A_198 : vector<16xi32>
        %and3A_200 = arith.constant 15 : i32
        %and3A_201 = vector.broadcast %and3A_200 : i32 to vector<16xi32>
        %and3A_202 = arith.andi %add3A_199, %and3A_201 : vector<16xi32>
        %add3A_203 = vector.broadcast %mul3A_108 : i32 to vector<16xi32>
        %add3A_204 = arith.addi %add3A_203, %and3A_202 : vector<16xi32>
        %gather3A_205 = tpu.vector_load_idx %arg5[%add3A_117, %add3A_204] : memref<192x128xf32, #tpu.memory_space<vmem>>[vector<16xi32>, vector<16xi32>], vector<16xf32>,
        %add3A_206 = vector.broadcast %mul3A_78 : i32 to vector<16xi32>
        %add3A_207 = arith.addi %add3A_206, %add3A_204 : vector<16xi32>
        tpu.vector_store_idx %arg6[%add3A_207, %add3A_121], %gather3A_205 : memref<384x128xf32, #tpu.memory_space<vmem>>[vector<16xi32>, vector<16xi32>], vector<16xf32>,
        %add3A_208 = arith.constant 8 : i32
        %add3A_209 = vector.broadcast %add3A_208 : i32 to vector<16xi32>
        %add3A_210 = arith.addi %iota3A, %add3A_209 : vector<16xi32>
        %and3A_211 = arith.constant 15 : i32
        %and3A_212 = vector.broadcast %and3A_211 : i32 to vector<16xi32>
        %and3A_213 = arith.andi %add3A_210, %and3A_212 : vector<16xi32>
        %add3A_214 = vector.broadcast %mul3A_108 : i32 to vector<16xi32>
        %add3A_215 = arith.addi %add3A_214, %and3A_213 : vector<16xi32>
        %gather3A_216 = tpu.vector_load_idx %arg5[%add3A_117, %add3A_215] : memref<192x128xf32, #tpu.memory_space<vmem>>[vector<16xi32>, vector<16xi32>], vector<16xf32>,
        %add3A_217 = vector.broadcast %mul3A_78 : i32 to vector<16xi32>
        %add3A_218 = arith.addi %add3A_217, %add3A_215 : vector<16xi32>
        tpu.vector_store_idx %arg6[%add3A_218, %add3A_121], %gather3A_216 : memref<384x128xf32, #tpu.memory_space<vmem>>[vector<16xi32>, vector<16xi32>], vector<16xf32>,
        %add3A_219 = arith.constant 9 : i32
        %add3A_220 = vector.broadcast %add3A_219 : i32 to vector<16xi32>
        %add3A_221 = arith.addi %iota3A, %add3A_220 : vector<16xi32>
        %and3A_222 = arith.constant 15 : i32
        %and3A_223 = vector.broadcast %and3A_222 : i32 to vector<16xi32>
        %and3A_224 = arith.andi %add3A_221, %and3A_223 : vector<16xi32>
        %add3A_225 = vector.broadcast %mul3A_108 : i32 to vector<16xi32>
        %add3A_226 = arith.addi %add3A_225, %and3A_224 : vector<16xi32>
        %gather3A_227 = tpu.vector_load_idx %arg5[%add3A_117, %add3A_226] : memref<192x128xf32, #tpu.memory_space<vmem>>[vector<16xi32>, vector<16xi32>], vector<16xf32>,
        %add3A_228 = vector.broadcast %mul3A_78 : i32 to vector<16xi32>
        %add3A_229 = arith.addi %add3A_228, %add3A_226 : vector<16xi32>
        tpu.vector_store_idx %arg6[%add3A_229, %add3A_121], %gather3A_227 : memref<384x128xf32, #tpu.memory_space<vmem>>[vector<16xi32>, vector<16xi32>], vector<16xf32>,
        %add3A_230 = arith.constant 10 : i32
        %add3A_231 = vector.broadcast %add3A_230 : i32 to vector<16xi32>
        %add3A_232 = arith.addi %iota3A, %add3A_231 : vector<16xi32>
        %and3A_233 = arith.constant 15 : i32
        %and3A_234 = vector.broadcast %and3A_233 : i32 to vector<16xi32>
        %and3A_235 = arith.andi %add3A_232, %and3A_234 : vector<16xi32>
        %add3A_236 = vector.broadcast %mul3A_108 : i32 to vector<16xi32>
        %add3A_237 = arith.addi %add3A_236, %and3A_235 : vector<16xi32>
        %gather3A_238 = tpu.vector_load_idx %arg5[%add3A_117, %add3A_237] : memref<192x128xf32, #tpu.memory_space<vmem>>[vector<16xi32>, vector<16xi32>], vector<16xf32>,
        %add3A_239 = vector.broadcast %mul3A_78 : i32 to vector<16xi32>
        %add3A_240 = arith.addi %add3A_239, %add3A_237 : vector<16xi32>
        tpu.vector_store_idx %arg6[%add3A_240, %add3A_121], %gather3A_238 : memref<384x128xf32, #tpu.memory_space<vmem>>[vector<16xi32>, vector<16xi32>], vector<16xf32>,
        %add3A_241 = arith.constant 11 : i32
        %add3A_242 = vector.broadcast %add3A_241 : i32 to vector<16xi32>
        %add3A_243 = arith.addi %iota3A, %add3A_242 : vector<16xi32>
        %and3A_244 = arith.constant 15 : i32
        %and3A_245 = vector.broadcast %and3A_244 : i32 to vector<16xi32>
        %and3A_246 = arith.andi %add3A_243, %and3A_245 : vector<16xi32>
        %add3A_247 = vector.broadcast %mul3A_108 : i32 to vector<16xi32>
        %add3A_248 = arith.addi %add3A_247, %and3A_246 : vector<16xi32>
        %gather3A_249 = tpu.vector_load_idx %arg5[%add3A_117, %add3A_248] : memref<192x128xf32, #tpu.memory_space<vmem>>[vector<16xi32>, vector<16xi32>], vector<16xf32>,
        %add3A_250 = vector.broadcast %mul3A_78 : i32 to vector<16xi32>
        %add3A_251 = arith.addi %add3A_250, %add3A_248 : vector<16xi32>
        tpu.vector_store_idx %arg6[%add3A_251, %add3A_121], %gather3A_249 : memref<384x128xf32, #tpu.memory_space<vmem>>[vector<16xi32>, vector<16xi32>], vector<16xf32>,
        %add3A_252 = arith.constant 12 : i32
        %add3A_253 = vector.broadcast %add3A_252 : i32 to vector<16xi32>
        %add3A_254 = arith.addi %iota3A, %add3A_253 : vector<16xi32>
        %and3A_255 = arith.constant 15 : i32
        %and3A_256 = vector.broadcast %and3A_255 : i32 to vector<16xi32>
        %and3A_257 = arith.andi %add3A_254, %and3A_256 : vector<16xi32>
        %add3A_258 = vector.broadcast %mul3A_108 : i32 to vector<16xi32>
        %add3A_259 = arith.addi %add3A_258, %and3A_257 : vector<16xi32>
        %gather3A_260 = tpu.vector_load_idx %arg5[%add3A_117, %add3A_259] : memref<192x128xf32, #tpu.memory_space<vmem>>[vector<16xi32>, vector<16xi32>], vector<16xf32>,
        %add3A_261 = vector.broadcast %mul3A_78 : i32 to vector<16xi32>
        %add3A_262 = arith.addi %add3A_261, %add3A_259 : vector<16xi32>
        tpu.vector_store_idx %arg6[%add3A_262, %add3A_121], %gather3A_260 : memref<384x128xf32, #tpu.memory_space<vmem>>[vector<16xi32>, vector<16xi32>], vector<16xf32>,
        %add3A_263 = arith.constant 13 : i32
        %add3A_264 = vector.broadcast %add3A_263 : i32 to vector<16xi32>
        %add3A_265 = arith.addi %iota3A, %add3A_264 : vector<16xi32>
        %and3A_266 = arith.constant 15 : i32
        %and3A_267 = vector.broadcast %and3A_266 : i32 to vector<16xi32>
        %and3A_268 = arith.andi %add3A_265, %and3A_267 : vector<16xi32>
        %add3A_269 = vector.broadcast %mul3A_108 : i32 to vector<16xi32>
        %add3A_270 = arith.addi %add3A_269, %and3A_268 : vector<16xi32>
        %gather3A_271 = tpu.vector_load_idx %arg5[%add3A_117, %add3A_270] : memref<192x128xf32, #tpu.memory_space<vmem>>[vector<16xi32>, vector<16xi32>], vector<16xf32>,
        %add3A_272 = vector.broadcast %mul3A_78 : i32 to vector<16xi32>
        %add3A_273 = arith.addi %add3A_272, %add3A_270 : vector<16xi32>
        tpu.vector_store_idx %arg6[%add3A_273, %add3A_121], %gather3A_271 : memref<384x128xf32, #tpu.memory_space<vmem>>[vector<16xi32>, vector<16xi32>], vector<16xf32>,
        %add3A_274 = arith.constant 14 : i32
        %add3A_275 = vector.broadcast %add3A_274 : i32 to vector<16xi32>
        %add3A_276 = arith.addi %iota3A, %add3A_275 : vector<16xi32>
        %and3A_277 = arith.constant 15 : i32
        %and3A_278 = vector.broadcast %and3A_277 : i32 to vector<16xi32>
        %and3A_279 = arith.andi %add3A_276, %and3A_278 : vector<16xi32>
        %add3A_280 = vector.broadcast %mul3A_108 : i32 to vector<16xi32>
        %add3A_281 = arith.addi %add3A_280, %and3A_279 : vector<16xi32>
        %gather3A_282 = tpu.vector_load_idx %arg5[%add3A_117, %add3A_281] : memref<192x128xf32, #tpu.memory_space<vmem>>[vector<16xi32>, vector<16xi32>], vector<16xf32>,
        %add3A_283 = vector.broadcast %mul3A_78 : i32 to vector<16xi32>
        %add3A_284 = arith.addi %add3A_283, %add3A_281 : vector<16xi32>
        tpu.vector_store_idx %arg6[%add3A_284, %add3A_121], %gather3A_282 : memref<384x128xf32, #tpu.memory_space<vmem>>[vector<16xi32>, vector<16xi32>], vector<16xf32>,
        %add3A_285 = arith.constant 15 : i32
        %add3A_286 = vector.broadcast %add3A_285 : i32 to vector<16xi32>
        %add3A_287 = arith.addi %iota3A, %add3A_286 : vector<16xi32>
        %and3A_288 = arith.constant 15 : i32
        %and3A_289 = vector.broadcast %and3A_288 : i32 to vector<16xi32>
        %and3A_290 = arith.andi %add3A_287, %and3A_289 : vector<16xi32>
        %add3A_291 = vector.broadcast %mul3A_108 : i32 to vector<16xi32>
        %add3A_292 = arith.addi %add3A_291, %and3A_290 : vector<16xi32>
        %gather3A_293 = tpu.vector_load_idx %arg5[%add3A_117, %add3A_292] : memref<192x128xf32, #tpu.memory_space<vmem>>[vector<16xi32>, vector<16xi32>], vector<16xf32>,
        %add3A_294 = vector.broadcast %mul3A_78 : i32 to vector<16xi32>
        %add3A_295 = arith.addi %add3A_294, %add3A_292 : vector<16xi32>
        tpu.vector_store_idx %arg6[%add3A_295, %add3A_121], %gather3A_293 : memref<384x128xf32, #tpu.memory_space<vmem>>[vector<16xi32>, vector<16xi32>], vector<16xf32>,
        %add3A_296 = arith.addi %mul3A_76, %mul3A_112 : i32
        %add3A_297 = arith.constant 16 : i32
        %add3A_298 = arith.addi %add3A_296, %add3A_297 : i32
        %add3A_299 = vector.broadcast %add3A_298 : i32 to vector<16xi32>
        %add3A_300 = arith.addi %add3A_299, %iota3A : vector<16xi32>
        %add3A_301 = arith.constant 16 : i32
        %add3A_302 = arith.addi %mul3A_112, %add3A_301 : i32
        %add3A_303 = vector.broadcast %add3A_302 : i32 to vector<16xi32>
        %add3A_304 = arith.addi %add3A_303, %iota3A : vector<16xi32>
        %add3A_305 = arith.constant 0 : i32
        %add3A_306 = vector.broadcast %add3A_305 : i32 to vector<16xi32>
        %add3A_307 = arith.addi %iota3A, %add3A_306 : vector<16xi32>
        %and3A_308 = arith.constant 15 : i32
        %and3A_309 = vector.broadcast %and3A_308 : i32 to vector<16xi32>
        %and3A_310 = arith.andi %add3A_307, %and3A_309 : vector<16xi32>
        %add3A_311 = vector.broadcast %mul3A_108 : i32 to vector<16xi32>
        %add3A_312 = arith.addi %add3A_311, %and3A_310 : vector<16xi32>
        %gather3A_313 = tpu.vector_load_idx %arg5[%add3A_300, %add3A_312] : memref<192x128xf32, #tpu.memory_space<vmem>>[vector<16xi32>, vector<16xi32>], vector<16xf32>,
        %add3A_314 = vector.broadcast %mul3A_78 : i32 to vector<16xi32>
        %add3A_315 = arith.addi %add3A_314, %add3A_312 : vector<16xi32>
        tpu.vector_store_idx %arg6[%add3A_315, %add3A_304], %gather3A_313 : memref<384x128xf32, #tpu.memory_space<vmem>>[vector<16xi32>, vector<16xi32>], vector<16xf32>,
        %add3A_316 = arith.constant 1 : i32
        %add3A_317 = vector.broadcast %add3A_316 : i32 to vector<16xi32>
        %add3A_318 = arith.addi %iota3A, %add3A_317 : vector<16xi32>
        %and3A_319 = arith.constant 15 : i32
        %and3A_320 = vector.broadcast %and3A_319 : i32 to vector<16xi32>
        %and3A_321 = arith.andi %add3A_318, %and3A_320 : vector<16xi32>
        %add3A_322 = vector.broadcast %mul3A_108 : i32 to vector<16xi32>
        %add3A_323 = arith.addi %add3A_322, %and3A_321 : vector<16xi32>
        %gather3A_324 = tpu.vector_load_idx %arg5[%add3A_300, %add3A_323] : memref<192x128xf32, #tpu.memory_space<vmem>>[vector<16xi32>, vector<16xi32>], vector<16xf32>,
        %add3A_325 = vector.broadcast %mul3A_78 : i32 to vector<16xi32>
        %add3A_326 = arith.addi %add3A_325, %add3A_323 : vector<16xi32>
        tpu.vector_store_idx %arg6[%add3A_326, %add3A_304], %gather3A_324 : memref<384x128xf32, #tpu.memory_space<vmem>>[vector<16xi32>, vector<16xi32>], vector<16xf32>,
        %add3A_327 = arith.constant 2 : i32
        %add3A_328 = vector.broadcast %add3A_327 : i32 to vector<16xi32>
        %add3A_329 = arith.addi %iota3A, %add3A_328 : vector<16xi32>
        %and3A_330 = arith.constant 15 : i32
        %and3A_331 = vector.broadcast %and3A_330 : i32 to vector<16xi32>
        %and3A_332 = arith.andi %add3A_329, %and3A_331 : vector<16xi32>
        %add3A_333 = vector.broadcast %mul3A_108 : i32 to vector<16xi32>
        %add3A_334 = arith.addi %add3A_333, %and3A_332 : vector<16xi32>
        %gather3A_335 = tpu.vector_load_idx %arg5[%add3A_300, %add3A_334] : memref<192x128xf32, #tpu.memory_space<vmem>>[vector<16xi32>, vector<16xi32>], vector<16xf32>,
        %add3A_336 = vector.broadcast %mul3A_78 : i32 to vector<16xi32>
        %add3A_337 = arith.addi %add3A_336, %add3A_334 : vector<16xi32>
        tpu.vector_store_idx %arg6[%add3A_337, %add3A_304], %gather3A_335 : memref<384x128xf32, #tpu.memory_space<vmem>>[vector<16xi32>, vector<16xi32>], vector<16xf32>,
        %add3A_338 = arith.constant 3 : i32
        %add3A_339 = vector.broadcast %add3A_338 : i32 to vector<16xi32>
        %add3A_340 = arith.addi %iota3A, %add3A_339 : vector<16xi32>
        %and3A_341 = arith.constant 15 : i32
        %and3A_342 = vector.broadcast %and3A_341 : i32 to vector<16xi32>
        %and3A_343 = arith.andi %add3A_340, %and3A_342 : vector<16xi32>
        %add3A_344 = vector.broadcast %mul3A_108 : i32 to vector<16xi32>
        %add3A_345 = arith.addi %add3A_344, %and3A_343 : vector<16xi32>
        %gather3A_346 = tpu.vector_load_idx %arg5[%add3A_300, %add3A_345] : memref<192x128xf32, #tpu.memory_space<vmem>>[vector<16xi32>, vector<16xi32>], vector<16xf32>,
        %add3A_347 = vector.broadcast %mul3A_78 : i32 to vector<16xi32>
        %add3A_348 = arith.addi %add3A_347, %add3A_345 : vector<16xi32>
        tpu.vector_store_idx %arg6[%add3A_348, %add3A_304], %gather3A_346 : memref<384x128xf32, #tpu.memory_space<vmem>>[vector<16xi32>, vector<16xi32>], vector<16xf32>,
        %add3A_349 = arith.constant 4 : i32
        %add3A_350 = vector.broadcast %add3A_349 : i32 to vector<16xi32>
        %add3A_351 = arith.addi %iota3A, %add3A_350 : vector<16xi32>
        %and3A_352 = arith.constant 15 : i32
        %and3A_353 = vector.broadcast %and3A_352 : i32 to vector<16xi32>
        %and3A_354 = arith.andi %add3A_351, %and3A_353 : vector<16xi32>
        %add3A_355 = vector.broadcast %mul3A_108 : i32 to vector<16xi32>
        %add3A_356 = arith.addi %add3A_355, %and3A_354 : vector<16xi32>
        %gather3A_357 = tpu.vector_load_idx %arg5[%add3A_300, %add3A_356] : memref<192x128xf32, #tpu.memory_space<vmem>>[vector<16xi32>, vector<16xi32>], vector<16xf32>,
        %add3A_358 = vector.broadcast %mul3A_78 : i32 to vector<16xi32>
        %add3A_359 = arith.addi %add3A_358, %add3A_356 : vector<16xi32>
        tpu.vector_store_idx %arg6[%add3A_359, %add3A_304], %gather3A_357 : memref<384x128xf32, #tpu.memory_space<vmem>>[vector<16xi32>, vector<16xi32>], vector<16xf32>,
        %add3A_360 = arith.constant 5 : i32
        %add3A_361 = vector.broadcast %add3A_360 : i32 to vector<16xi32>
        %add3A_362 = arith.addi %iota3A, %add3A_361 : vector<16xi32>
        %and3A_363 = arith.constant 15 : i32
        %and3A_364 = vector.broadcast %and3A_363 : i32 to vector<16xi32>
        %and3A_365 = arith.andi %add3A_362, %and3A_364 : vector<16xi32>
        %add3A_366 = vector.broadcast %mul3A_108 : i32 to vector<16xi32>
        %add3A_367 = arith.addi %add3A_366, %and3A_365 : vector<16xi32>
        %gather3A_368 = tpu.vector_load_idx %arg5[%add3A_300, %add3A_367] : memref<192x128xf32, #tpu.memory_space<vmem>>[vector<16xi32>, vector<16xi32>], vector<16xf32>,
        %add3A_369 = vector.broadcast %mul3A_78 : i32 to vector<16xi32>
        %add3A_370 = arith.addi %add3A_369, %add3A_367 : vector<16xi32>
        tpu.vector_store_idx %arg6[%add3A_370, %add3A_304], %gather3A_368 : memref<384x128xf32, #tpu.memory_space<vmem>>[vector<16xi32>, vector<16xi32>], vector<16xf32>,
        %add3A_371 = arith.constant 6 : i32
        %add3A_372 = vector.broadcast %add3A_371 : i32 to vector<16xi32>
        %add3A_373 = arith.addi %iota3A, %add3A_372 : vector<16xi32>
        %and3A_374 = arith.constant 15 : i32
        %and3A_375 = vector.broadcast %and3A_374 : i32 to vector<16xi32>
        %and3A_376 = arith.andi %add3A_373, %and3A_375 : vector<16xi32>
        %add3A_377 = vector.broadcast %mul3A_108 : i32 to vector<16xi32>
        %add3A_378 = arith.addi %add3A_377, %and3A_376 : vector<16xi32>
        %gather3A_379 = tpu.vector_load_idx %arg5[%add3A_300, %add3A_378] : memref<192x128xf32, #tpu.memory_space<vmem>>[vector<16xi32>, vector<16xi32>], vector<16xf32>,
        %add3A_380 = vector.broadcast %mul3A_78 : i32 to vector<16xi32>
        %add3A_381 = arith.addi %add3A_380, %add3A_378 : vector<16xi32>
        tpu.vector_store_idx %arg6[%add3A_381, %add3A_304], %gather3A_379 : memref<384x128xf32, #tpu.memory_space<vmem>>[vector<16xi32>, vector<16xi32>], vector<16xf32>,
        %add3A_382 = arith.constant 7 : i32
        %add3A_383 = vector.broadcast %add3A_382 : i32 to vector<16xi32>
        %add3A_384 = arith.addi %iota3A, %add3A_383 : vector<16xi32>
        %and3A_385 = arith.constant 15 : i32
        %and3A_386 = vector.broadcast %and3A_385 : i32 to vector<16xi32>
        %and3A_387 = arith.andi %add3A_384, %and3A_386 : vector<16xi32>
        %add3A_388 = vector.broadcast %mul3A_108 : i32 to vector<16xi32>
        %add3A_389 = arith.addi %add3A_388, %and3A_387 : vector<16xi32>
        %gather3A_390 = tpu.vector_load_idx %arg5[%add3A_300, %add3A_389] : memref<192x128xf32, #tpu.memory_space<vmem>>[vector<16xi32>, vector<16xi32>], vector<16xf32>,
        %add3A_391 = vector.broadcast %mul3A_78 : i32 to vector<16xi32>
        %add3A_392 = arith.addi %add3A_391, %add3A_389 : vector<16xi32>
        tpu.vector_store_idx %arg6[%add3A_392, %add3A_304], %gather3A_390 : memref<384x128xf32, #tpu.memory_space<vmem>>[vector<16xi32>, vector<16xi32>], vector<16xf32>,
        %add3A_393 = arith.constant 8 : i32
        %add3A_394 = vector.broadcast %add3A_393 : i32 to vector<16xi32>
        %add3A_395 = arith.addi %iota3A, %add3A_394 : vector<16xi32>
        %and3A_396 = arith.constant 15 : i32
        %and3A_397 = vector.broadcast %and3A_396 : i32 to vector<16xi32>
        %and3A_398 = arith.andi %add3A_395, %and3A_397 : vector<16xi32>
        %add3A_399 = vector.broadcast %mul3A_108 : i32 to vector<16xi32>
        %add3A_400 = arith.addi %add3A_399, %and3A_398 : vector<16xi32>
        %gather3A_401 = tpu.vector_load_idx %arg5[%add3A_300, %add3A_400] : memref<192x128xf32, #tpu.memory_space<vmem>>[vector<16xi32>, vector<16xi32>], vector<16xf32>,
        %add3A_402 = vector.broadcast %mul3A_78 : i32 to vector<16xi32>
        %add3A_403 = arith.addi %add3A_402, %add3A_400 : vector<16xi32>
        tpu.vector_store_idx %arg6[%add3A_403, %add3A_304], %gather3A_401 : memref<384x128xf32, #tpu.memory_space<vmem>>[vector<16xi32>, vector<16xi32>], vector<16xf32>,
        %add3A_404 = arith.constant 9 : i32
        %add3A_405 = vector.broadcast %add3A_404 : i32 to vector<16xi32>
        %add3A_406 = arith.addi %iota3A, %add3A_405 : vector<16xi32>
        %and3A_407 = arith.constant 15 : i32
        %and3A_408 = vector.broadcast %and3A_407 : i32 to vector<16xi32>
        %and3A_409 = arith.andi %add3A_406, %and3A_408 : vector<16xi32>
        %add3A_410 = vector.broadcast %mul3A_108 : i32 to vector<16xi32>
        %add3A_411 = arith.addi %add3A_410, %and3A_409 : vector<16xi32>
        %gather3A_412 = tpu.vector_load_idx %arg5[%add3A_300, %add3A_411] : memref<192x128xf32, #tpu.memory_space<vmem>>[vector<16xi32>, vector<16xi32>], vector<16xf32>,
        %add3A_413 = vector.broadcast %mul3A_78 : i32 to vector<16xi32>
        %add3A_414 = arith.addi %add3A_413, %add3A_411 : vector<16xi32>
        tpu.vector_store_idx %arg6[%add3A_414, %add3A_304], %gather3A_412 : memref<384x128xf32, #tpu.memory_space<vmem>>[vector<16xi32>, vector<16xi32>], vector<16xf32>,
        %add3A_415 = arith.constant 10 : i32
        %add3A_416 = vector.broadcast %add3A_415 : i32 to vector<16xi32>
        %add3A_417 = arith.addi %iota3A, %add3A_416 : vector<16xi32>
        %and3A_418 = arith.constant 15 : i32
        %and3A_419 = vector.broadcast %and3A_418 : i32 to vector<16xi32>
        %and3A_420 = arith.andi %add3A_417, %and3A_419 : vector<16xi32>
        %add3A_421 = vector.broadcast %mul3A_108 : i32 to vector<16xi32>
        %add3A_422 = arith.addi %add3A_421, %and3A_420 : vector<16xi32>
        %gather3A_423 = tpu.vector_load_idx %arg5[%add3A_300, %add3A_422] : memref<192x128xf32, #tpu.memory_space<vmem>>[vector<16xi32>, vector<16xi32>], vector<16xf32>,
        %add3A_424 = vector.broadcast %mul3A_78 : i32 to vector<16xi32>
        %add3A_425 = arith.addi %add3A_424, %add3A_422 : vector<16xi32>
        tpu.vector_store_idx %arg6[%add3A_425, %add3A_304], %gather3A_423 : memref<384x128xf32, #tpu.memory_space<vmem>>[vector<16xi32>, vector<16xi32>], vector<16xf32>,
        %add3A_426 = arith.constant 11 : i32
        %add3A_427 = vector.broadcast %add3A_426 : i32 to vector<16xi32>
        %add3A_428 = arith.addi %iota3A, %add3A_427 : vector<16xi32>
        %and3A_429 = arith.constant 15 : i32
        %and3A_430 = vector.broadcast %and3A_429 : i32 to vector<16xi32>
        %and3A_431 = arith.andi %add3A_428, %and3A_430 : vector<16xi32>
        %add3A_432 = vector.broadcast %mul3A_108 : i32 to vector<16xi32>
        %add3A_433 = arith.addi %add3A_432, %and3A_431 : vector<16xi32>
        %gather3A_434 = tpu.vector_load_idx %arg5[%add3A_300, %add3A_433] : memref<192x128xf32, #tpu.memory_space<vmem>>[vector<16xi32>, vector<16xi32>], vector<16xf32>,
        %add3A_435 = vector.broadcast %mul3A_78 : i32 to vector<16xi32>
        %add3A_436 = arith.addi %add3A_435, %add3A_433 : vector<16xi32>
        tpu.vector_store_idx %arg6[%add3A_436, %add3A_304], %gather3A_434 : memref<384x128xf32, #tpu.memory_space<vmem>>[vector<16xi32>, vector<16xi32>], vector<16xf32>,
        %add3A_437 = arith.constant 12 : i32
        %add3A_438 = vector.broadcast %add3A_437 : i32 to vector<16xi32>
        %add3A_439 = arith.addi %iota3A, %add3A_438 : vector<16xi32>
        %and3A_440 = arith.constant 15 : i32
        %and3A_441 = vector.broadcast %and3A_440 : i32 to vector<16xi32>
        %and3A_442 = arith.andi %add3A_439, %and3A_441 : vector<16xi32>
        %add3A_443 = vector.broadcast %mul3A_108 : i32 to vector<16xi32>
        %add3A_444 = arith.addi %add3A_443, %and3A_442 : vector<16xi32>
        %gather3A_445 = tpu.vector_load_idx %arg5[%add3A_300, %add3A_444] : memref<192x128xf32, #tpu.memory_space<vmem>>[vector<16xi32>, vector<16xi32>], vector<16xf32>,
        %add3A_446 = vector.broadcast %mul3A_78 : i32 to vector<16xi32>
        %add3A_447 = arith.addi %add3A_446, %add3A_444 : vector<16xi32>
        tpu.vector_store_idx %arg6[%add3A_447, %add3A_304], %gather3A_445 : memref<384x128xf32, #tpu.memory_space<vmem>>[vector<16xi32>, vector<16xi32>], vector<16xf32>,
        %add3A_448 = arith.constant 13 : i32
        %add3A_449 = vector.broadcast %add3A_448 : i32 to vector<16xi32>
        %add3A_450 = arith.addi %iota3A, %add3A_449 : vector<16xi32>
        %and3A_451 = arith.constant 15 : i32
        %and3A_452 = vector.broadcast %and3A_451 : i32 to vector<16xi32>
        %and3A_453 = arith.andi %add3A_450, %and3A_452 : vector<16xi32>
        %add3A_454 = vector.broadcast %mul3A_108 : i32 to vector<16xi32>
        %add3A_455 = arith.addi %add3A_454, %and3A_453 : vector<16xi32>
        %gather3A_456 = tpu.vector_load_idx %arg5[%add3A_300, %add3A_455] : memref<192x128xf32, #tpu.memory_space<vmem>>[vector<16xi32>, vector<16xi32>], vector<16xf32>,
        %add3A_457 = vector.broadcast %mul3A_78 : i32 to vector<16xi32>
        %add3A_458 = arith.addi %add3A_457, %add3A_455 : vector<16xi32>
        tpu.vector_store_idx %arg6[%add3A_458, %add3A_304], %gather3A_456 : memref<384x128xf32, #tpu.memory_space<vmem>>[vector<16xi32>, vector<16xi32>], vector<16xf32>,
        %add3A_459 = arith.constant 14 : i32
        %add3A_460 = vector.broadcast %add3A_459 : i32 to vector<16xi32>
        %add3A_461 = arith.addi %iota3A, %add3A_460 : vector<16xi32>
        %and3A_462 = arith.constant 15 : i32
        %and3A_463 = vector.broadcast %and3A_462 : i32 to vector<16xi32>
        %and3A_464 = arith.andi %add3A_461, %and3A_463 : vector<16xi32>
        %add3A_465 = vector.broadcast %mul3A_108 : i32 to vector<16xi32>
        %add3A_466 = arith.addi %add3A_465, %and3A_464 : vector<16xi32>
        %gather3A_467 = tpu.vector_load_idx %arg5[%add3A_300, %add3A_466] : memref<192x128xf32, #tpu.memory_space<vmem>>[vector<16xi32>, vector<16xi32>], vector<16xf32>,
        %add3A_468 = vector.broadcast %mul3A_78 : i32 to vector<16xi32>
        %add3A_469 = arith.addi %add3A_468, %add3A_466 : vector<16xi32>
        tpu.vector_store_idx %arg6[%add3A_469, %add3A_304], %gather3A_467 : memref<384x128xf32, #tpu.memory_space<vmem>>[vector<16xi32>, vector<16xi32>], vector<16xf32>,
        %add3A_470 = arith.constant 15 : i32
        %add3A_471 = vector.broadcast %add3A_470 : i32 to vector<16xi32>
        %add3A_472 = arith.addi %iota3A, %add3A_471 : vector<16xi32>
        %and3A_473 = arith.constant 15 : i32
        %and3A_474 = vector.broadcast %and3A_473 : i32 to vector<16xi32>
        %and3A_475 = arith.andi %add3A_472, %and3A_474 : vector<16xi32>
        %add3A_476 = vector.broadcast %mul3A_108 : i32 to vector<16xi32>
        %add3A_477 = arith.addi %add3A_476, %and3A_475 : vector<16xi32>
        %gather3A_478 = tpu.vector_load_idx %arg5[%add3A_300, %add3A_477] : memref<192x128xf32, #tpu.memory_space<vmem>>[vector<16xi32>, vector<16xi32>], vector<16xf32>,
        %add3A_479 = vector.broadcast %mul3A_78 : i32 to vector<16xi32>
        %add3A_480 = arith.addi %add3A_479, %add3A_477 : vector<16xi32>
        tpu.vector_store_idx %arg6[%add3A_480, %add3A_304], %gather3A_478 : memref<384x128xf32, #tpu.memory_space<vmem>>[vector<16xi32>, vector<16xi32>], vector<16xf32>,
      }
      %scan3A_83 = arith.constant 16 : i32
      %rem3A_84 = arith.constant 3 : i32
      %rem3A_85 = arith.remsi %while3A_41, %rem3A_84 : i32
      %eq3A_86 = arith.constant 0 : i32
      %eq3A_87 = arith.cmpi eq, %rem3A_85, %eq3A_86 : i32
      %convert_element_type3A_88 = arith.extui %eq3A_87 : i1 to i32
      %cond3A_89 = arith.constant 0 : i32
      %cond3A_90 = arith.cmpi ne, %convert_element_type3A_88, %cond3A_89 : i32
      scf.if %cond3A_90 {
        %add3A_105 = arith.addi %add3A_4, %while3A_41 : i32
        %mul3A_106 = arith.constant 128 : i32
        %mul3A_107 = arith.muli %add3A_105, %mul3A_106 : i32
        %dma_start3A = arith.constant 0 : i32
        %dma_start3A_108 = arith.constant 0 : i32
        %dma_start3A_109 = tpu.memref_slice %arg6[%dma_start3A, %dma_start3A_108] : memref<384x128xf32, #tpu.memory_space<vmem>> -> memref<128x128xf32, #tpu.memory_space<vmem>>
        %dma_start3A_110 = arith.constant 0 : i32
        %dma_start3A_111 = tpu.memref_slice %arg4[%mul3A_107, %dma_start3A_110] : memref<1000000x128xf32, #tpu.memory_space<hbm>> -> memref<128x128xf32, #tpu.memory_space<hbm>>
        %dma_start3A_112 = arith.constant 0 : i32
        %dma_start3A_113 = tpu.memref_slice %arg4[%mul3A_107, %dma_start3A_112] : memref<1000000x128xf32, #tpu.memory_space<hbm>> -> memref<128x128xf32, #tpu.memory_space<hbm>>
        %dma_start3A_114 = arith.constant 0 : i32
        %dma_start3A_115 = arith.constant 0 : i32
        %dma_start3A_116 = tpu.memref_slice %arg6[%dma_start3A_114, %dma_start3A_115] : memref<384x128xf32, #tpu.memory_space<vmem>> -> memref<128x128xf32, #tpu.memory_space<vmem>>
        tpu.enqueue_dma source(%dma_start3A_116 : memref<128x128xf32, #tpu.memory_space<vmem>>) target(%dma_start3A_113 : memref<128x128xf32, #tpu.memory_space<hbm>>) target_semaphore(%arg11 : memref<!tpu.dma_semaphore, #tpu.memory_space<semaphore_mem>>)
      } else {
      }
      %rem3A_91 = arith.constant 3 : i32
      %rem3A_92 = arith.remsi %while3A_41, %rem3A_91 : i32
      %eq3A_93 = arith.constant 1 : i32
      %eq3A_94 = arith.cmpi eq, %rem3A_92, %eq3A_93 : i32
      %convert_element_type3A_95 = arith.extui %eq3A_94 : i1 to i32
      %cond3A_96 = arith.constant 0 : i32
      %cond3A_97 = arith.cmpi ne, %convert_element_type3A_95, %cond3A_96 : i32
      scf.if %cond3A_97 {
        %add3A_105 = arith.addi %add3A_4, %while3A_41 : i32
        %mul3A_106 = arith.constant 128 : i32
        %mul3A_107 = arith.muli %add3A_105, %mul3A_106 : i32
        %dma_start3A = arith.constant 128 : i32
        %dma_start3A_108 = arith.constant 0 : i32
        %dma_start3A_109 = tpu.memref_slice %arg6[%dma_start3A, %dma_start3A_108] : memref<384x128xf32, #tpu.memory_space<vmem>> -> memref<128x128xf32, #tpu.memory_space<vmem>>
        %dma_start3A_110 = arith.constant 0 : i32
        %dma_start3A_111 = tpu.memref_slice %arg4[%mul3A_107, %dma_start3A_110] : memref<1000000x128xf32, #tpu.memory_space<hbm>> -> memref<128x128xf32, #tpu.memory_space<hbm>>
        %dma_start3A_112 = arith.constant 0 : i32
        %dma_start3A_113 = tpu.memref_slice %arg4[%mul3A_107, %dma_start3A_112] : memref<1000000x128xf32, #tpu.memory_space<hbm>> -> memref<128x128xf32, #tpu.memory_space<hbm>>
        %dma_start3A_114 = arith.constant 128 : i32
        %dma_start3A_115 = arith.constant 0 : i32
        %dma_start3A_116 = tpu.memref_slice %arg6[%dma_start3A_114, %dma_start3A_115] : memref<384x128xf32, #tpu.memory_space<vmem>> -> memref<128x128xf32, #tpu.memory_space<vmem>>
        tpu.enqueue_dma source(%dma_start3A_116 : memref<128x128xf32, #tpu.memory_space<vmem>>) target(%dma_start3A_113 : memref<128x128xf32, #tpu.memory_space<hbm>>) target_semaphore(%arg12 : memref<!tpu.dma_semaphore, #tpu.memory_space<semaphore_mem>>)
      } else {
      }
      %rem3A_98 = arith.constant 3 : i32
      %rem3A_99 = arith.remsi %while3A_41, %rem3A_98 : i32
      %eq3A_100 = arith.constant 2 : i32
      %eq3A_101 = arith.cmpi eq, %rem3A_99, %eq3A_100 : i32
      %convert_element_type3A_102 = arith.extui %eq3A_101 : i1 to i32
      %cond3A_103 = arith.constant 0 : i32
      %cond3A_104 = arith.cmpi ne, %convert_element_type3A_102, %cond3A_103 : i32
      scf.if %cond3A_104 {
        %add3A_105 = arith.addi %add3A_4, %while3A_41 : i32
        %mul3A_106 = arith.constant 128 : i32
        %mul3A_107 = arith.muli %add3A_105, %mul3A_106 : i32
        %dma_start3A = arith.constant 256 : i32
        %dma_start3A_108 = arith.constant 0 : i32
        %dma_start3A_109 = tpu.memref_slice %arg6[%dma_start3A, %dma_start3A_108] : memref<384x128xf32, #tpu.memory_space<vmem>> -> memref<128x128xf32, #tpu.memory_space<vmem>>
        %dma_start3A_110 = arith.constant 0 : i32
        %dma_start3A_111 = tpu.memref_slice %arg4[%mul3A_107, %dma_start3A_110] : memref<1000000x128xf32, #tpu.memory_space<hbm>> -> memref<128x128xf32, #tpu.memory_space<hbm>>
        %dma_start3A_112 = arith.constant 0 : i32
        %dma_start3A_113 = tpu.memref_slice %arg4[%mul3A_107, %dma_start3A_112] : memref<1000000x128xf32, #tpu.memory_space<hbm>> -> memref<128x128xf32, #tpu.memory_space<hbm>>
        %dma_start3A_114 = arith.constant 256 : i32
        %dma_start3A_115 = arith.constant 0 : i32
        %dma_start3A_116 = tpu.memref_slice %arg6[%dma_start3A_114, %dma_start3A_115] : memref<384x128xf32, #tpu.memory_space<vmem>> -> memref<128x128xf32, #tpu.memory_space<vmem>>
        tpu.enqueue_dma source(%dma_start3A_116 : memref<128x128xf32, #tpu.memory_space<vmem>>) target(%dma_start3A_113 : memref<128x128xf32, #tpu.memory_space<hbm>>) target_semaphore(%arg13 : memref<!tpu.dma_semaphore, #tpu.memory_space<semaphore_mem>>)
      } else {
      }
    }
    %min3A_25 = arith.constant 3 : i32
    %min3A_26 = arith.minsi %add3A_7, %min3A_25 : i32
    %while3A_27 = arith.constant 0 : i32
    %while3A_28 = arith.constant 0 : i32
    %while3A_29 = arith.subi %min3A_26, %while3A_28 : i32
    %while3A_30 = arith.addi %while3A_28, %while3A_29 : i32
    %while3A_31 = arith.constant 1 : i32
    %while3A_32 = arith.divsi %while3A_29, %while3A_31 : i32
    %while3A_33 = arith.muli %while3A_32, %while3A_31 : i32
    %while3A_34 = arith.addi %while3A_28, %while3A_33 : i32
    %while3A_35 = arith.constant 1 : i32
    scf.for %while3A_41 = %while3A_28 to %while3A_34 step %while3A_35  : i32 {
      %sub3A = arith.constant 1 : i32
      %sub3A_42 = arith.subi %add3A_7, %sub3A : i32
      %sub3A_43 = arith.subi %sub3A_42, %while3A_41 : i32
      %rem3A = arith.constant 3 : i32
      %rem3A_44 = arith.remsi %sub3A_43, %rem3A : i32
      %eq3A_45 = arith.constant 0 : i32
      %eq3A_46 = arith.cmpi eq, %rem3A_44, %eq3A_45 : i32
      %convert_element_type3A_47 = arith.extui %eq3A_46 : i1 to i32
      %cond3A_48 = arith.constant 0 : i32
      %cond3A_49 = arith.cmpi ne, %convert_element_type3A_47, %cond3A_48 : i32
      scf.if %cond3A_49 {
        %dma_wait3A = arith.constant 0 : i32
        %dma_wait3A_64 = arith.constant 0 : i32
        %dma_wait3A_65 = tpu.memref_slice %arg6[%dma_wait3A, %dma_wait3A_64] : memref<384x128xf32, #tpu.memory_space<vmem>> -> memref<128x128xf32, #tpu.memory_space<vmem>>
        %dma_wait3A_66 = arith.constant 0 : i32
        %dma_wait3A_67 = arith.constant 0 : i32
        %dma_wait3A_68 = tpu.memref_slice %arg4[%dma_wait3A_66, %dma_wait3A_67] : memref<1000000x128xf32, #tpu.memory_space<hbm>> -> memref<128x128xf32, #tpu.memory_space<hbm>>
        %dma_wait3A_69 = arith.constant 0 : i32
        %dma_wait3A_70 = arith.constant 0 : i32
        %dma_wait3A_71 = tpu.memref_slice %arg4[%dma_wait3A_69, %dma_wait3A_70] : memref<1000000x128xf32, #tpu.memory_space<hbm>> -> memref<128x128xf32, #tpu.memory_space<hbm>>
        %dma_wait3A_72 = arith.constant 0 : i32
        %dma_wait3A_73 = arith.constant 0 : i32
        %dma_wait3A_74 = tpu.memref_slice %arg6[%dma_wait3A_72, %dma_wait3A_73] : memref<384x128xf32, #tpu.memory_space<vmem>> -> memref<128x128xf32, #tpu.memory_space<vmem>>
        tpu.wait_dma2 semaphore(%arg11 : memref<!tpu.dma_semaphore, #tpu.memory_space<semaphore_mem>>) src(%dma_wait3A_74 : memref<128x128xf32, #tpu.memory_space<vmem>>) dst(%dma_wait3A_71 : memref<128x128xf32, #tpu.memory_space<hbm>>)
      } else {
      }
      %rem3A_50 = arith.constant 3 : i32
      %rem3A_51 = arith.remsi %sub3A_43, %rem3A_50 : i32
      %eq3A_52 = arith.constant 1 : i32
      %eq3A_53 = arith.cmpi eq, %rem3A_51, %eq3A_52 : i32
      %convert_element_type3A_54 = arith.extui %eq3A_53 : i1 to i32
      %cond3A_55 = arith.constant 0 : i32
      %cond3A_56 = arith.cmpi ne, %convert_element_type3A_54, %cond3A_55 : i32
      scf.if %cond3A_56 {
        %dma_wait3A = arith.constant 0 : i32
        %dma_wait3A_64 = arith.constant 0 : i32
        %dma_wait3A_65 = tpu.memref_slice %arg6[%dma_wait3A, %dma_wait3A_64] : memref<384x128xf32, #tpu.memory_space<vmem>> -> memref<128x128xf32, #tpu.memory_space<vmem>>
        %dma_wait3A_66 = arith.constant 0 : i32
        %dma_wait3A_67 = arith.constant 0 : i32
        %dma_wait3A_68 = tpu.memref_slice %arg4[%dma_wait3A_66, %dma_wait3A_67] : memref<1000000x128xf32, #tpu.memory_space<hbm>> -> memref<128x128xf32, #tpu.memory_space<hbm>>
        %dma_wait3A_69 = arith.constant 0 : i32
        %dma_wait3A_70 = arith.constant 0 : i32
        %dma_wait3A_71 = tpu.memref_slice %arg4[%dma_wait3A_69, %dma_wait3A_70] : memref<1000000x128xf32, #tpu.memory_space<hbm>> -> memref<128x128xf32, #tpu.memory_space<hbm>>
        %dma_wait3A_72 = arith.constant 0 : i32
        %dma_wait3A_73 = arith.constant 0 : i32
        %dma_wait3A_74 = tpu.memref_slice %arg6[%dma_wait3A_72, %dma_wait3A_73] : memref<384x128xf32, #tpu.memory_space<vmem>> -> memref<128x128xf32, #tpu.memory_space<vmem>>
        tpu.wait_dma2 semaphore(%arg12 : memref<!tpu.dma_semaphore, #tpu.memory_space<semaphore_mem>>) src(%dma_wait3A_74 : memref<128x128xf32, #tpu.memory_space<vmem>>) dst(%dma_wait3A_71 : memref<128x128xf32, #tpu.memory_space<hbm>>)
      } else {
      }
      %rem3A_57 = arith.constant 3 : i32
      %rem3A_58 = arith.remsi %sub3A_43, %rem3A_57 : i32
      %eq3A_59 = arith.constant 2 : i32
      %eq3A_60 = arith.cmpi eq, %rem3A_58, %eq3A_59 : i32
      %convert_element_type3A_61 = arith.extui %eq3A_60 : i1 to i32
      %cond3A_62 = arith.constant 0 : i32
      %cond3A_63 = arith.cmpi ne, %convert_element_type3A_61, %cond3A_62 : i32
      scf.if %cond3A_63 {
        %dma_wait3A = arith.constant 0 : i32
        %dma_wait3A_64 = arith.constant 0 : i32
        %dma_wait3A_65 = tpu.memref_slice %arg6[%dma_wait3A, %dma_wait3A_64] : memref<384x128xf32, #tpu.memory_space<vmem>> -> memref<128x128xf32, #tpu.memory_space<vmem>>
        %dma_wait3A_66 = arith.constant 0 : i32
        %dma_wait3A_67 = arith.constant 0 : i32
        %dma_wait3A_68 = tpu.memref_slice %arg4[%dma_wait3A_66, %dma_wait3A_67] : memref<1000000x128xf32, #tpu.memory_space<hbm>> -> memref<128x128xf32, #tpu.memory_space<hbm>>
        %dma_wait3A_69 = arith.constant 0 : i32
        %dma_wait3A_70 = arith.constant 0 : i32
        %dma_wait3A_71 = tpu.memref_slice %arg4[%dma_wait3A_69, %dma_wait3A_70] : memref<1000000x128xf32, #tpu.memory_space<hbm>> -> memref<128x128xf32, #tpu.memory_space<hbm>>
        %dma_wait3A_72 = arith.constant 0 : i32
        %dma_wait3A_73 = arith.constant 0 : i32
        %dma_wait3A_74 = tpu.memref_slice %arg6[%dma_wait3A_72, %dma_wait3A_73] : memref<384x128xf32, #tpu.memory_space<vmem>> -> memref<128x128xf32, #tpu.memory_space<vmem>>
        tpu.wait_dma2 semaphore(%arg13 : memref<!tpu.dma_semaphore, #tpu.memory_space<semaphore_mem>>) src(%dma_wait3A_74 : memref<128x128xf32, #tpu.memory_space<vmem>>) dst(%dma_wait3A_71 : memref<128x128xf32, #tpu.memory_space<hbm>>)
      } else {
      }
    }
    %while3A_36 = arith.constant 1 : i32
    scf.for %while3A_41 = %while3A_34 to %while3A_30 step %while3A_36  : i32 {
      %sub3A = arith.constant 1 : i32
      %sub3A_42 = arith.subi %add3A_7, %sub3A : i32
      %sub3A_43 = arith.subi %sub3A_42, %while3A_41 : i32
      %rem3A = arith.constant 3 : i32
      %rem3A_44 = arith.remsi %sub3A_43, %rem3A : i32
      %eq3A_45 = arith.constant 0 : i32
      %eq3A_46 = arith.cmpi eq, %rem3A_44, %eq3A_45 : i32
      %convert_element_type3A_47 = arith.extui %eq3A_46 : i1 to i32
      %cond3A_48 = arith.constant 0 : i32
      %cond3A_49 = arith.cmpi ne, %convert_element_type3A_47, %cond3A_48 : i32
      scf.if %cond3A_49 {
        %dma_wait3A = arith.constant 0 : i32
        %dma_wait3A_64 = arith.constant 0 : i32
        %dma_wait3A_65 = tpu.memref_slice %arg6[%dma_wait3A, %dma_wait3A_64] : memref<384x128xf32, #tpu.memory_space<vmem>> -> memref<128x128xf32, #tpu.memory_space<vmem>>
        %dma_wait3A_66 = arith.constant 0 : i32
        %dma_wait3A_67 = arith.constant 0 : i32
        %dma_wait3A_68 = tpu.memref_slice %arg4[%dma_wait3A_66, %dma_wait3A_67] : memref<1000000x128xf32, #tpu.memory_space<hbm>> -> memref<128x128xf32, #tpu.memory_space<hbm>>
        %dma_wait3A_69 = arith.constant 0 : i32
        %dma_wait3A_70 = arith.constant 0 : i32
        %dma_wait3A_71 = tpu.memref_slice %arg4[%dma_wait3A_69, %dma_wait3A_70] : memref<1000000x128xf32, #tpu.memory_space<hbm>> -> memref<128x128xf32, #tpu.memory_space<hbm>>
        %dma_wait3A_72 = arith.constant 0 : i32
        %dma_wait3A_73 = arith.constant 0 : i32
        %dma_wait3A_74 = tpu.memref_slice %arg6[%dma_wait3A_72, %dma_wait3A_73] : memref<384x128xf32, #tpu.memory_space<vmem>> -> memref<128x128xf32, #tpu.memory_space<vmem>>
        tpu.wait_dma2 semaphore(%arg11 : memref<!tpu.dma_semaphore, #tpu.memory_space<semaphore_mem>>) src(%dma_wait3A_74 : memref<128x128xf32, #tpu.memory_space<vmem>>) dst(%dma_wait3A_71 : memref<128x128xf32, #tpu.memory_space<hbm>>)
      } else {
      }
      %rem3A_50 = arith.constant 3 : i32
      %rem3A_51 = arith.remsi %sub3A_43, %rem3A_50 : i32
      %eq3A_52 = arith.constant 1 : i32
      %eq3A_53 = arith.cmpi eq, %rem3A_51, %eq3A_52 : i32
      %convert_element_type3A_54 = arith.extui %eq3A_53 : i1 to i32
      %cond3A_55 = arith.constant 0 : i32
      %cond3A_56 = arith.cmpi ne, %convert_element_type3A_54, %cond3A_55 : i32
      scf.if %cond3A_56 {
        %dma_wait3A = arith.constant 0 : i32
        %dma_wait3A_64 = arith.constant 0 : i32
        %dma_wait3A_65 = tpu.memref_slice %arg6[%dma_wait3A, %dma_wait3A_64] : memref<384x128xf32, #tpu.memory_space<vmem>> -> memref<128x128xf32, #tpu.memory_space<vmem>>
        %dma_wait3A_66 = arith.constant 0 : i32
        %dma_wait3A_67 = arith.constant 0 : i32
        %dma_wait3A_68 = tpu.memref_slice %arg4[%dma_wait3A_66, %dma_wait3A_67] : memref<1000000x128xf32, #tpu.memory_space<hbm>> -> memref<128x128xf32, #tpu.memory_space<hbm>>
        %dma_wait3A_69 = arith.constant 0 : i32
        %dma_wait3A_70 = arith.constant 0 : i32
        %dma_wait3A_71 = tpu.memref_slice %arg4[%dma_wait3A_69, %dma_wait3A_70] : memref<1000000x128xf32, #tpu.memory_space<hbm>> -> memref<128x128xf32, #tpu.memory_space<hbm>>
        %dma_wait3A_72 = arith.constant 0 : i32
        %dma_wait3A_73 = arith.constant 0 : i32
        %dma_wait3A_74 = tpu.memref_slice %arg6[%dma_wait3A_72, %dma_wait3A_73] : memref<384x128xf32, #tpu.memory_space<vmem>> -> memref<128x128xf32, #tpu.memory_space<vmem>>
        tpu.wait_dma2 semaphore(%arg12 : memref<!tpu.dma_semaphore, #tpu.memory_space<semaphore_mem>>) src(%dma_wait3A_74 : memref<128x128xf32, #tpu.memory_space<vmem>>) dst(%dma_wait3A_71 : memref<128x128xf32, #tpu.memory_space<hbm>>)
      } else {
      }
      %rem3A_57 = arith.constant 3 : i32
      %rem3A_58 = arith.remsi %sub3A_43, %rem3A_57 : i32
      %eq3A_59 = arith.constant 2 : i32
      %eq3A_60 = arith.cmpi eq, %rem3A_58, %eq3A_59 : i32
      %convert_element_type3A_61 = arith.extui %eq3A_60 : i1 to i32
      %cond3A_62 = arith.constant 0 : i32
      %cond3A_63 = arith.cmpi ne, %convert_element_type3A_61, %cond3A_62 : i32
      scf.if %cond3A_63 {
        %dma_wait3A = arith.constant 0 : i32
        %dma_wait3A_64 = arith.constant 0 : i32
        %dma_wait3A_65 = tpu.memref_slice %arg6[%dma_wait3A, %dma_wait3A_64] : memref<384x128xf32, #tpu.memory_space<vmem>> -> memref<128x128xf32, #tpu.memory_space<vmem>>
        %dma_wait3A_66 = arith.constant 0 : i32
        %dma_wait3A_67 = arith.constant 0 : i32
        %dma_wait3A_68 = tpu.memref_slice %arg4[%dma_wait3A_66, %dma_wait3A_67] : memref<1000000x128xf32, #tpu.memory_space<hbm>> -> memref<128x128xf32, #tpu.memory_space<hbm>>
        %dma_wait3A_69 = arith.constant 0 : i32
        %dma_wait3A_70 = arith.constant 0 : i32
        %dma_wait3A_71 = tpu.memref_slice %arg4[%dma_wait3A_69, %dma_wait3A_70] : memref<1000000x128xf32, #tpu.memory_space<hbm>> -> memref<128x128xf32, #tpu.memory_space<hbm>>
        %dma_wait3A_72 = arith.constant 0 : i32
        %dma_wait3A_73 = arith.constant 0 : i32
        %dma_wait3A_74 = tpu.memref_slice %arg6[%dma_wait3A_72, %dma_wait3A_73] : memref<384x128xf32, #tpu.memory_space<vmem>> -> memref<128x128xf32, #tpu.memory_space<vmem>>
        tpu.wait_dma2 semaphore(%arg13 : memref<!tpu.dma_semaphore, #tpu.memory_space<semaphore_mem>>) src(%dma_wait3A_74 : memref<128x128xf32, #tpu.memory_space<vmem>>) dst(%dma_wait3A_71 : memref<128x128xf32, #tpu.memory_space<hbm>>)
      } else {
      }
    }
    %eq3A = arith.constant 31 : i32
    %eq3A_37 = arith.cmpi eq, %add3A, %eq3A : i32
    %convert_element_type3A_38 = arith.extui %eq3A_37 : i1 to i32
    %cond3A_39 = arith.constant 0 : i32
    %cond3A_40 = arith.cmpi ne, %convert_element_type3A_38, %cond3A_39 : i32
    scf.if %cond3A_40 {
      "tpu.region"() ({
        %run_scoped3A = tpu.sem_alloc : memref<!tpu.dma_semaphore, #tpu.memory_space<semaphore_mem>>
        tpu.enqueue_dma source(%arg3 : memref<64x64xf32, #tpu.memory_space<hbm>>) target(%arg7 : memref<64x64xf32, #tpu.memory_space<vmem>>) target_semaphore(%run_scoped3A : memref<!tpu.dma_semaphore, #tpu.memory_space<semaphore_mem>>)
        tpu.wait_dma2 semaphore(%run_scoped3A : memref<!tpu.dma_semaphore, #tpu.memory_space<semaphore_mem>>) src(%arg3 : memref<64x64xf32, #tpu.memory_space<hbm>>) dst(%arg7 : memref<64x64xf32, #tpu.memory_space<vmem>>)
        tpu.yield
      }) : () -> ()
      %scan3A = arith.constant 0 : i32
      %scan3A_41 = arith.constant 0 : i32
      %scan3A_42 = arith.constant 16 : i32
      %scan3A_43 = arith.addi %scan3A_41, %scan3A_42 : i32
      %scan3A_44 = arith.constant 1 : i32
      scf.for %scan3A_68 = %scan3A_41 to %scan3A_43 step %scan3A_44  : i32 {
        %div3A = arith.constant 4 : i32
        %div3A_69 = arith.divsi %scan3A_68, %div3A : i32
        %mul3A_70 = arith.constant 16 : i32
        %mul3A_71 = arith.muli %div3A_69, %mul3A_70 : i32
        %rem3A = arith.constant 4 : i32
        %rem3A_72 = arith.remsi %scan3A_68, %rem3A : i32
        %mul3A_73 = arith.constant 16 : i32
        %mul3A_74 = arith.muli %rem3A_72, %mul3A_73 : i32
        %add3A_75 = vector.broadcast %mul3A_74 : i32 to vector<16xi32>
        %add3A_76 = arith.addi %add3A_75, %iota3A : vector<16xi32>
        %add3A_77 = arith.constant 0 : i32
        %add3A_78 = vector.broadcast %add3A_77 : i32 to vector<16xi32>
        %add3A_79 = arith.addi %iota3A, %add3A_78 : vector<16xi32>
        %and3A = arith.constant 15 : i32
        %and3A_80 = vector.broadcast %and3A : i32 to vector<16xi32>
        %and3A_81 = arith.andi %add3A_79, %and3A_80 : vector<16xi32>
        %add3A_82 = vector.broadcast %mul3A_71 : i32 to vector<16xi32>
        %add3A_83 = arith.addi %add3A_82, %and3A_81 : vector<16xi32>
        %gather3A = tpu.vector_load_idx %arg7[%add3A_76, %add3A_83] : memref<64x64xf32, #tpu.memory_space<vmem>>[vector<16xi32>, vector<16xi32>], vector<16xf32>,
        tpu.vector_store_idx %arg6[%add3A_83, %add3A_76], %gather3A : memref<384x128xf32, #tpu.memory_space<vmem>>[vector<16xi32>, vector<16xi32>], vector<16xf32>,
        %add3A_84 = arith.constant 1 : i32
        %add3A_85 = vector.broadcast %add3A_84 : i32 to vector<16xi32>
        %add3A_86 = arith.addi %iota3A, %add3A_85 : vector<16xi32>
        %and3A_87 = arith.constant 15 : i32
        %and3A_88 = vector.broadcast %and3A_87 : i32 to vector<16xi32>
        %and3A_89 = arith.andi %add3A_86, %and3A_88 : vector<16xi32>
        %add3A_90 = vector.broadcast %mul3A_71 : i32 to vector<16xi32>
        %add3A_91 = arith.addi %add3A_90, %and3A_89 : vector<16xi32>
        %gather3A_92 = tpu.vector_load_idx %arg7[%add3A_76, %add3A_91] : memref<64x64xf32, #tpu.memory_space<vmem>>[vector<16xi32>, vector<16xi32>], vector<16xf32>,
        tpu.vector_store_idx %arg6[%add3A_91, %add3A_76], %gather3A_92 : memref<384x128xf32, #tpu.memory_space<vmem>>[vector<16xi32>, vector<16xi32>], vector<16xf32>,
        %add3A_93 = arith.constant 2 : i32
        %add3A_94 = vector.broadcast %add3A_93 : i32 to vector<16xi32>
        %add3A_95 = arith.addi %iota3A, %add3A_94 : vector<16xi32>
        %and3A_96 = arith.constant 15 : i32
        %and3A_97 = vector.broadcast %and3A_96 : i32 to vector<16xi32>
        %and3A_98 = arith.andi %add3A_95, %and3A_97 : vector<16xi32>
        %add3A_99 = vector.broadcast %mul3A_71 : i32 to vector<16xi32>
        %add3A_100 = arith.addi %add3A_99, %and3A_98 : vector<16xi32>
        %gather3A_101 = tpu.vector_load_idx %arg7[%add3A_76, %add3A_100] : memref<64x64xf32, #tpu.memory_space<vmem>>[vector<16xi32>, vector<16xi32>], vector<16xf32>,
        tpu.vector_store_idx %arg6[%add3A_100, %add3A_76], %gather3A_101 : memref<384x128xf32, #tpu.memory_space<vmem>>[vector<16xi32>, vector<16xi32>], vector<16xf32>,
        %add3A_102 = arith.constant 3 : i32
        %add3A_103 = vector.broadcast %add3A_102 : i32 to vector<16xi32>
        %add3A_104 = arith.addi %iota3A, %add3A_103 : vector<16xi32>
        %and3A_105 = arith.constant 15 : i32
        %and3A_106 = vector.broadcast %and3A_105 : i32 to vector<16xi32>
        %and3A_107 = arith.andi %add3A_104, %and3A_106 : vector<16xi32>
        %add3A_108 = vector.broadcast %mul3A_71 : i32 to vector<16xi32>
        %add3A_109 = arith.addi %add3A_108, %and3A_107 : vector<16xi32>
        %gather3A_110 = tpu.vector_load_idx %arg7[%add3A_76, %add3A_109] : memref<64x64xf32, #tpu.memory_space<vmem>>[vector<16xi32>, vector<16xi32>], vector<16xf32>,
        tpu.vector_store_idx %arg6[%add3A_109, %add3A_76], %gather3A_110 : memref<384x128xf32, #tpu.memory_space<vmem>>[vector<16xi32>, vector<16xi32>], vector<16xf32>,
        %add3A_111 = arith.constant 4 : i32
        %add3A_112 = vector.broadcast %add3A_111 : i32 to vector<16xi32>
        %add3A_113 = arith.addi %iota3A, %add3A_112 : vector<16xi32>
        %and3A_114 = arith.constant 15 : i32
        %and3A_115 = vector.broadcast %and3A_114 : i32 to vector<16xi32>
        %and3A_116 = arith.andi %add3A_113, %and3A_115 : vector<16xi32>
        %add3A_117 = vector.broadcast %mul3A_71 : i32 to vector<16xi32>
        %add3A_118 = arith.addi %add3A_117, %and3A_116 : vector<16xi32>
        %gather3A_119 = tpu.vector_load_idx %arg7[%add3A_76, %add3A_118] : memref<64x64xf32, #tpu.memory_space<vmem>>[vector<16xi32>, vector<16xi32>], vector<16xf32>,
        tpu.vector_store_idx %arg6[%add3A_118, %add3A_76], %gather3A_119 : memref<384x128xf32, #tpu.memory_space<vmem>>[vector<16xi32>, vector<16xi32>], vector<16xf32>,
        %add3A_120 = arith.constant 5 : i32
        %add3A_121 = vector.broadcast %add3A_120 : i32 to vector<16xi32>
        %add3A_122 = arith.addi %iota3A, %add3A_121 : vector<16xi32>
        %and3A_123 = arith.constant 15 : i32
        %and3A_124 = vector.broadcast %and3A_123 : i32 to vector<16xi32>
        %and3A_125 = arith.andi %add3A_122, %and3A_124 : vector<16xi32>
        %add3A_126 = vector.broadcast %mul3A_71 : i32 to vector<16xi32>
        %add3A_127 = arith.addi %add3A_126, %and3A_125 : vector<16xi32>
        %gather3A_128 = tpu.vector_load_idx %arg7[%add3A_76, %add3A_127] : memref<64x64xf32, #tpu.memory_space<vmem>>[vector<16xi32>, vector<16xi32>], vector<16xf32>,
        tpu.vector_store_idx %arg6[%add3A_127, %add3A_76], %gather3A_128 : memref<384x128xf32, #tpu.memory_space<vmem>>[vector<16xi32>, vector<16xi32>], vector<16xf32>,
        %add3A_129 = arith.constant 6 : i32
        %add3A_130 = vector.broadcast %add3A_129 : i32 to vector<16xi32>
        %add3A_131 = arith.addi %iota3A, %add3A_130 : vector<16xi32>
        %and3A_132 = arith.constant 15 : i32
        %and3A_133 = vector.broadcast %and3A_132 : i32 to vector<16xi32>
        %and3A_134 = arith.andi %add3A_131, %and3A_133 : vector<16xi32>
        %add3A_135 = vector.broadcast %mul3A_71 : i32 to vector<16xi32>
        %add3A_136 = arith.addi %add3A_135, %and3A_134 : vector<16xi32>
        %gather3A_137 = tpu.vector_load_idx %arg7[%add3A_76, %add3A_136] : memref<64x64xf32, #tpu.memory_space<vmem>>[vector<16xi32>, vector<16xi32>], vector<16xf32>,
        tpu.vector_store_idx %arg6[%add3A_136, %add3A_76], %gather3A_137 : memref<384x128xf32, #tpu.memory_space<vmem>>[vector<16xi32>, vector<16xi32>], vector<16xf32>,
        %add3A_138 = arith.constant 7 : i32
        %add3A_139 = vector.broadcast %add3A_138 : i32 to vector<16xi32>
        %add3A_140 = arith.addi %iota3A, %add3A_139 : vector<16xi32>
        %and3A_141 = arith.constant 15 : i32
        %and3A_142 = vector.broadcast %and3A_141 : i32 to vector<16xi32>
        %and3A_143 = arith.andi %add3A_140, %and3A_142 : vector<16xi32>
        %add3A_144 = vector.broadcast %mul3A_71 : i32 to vector<16xi32>
        %add3A_145 = arith.addi %add3A_144, %and3A_143 : vector<16xi32>
        %gather3A_146 = tpu.vector_load_idx %arg7[%add3A_76, %add3A_145] : memref<64x64xf32, #tpu.memory_space<vmem>>[vector<16xi32>, vector<16xi32>], vector<16xf32>,
        tpu.vector_store_idx %arg6[%add3A_145, %add3A_76], %gather3A_146 : memref<384x128xf32, #tpu.memory_space<vmem>>[vector<16xi32>, vector<16xi32>], vector<16xf32>,
        %add3A_147 = arith.constant 8 : i32
        %add3A_148 = vector.broadcast %add3A_147 : i32 to vector<16xi32>
        %add3A_149 = arith.addi %iota3A, %add3A_148 : vector<16xi32>
        %and3A_150 = arith.constant 15 : i32
        %and3A_151 = vector.broadcast %and3A_150 : i32 to vector<16xi32>
        %and3A_152 = arith.andi %add3A_149, %and3A_151 : vector<16xi32>
        %add3A_153 = vector.broadcast %mul3A_71 : i32 to vector<16xi32>
        %add3A_154 = arith.addi %add3A_153, %and3A_152 : vector<16xi32>
        %gather3A_155 = tpu.vector_load_idx %arg7[%add3A_76, %add3A_154] : memref<64x64xf32, #tpu.memory_space<vmem>>[vector<16xi32>, vector<16xi32>], vector<16xf32>,
        tpu.vector_store_idx %arg6[%add3A_154, %add3A_76], %gather3A_155 : memref<384x128xf32, #tpu.memory_space<vmem>>[vector<16xi32>, vector<16xi32>], vector<16xf32>,
        %add3A_156 = arith.constant 9 : i32
        %add3A_157 = vector.broadcast %add3A_156 : i32 to vector<16xi32>
        %add3A_158 = arith.addi %iota3A, %add3A_157 : vector<16xi32>
        %and3A_159 = arith.constant 15 : i32
        %and3A_160 = vector.broadcast %and3A_159 : i32 to vector<16xi32>
        %and3A_161 = arith.andi %add3A_158, %and3A_160 : vector<16xi32>
        %add3A_162 = vector.broadcast %mul3A_71 : i32 to vector<16xi32>
        %add3A_163 = arith.addi %add3A_162, %and3A_161 : vector<16xi32>
        %gather3A_164 = tpu.vector_load_idx %arg7[%add3A_76, %add3A_163] : memref<64x64xf32, #tpu.memory_space<vmem>>[vector<16xi32>, vector<16xi32>], vector<16xf32>,
        tpu.vector_store_idx %arg6[%add3A_163, %add3A_76], %gather3A_164 : memref<384x128xf32, #tpu.memory_space<vmem>>[vector<16xi32>, vector<16xi32>], vector<16xf32>,
        %add3A_165 = arith.constant 10 : i32
        %add3A_166 = vector.broadcast %add3A_165 : i32 to vector<16xi32>
        %add3A_167 = arith.addi %iota3A, %add3A_166 : vector<16xi32>
        %and3A_168 = arith.constant 15 : i32
        %and3A_169 = vector.broadcast %and3A_168 : i32 to vector<16xi32>
        %and3A_170 = arith.andi %add3A_167, %and3A_169 : vector<16xi32>
        %add3A_171 = vector.broadcast %mul3A_71 : i32 to vector<16xi32>
        %add3A_172 = arith.addi %add3A_171, %and3A_170 : vector<16xi32>
        %gather3A_173 = tpu.vector_load_idx %arg7[%add3A_76, %add3A_172] : memref<64x64xf32, #tpu.memory_space<vmem>>[vector<16xi32>, vector<16xi32>], vector<16xf32>,
        tpu.vector_store_idx %arg6[%add3A_172, %add3A_76], %gather3A_173 : memref<384x128xf32, #tpu.memory_space<vmem>>[vector<16xi32>, vector<16xi32>], vector<16xf32>,
        %add3A_174 = arith.constant 11 : i32
        %add3A_175 = vector.broadcast %add3A_174 : i32 to vector<16xi32>
        %add3A_176 = arith.addi %iota3A, %add3A_175 : vector<16xi32>
        %and3A_177 = arith.constant 15 : i32
        %and3A_178 = vector.broadcast %and3A_177 : i32 to vector<16xi32>
        %and3A_179 = arith.andi %add3A_176, %and3A_178 : vector<16xi32>
        %add3A_180 = vector.broadcast %mul3A_71 : i32 to vector<16xi32>
        %add3A_181 = arith.addi %add3A_180, %and3A_179 : vector<16xi32>
        %gather3A_182 = tpu.vector_load_idx %arg7[%add3A_76, %add3A_181] : memref<64x64xf32, #tpu.memory_space<vmem>>[vector<16xi32>, vector<16xi32>], vector<16xf32>,
        tpu.vector_store_idx %arg6[%add3A_181, %add3A_76], %gather3A_182 : memref<384x128xf32, #tpu.memory_space<vmem>>[vector<16xi32>, vector<16xi32>], vector<16xf32>,
        %add3A_183 = arith.constant 12 : i32
        %add3A_184 = vector.broadcast %add3A_183 : i32 to vector<16xi32>
        %add3A_185 = arith.addi %iota3A, %add3A_184 : vector<16xi32>
        %and3A_186 = arith.constant 15 : i32
        %and3A_187 = vector.broadcast %and3A_186 : i32 to vector<16xi32>
        %and3A_188 = arith.andi %add3A_185, %and3A_187 : vector<16xi32>
        %add3A_189 = vector.broadcast %mul3A_71 : i32 to vector<16xi32>
        %add3A_190 = arith.addi %add3A_189, %and3A_188 : vector<16xi32>
        %gather3A_191 = tpu.vector_load_idx %arg7[%add3A_76, %add3A_190] : memref<64x64xf32, #tpu.memory_space<vmem>>[vector<16xi32>, vector<16xi32>], vector<16xf32>,
        tpu.vector_store_idx %arg6[%add3A_190, %add3A_76], %gather3A_191 : memref<384x128xf32, #tpu.memory_space<vmem>>[vector<16xi32>, vector<16xi32>], vector<16xf32>,
        %add3A_192 = arith.constant 13 : i32
        %add3A_193 = vector.broadcast %add3A_192 : i32 to vector<16xi32>
        %add3A_194 = arith.addi %iota3A, %add3A_193 : vector<16xi32>
        %and3A_195 = arith.constant 15 : i32
        %and3A_196 = vector.broadcast %and3A_195 : i32 to vector<16xi32>
        %and3A_197 = arith.andi %add3A_194, %and3A_196 : vector<16xi32>
        %add3A_198 = vector.broadcast %mul3A_71 : i32 to vector<16xi32>
        %add3A_199 = arith.addi %add3A_198, %and3A_197 : vector<16xi32>
        %gather3A_200 = tpu.vector_load_idx %arg7[%add3A_76, %add3A_199] : memref<64x64xf32, #tpu.memory_space<vmem>>[vector<16xi32>, vector<16xi32>], vector<16xf32>,
        tpu.vector_store_idx %arg6[%add3A_199, %add3A_76], %gather3A_200 : memref<384x128xf32, #tpu.memory_space<vmem>>[vector<16xi32>, vector<16xi32>], vector<16xf32>,
        %add3A_201 = arith.constant 14 : i32
        %add3A_202 = vector.broadcast %add3A_201 : i32 to vector<16xi32>
        %add3A_203 = arith.addi %iota3A, %add3A_202 : vector<16xi32>
        %and3A_204 = arith.constant 15 : i32
        %and3A_205 = vector.broadcast %and3A_204 : i32 to vector<16xi32>
        %and3A_206 = arith.andi %add3A_203, %and3A_205 : vector<16xi32>
        %add3A_207 = vector.broadcast %mul3A_71 : i32 to vector<16xi32>
        %add3A_208 = arith.addi %add3A_207, %and3A_206 : vector<16xi32>
        %gather3A_209 = tpu.vector_load_idx %arg7[%add3A_76, %add3A_208] : memref<64x64xf32, #tpu.memory_space<vmem>>[vector<16xi32>, vector<16xi32>], vector<16xf32>,
        tpu.vector_store_idx %arg6[%add3A_208, %add3A_76], %gather3A_209 : memref<384x128xf32, #tpu.memory_space<vmem>>[vector<16xi32>, vector<16xi32>], vector<16xf32>,
        %add3A_210 = arith.constant 15 : i32
        %add3A_211 = vector.broadcast %add3A_210 : i32 to vector<16xi32>
        %add3A_212 = arith.addi %iota3A, %add3A_211 : vector<16xi32>
        %and3A_213 = arith.constant 15 : i32
        %and3A_214 = vector.broadcast %and3A_213 : i32 to vector<16xi32>
        %and3A_215 = arith.andi %add3A_212, %and3A_214 : vector<16xi32>
        %add3A_216 = vector.broadcast %mul3A_71 : i32 to vector<16xi32>
        %add3A_217 = arith.addi %add3A_216, %and3A_215 : vector<16xi32>
        %gather3A_218 = tpu.vector_load_idx %arg7[%add3A_76, %add3A_217] : memref<64x64xf32, #tpu.memory_space<vmem>>[vector<16xi32>, vector<16xi32>], vector<16xf32>,
        tpu.vector_store_idx %arg6[%add3A_217, %add3A_76], %gather3A_218 : memref<384x128xf32, #tpu.memory_space<vmem>>[vector<16xi32>, vector<16xi32>], vector<16xf32>,
      }
      %scan3A_45 = arith.constant 16 : i32
      %dma_start3A = arith.constant 0 : i32
      %dma_start3A_46 = arith.constant 0 : i32
      %dma_start3A_47 = tpu.memref_slice %arg6[%dma_start3A, %dma_start3A_46] : memref<384x128xf32, #tpu.memory_space<vmem>> -> memref<64x128xf32, #tpu.memory_space<vmem>>
      %dma_start3A_48 = arith.constant 999936 : i32
      %dma_start3A_49 = arith.constant 0 : i32
      %dma_start3A_50 = tpu.memref_slice %arg4[%dma_start3A_48, %dma_start3A_49] : memref<1000000x128xf32, #tpu.memory_space<hbm>> -> memref<64x128xf32, #tpu.memory_space<hbm>>
      %dma_start3A_51 = arith.constant 999936 : i32
      %dma_start3A_52 = arith.constant 0 : i32
      %dma_start3A_53 = tpu.memref_slice %arg4[%dma_start3A_51, %dma_start3A_52] : memref<1000000x128xf32, #tpu.memory_space<hbm>> -> memref<64x128xf32, #tpu.memory_space<hbm>>
      %dma_start3A_54 = arith.constant 0 : i32
      %dma_start3A_55 = arith.constant 0 : i32
      %dma_start3A_56 = tpu.memref_slice %arg6[%dma_start3A_54, %dma_start3A_55] : memref<384x128xf32, #tpu.memory_space<vmem>> -> memref<64x128xf32, #tpu.memory_space<vmem>>
      tpu.enqueue_dma source(%dma_start3A_56 : memref<64x128xf32, #tpu.memory_space<vmem>>) target(%dma_start3A_53 : memref<64x128xf32, #tpu.memory_space<hbm>>) target_semaphore(%arg11 : memref<!tpu.dma_semaphore, #tpu.memory_space<semaphore_mem>>)
      %dma_wait3A = arith.constant 0 : i32
      %dma_wait3A_57 = arith.constant 0 : i32
      %dma_wait3A_58 = tpu.memref_slice %arg6[%dma_wait3A, %dma_wait3A_57] : memref<384x128xf32, #tpu.memory_space<vmem>> -> memref<64x128xf32, #tpu.memory_space<vmem>>
      %dma_wait3A_59 = arith.constant 0 : i32
      %dma_wait3A_60 = arith.constant 0 : i32
      %dma_wait3A_61 = tpu.memref_slice %arg4[%dma_wait3A_59, %dma_wait3A_60] : memref<1000000x128xf32, #tpu.memory_space<hbm>> -> memref<64x128xf32, #tpu.memory_space<hbm>>
      %dma_wait3A_62 = arith.constant 0 : i32
      %dma_wait3A_63 = arith.constant 0 : i32
      %dma_wait3A_64 = tpu.memref_slice %arg4[%dma_wait3A_62, %dma_wait3A_63] : memref<1000000x128xf32, #tpu.memory_space<hbm>> -> memref<64x128xf32, #tpu.memory_space<hbm>>
      %dma_wait3A_65 = arith.constant 0 : i32
      %dma_wait3A_66 = arith.constant 0 : i32
      %dma_wait3A_67 = tpu.memref_slice %arg6[%dma_wait3A_65, %dma_wait3A_66] : memref<384x128xf32, #tpu.memory_space<vmem>> -> memref<64x128xf32, #tpu.memory_space<vmem>>
      tpu.wait_dma2 semaphore(%arg11 : memref<!tpu.dma_semaphore, #tpu.memory_space<semaphore_mem>>) src(%dma_wait3A_67 : memref<64x128xf32, #tpu.memory_space<vmem>>) dst(%dma_wait3A_64 : memref<64x128xf32, #tpu.memory_space<hbm>>)
    } else {
    }
    return
  }
}

</mosaic_0001>

<sc_bundles>
// kernel: kernel.4.cloned.1.call-start
scs
__scs_entry_jumppad:
0x0: {  	(pc) =	sbr.rel $0x88, $3  }
0x1: {  	(tag) =	ssettag $0x0;
	lr =	simm.s32 $0x1  }
0x2: {  	[smem:$0x3F9F] =	sst lr;
	_ =	strace $0xD0000000  }
0x3: {  	_ = 	snop  }
0x4: {  	_ = 	snop  }
0x5: {  	_ = 	snop  }
0x6: {  	_ = 	snop  }
0x7: {  	_ = 	snop  }
__scs_overlays_trampoline_lowered:
0x8: {  	[smem:$0x3FAE] =	sst s0  }
0x9: {  	[smem:$0x3FAF] =	sst s1  }
0xa: {  	[smem:$0x3FB0] =	sst s2  }
0xb: {  	[smem:$0x3FB1] =	sst s3  }
0xc: {  	[smem:$0x3FB2] =	sst s4  }
0xd: {  	[smem:$0x3FB3] =	sst s5  }
0xe: {  	[smem:$0x3FB4] =	sst s6  }
0xf: {  	[smem:$0x3FB5] =	sst s7  }
0x10: {  	[smem:$0x3FB6] =	sst s8  }
0x11: {  	[smem:$0x3FB7] =	sst s9;
	s0 =	simm.s32 @!p0 $0x0  }
0x12: {  	s1 =	sld [smem:$0x3F9D];
	s0 =	simm.s32 @p0 $0x1  }
0x13: {  	[smem:$0x3FB8] =	sst s0;
	s0 =	simm.s32 @!p1 $0x0  }
0x14: {  	s2 =	sld [smem:$0x3F9C];
	s0 =	simm.s32 @p1 $0x1  }
0x15: {  	[smem:$0x3FB9] =	sst s0;
	s0 =	simm.s32 @!p2 $0x0  }
0x16: {  	s3 =	sld [smem:$0x3FDB];
	s0 =	simm.s32 @p2 $0x1  }
0x17: {  	s4 =	simm.s32 $0x1BF5;
	[smem:$0x3FBB] =	sst s0  }
0x18: {  	s0 =	sld [smem:$0x3F9E];
	_ =	swait.ge [sflag:s4], $0x0  }
0x19: {  	s7 =	sld [smem:$0x3F9F]  }
0x1a: {  	s8 =	sadd.s32 $0xFFFFE003, lr  }
0x1b: {  	s9 =	sadd.s32 $0xFFFFFEF7, lr;
	s5 =	simm.s32 $0xFFFFFFFF;
	p2 =	slt.u32 s8, $0xFFFFF086  }
0x1c: {  	p1 =	slt.u32 s9, $0xF7A;
	s5 =	simm.s32 @!p2 $0x0  }
0x1d: {  	s5 =	simm.s32 @p1 $0x1;
	p0 =	seq.s32 s7, s2  }
0x1e: {  	s7 =	smul.u32 @!p0 $0xF7A, s2;
	p2 =	seq.s32 @!p0 s5, $0x0  }
0x1f: {  	s9 =	smul.u32 $0xF7A, s1;
	s8 =	simm.s32 @!p0 $0x1BF5;
	p2 =	por !p2, p0  }
0x20: {  	[sflag:s8] =	ssyncset.s32 @!p0 $0xFFFFF086;
	s6 =	sadd.s32 @!p0 s3, s7;
	s7 =	simm.s32 @!p0 $0x108  }
0x21: {  	s3 =	sadd.s32 s3, s9;
	s6 =	sadd.s32 @!p0 $0x88, s6;
	s7 =	simm.s32 @p2 $0x1082  }
0x22: {  	[simem:s7], [sflag:s8] =	dma.local @!p0 [hbm:s6], $0xF7A  }
0x23: {  	s9 =	sor.u32 $0xD0000000, s2;
	s6 =	simm.s32 $0x108;
	_ =	swait.ge @!p0 [sflag:s8], $0x0  }
0x24: {  	s3 =	sadd.s32 $0x88, s3;
	s6 =	simm.s32 @!p1 $0x1082;
	[sflag:s4] =	ssyncset.s32 $0xFFFFF086  }
0x25: {  	[simem:s6], [sflag:s4] =	dma.local [hbm:s3], $0xF7A  }
0x26: {  	[smem:$0x3F9F] =	sst s1;
	(tag) =	ssettag s2;
	_ =	strace s9  }
0x27: {  	s1 =	sld [smem:$0x3FAF]  }
0x28: {  	s2 =	sld [smem:$0x3FB0]  }
0x29: {  	s4 =	sld [smem:$0x3FB2]  }
0x2a: {  	p0 =	seq.s32 s5, $0x0;
	s5 =	sld [smem:$0x3FB3]  }
0x2b: {  	s6 =	sld [smem:$0x3FB4]  }
0x2c: {  	s7 =	sld [smem:$0x3FB5]  }
0x2d: {  	s3 =	simm.s32 $0x108;
	s8 =	sld [smem:$0x3FB6]  }
0x2e: {  	s3 =	simm.s32 @!p0 $0x1082;
	s9 =	sld [smem:$0x3FB7]  }
0x2f: {  	lr =	sadd.s32 s0, s3;
	s0 =	sld [smem:$0x3FAE]  }
0x30: {  	s3 =	sld [smem:$0x3FB1]  }
0x31: {  	[smem:$0x3FBA] =	sst s10  }
0x32: {  	s10 =	sld [smem:$0x3FB8];
	_ =	sdelay $0x3  }
0x33: {  	p0 =	seq.s32 s10, $0x1;
	s10 =	sld [smem:$0x3FBA];
	_ =	sdelay $0x3  }
0x34: {  	[smem:$0x3FBA] =	sst s10  }
0x35: {  	s10 =	sld [smem:$0x3FB9];
	_ =	sdelay $0x3  }
0x36: {  	p1 =	seq.s32 s10, $0x1;
	s10 =	sld [smem:$0x3FBA];
	_ =	sdelay $0x3  }
0x37: {  	[smem:$0x3FBA] =	sst s10  }
0x38: {  	s10 =	sld [smem:$0x3FBB]  }
0x39: {  	_ = 	snop;
	(pc) =	sbr.ind lr, $3  }
0x3a: {  	_ = 	snop  }
0x3b: {  	_ = 	snop  }
0x3c: {  	p2 =	seq.s32 s10, $0x1;
	s10 =	sld [smem:$0x3FBA]  }
0x3d: {  	_ =	shalt  }
0x3e: {  	_ =	shalt  }
0x3f: {  	_ =	shalt  }
0x40: {  	_ =	shalt  }
0x41: {  	_ =	shalt  }
0x42: {  	_ =	shalt  }
0x43: {  	_ =	shalt  }
0x44: {  	_ =	shalt  }
0x45: {  	_ =	shalt  }
0x46: {  	_ =	shalt  }
0x47: {  	_ =	shalt  }
0x48: {  	_ =	shalt  }
0x49: {  	_ =	shalt  }
0x4a: {  	_ =	shalt  }
0x4b: {  	_ =	shalt  }
0x4c: {  	_ =	shalt  }
0x4d: {  	_ =	shalt  }
0x4e: {  	_ =	shalt  }
0x4f: {  	_ =	shalt  }
0x50: {  	_ =	shalt  }
0x51: {  	_ =	shalt  }
0x52: {  	_ =	shalt  }
0x53: {  	_ =	shalt  }
0x54: {  	_ =	shalt  }
0x55: {  	_ =	shalt  }
0x56: {  	_ =	shalt  }
0x57: {  	_ =	shalt  }
0x58: {  	_ =	shalt  }
0x59: {  	_ =	shalt  }
0x5a: {  	_ =	shalt  }
0x5b: {  	_ =	shalt  }
0x5c: {  	_ =	shalt  }
0x5d: {  	_ =	shalt  }
0x5e: {  	_ =	shalt  }
0x5f: {  	_ =	shalt  }
0x60: {  	_ =	shalt  }
0x61: {  	_ =	shalt  }
0x62: {  	_ =	shalt  }
0x63: {  	_ =	shalt  }
0x64: {  	_ =	shalt  }
0x65: {  	_ =	shalt  }
0x66: {  	_ =	shalt  }
0x67: {  	_ =	shalt  }
0x68: {  	_ =	shalt  }
0x69: {  	_ =	shalt  }
0x6a: {  	_ =	shalt  }
0x6b: {  	_ =	shalt  }
0x6c: {  	_ =	shalt  }
0x6d: {  	_ =	shalt  }
0x6e: {  	_ =	shalt  }
0x6f: {  	_ =	shalt  }
0x70: {  	_ =	shalt  }
0x71: {  	_ =	shalt  }
0x72: {  	_ =	shalt  }
0x73: {  	_ =	shalt  }
0x74: {  	_ =	shalt  }
0x75: {  	_ =	shalt  }
0x76: {  	_ =	shalt  }
0x77: {  	_ =	shalt  }
0x78: {  	_ =	shalt  }
0x79: {  	_ =	shalt  }
0x7a: {  	_ =	shalt  }
0x7b: {  	_ =	shalt  }
0x7c: {  	_ =	shalt  }
0x7d: {  	_ =	shalt  }
0x7e: {  	_ =	shalt  }
0x7f: {  	_ =	shalt  }
0x80: {  	_ =	shalt  }
0x81: {  	_ =	shalt  }
0x82: {  	_ =	shalt  }
0x83: {  	_ =	shalt  }
0x84: {  	_ =	shalt  }
0x85: {  	_ =	shalt  }
0x86: {  	_ =	shalt  }
0x87: {  	_ =	shalt  }
.Lfunc_end0:
.L_simem_size_0:
called_computation.1_lowered:
.L_overlay_start_0:
0x88: {  	s2 =	sld [smem:$0x3FD9]  }
0x89: {  	s3 =	sld [smem:$0x3FFE];
	_ =	sdelay $0x1  }
0x8a: {  	s1 =	srdreg.scid  }
0x8b: {  	s0 =	sand.u32 $0x1, s1  }
0x8c: {  	s17 =	sshll.u32 s0, $0xA;
	s2 =	sadd.s32 s3, s2  }
0x8d: {  	s2 =	sadd.s32 s2, s17  }
0x8e: {  	[smem:$0x3FC6] =	sst s2  }
0x8f: {  	_ = 	snop  }
0x90: {  	s2 =	sld [smem:$0x3FC8];
	(tm) =	ssettm $0x1  }
0x91: {  	s18 =	sld [smem:$0x3FFB];
	_ =	sdelay $0x3  }
0x92: {  	_ =	strace s18  }
0x93: {  	s3 =	sld [smem:$0x3FFC];
	_ =	sdelay $0x3  }
0x94: {  	_ =	strace s3  }
0x95: {  	s3 =	sld [smem:$0x3FFD];
	_ =	sdelay $0x3  }
0x96: {  	_ =	strace s3  }
0x97: {  	_ =	strace $0x8FFFFFFF  }
0x98: {  	s19 =	sld [smem:$0x3FDB];
	_ =	sdelay $0x1  }
0x99: {  	s4 =	simm.s32 $_scs_section_size  }
0x9a: {  	s5 =	simm.s32 $_size__tile_overlayer_lowered;
	s6 =	simm.s32 $_tile_overlayer_lowered  }
0x9b: {  	s22 =	simm.s32 $0x1BFF;
	s21 =	sshll.u32 s6, $0x1;
	s3 =	sadd.s32 s4, s19  }
0x9c: {  	s7 =	simm.s32 $0x0;
	s20 =	sshll.u32 s5, $0x1;
	s5 =	sadd.s32 s21, s3  }
0x9d: {  	[timem:s7], [sflag:s22] =	dma.local [hbm:s5], s20  }
0x9e: {  	_ =	swait.ge [sflag:s22], s20  }
0x9f: {  	s4 =	ssub.s32 $0x0, s20;
	[sflag:s22] =	ssyncset.done $0x0  }
0xa0: {  	[sflag:s22] =	ssyncadd.s32 s4;
	_ =	sdelay $0x1  }
0xa1: {  	s23 =	simm.s32 $0x1B8B  }
0xa2: {  	_ =	swait.ge [sflag:s23], $0x1  }
0xa3: {  	[sflag:s23] =	ssyncset.done $0x0  }
0xa4: {  	s25 =	simm.s32 $0x1B8E;
	s24 =	sld [smem:$0x3FFE];
	[sflag:s23] =	ssyncadd.s32 $0xFFFFFFFF  }
0xa5: {  	s26 =	simm.s32 $execute0_lowered;
	[smem:$0x3FD2] =	sst s25  }
0xa6: {  	s5 =	sshll.u32 s26, $0x1;
	_ =	strace $0x80000046;
	[dreg:$0x1] =	wrdreg $0xFFFFFFFF  }
0xa7: {  	s28 =	simm.s32 $_size_execute0_lowered;
	s3 =	sadd.s32 s3, s5;
	[dreg:$0x0] =	wrdreg $0x0  }
0xa8: {  	s5 =	sshll.u32 s28, $0x1;
	[dreg:$0x2] =	wrdreg s3  }
0xa9: {  	[dreg:$0x3] =	wrdreg s5  }
0xaa: {  	[dreg:$0x4] =	wrdreg $0xC0  }
0xab: {  	_ =	task [dreg:s7], $0x5FFFF  }
0xac: {  	[dreg:$0x1] =	wrdreg $0xFFFFFFFF  }
0xad: {  	[dreg:$0x0] =	wrdreg $0x60  }
0xae: {  	[dreg:$0x2] =	wrdreg s2  }
0xaf: {  	[dreg:$0x3] =	wrdreg s24  }
0xb0: {  	[dreg:$0x4] =	wrdreg $0x9  }
0xb1: {  	_ =	task.clear_ibuf [dreg:s7], $0x5FFFF;
	_ =	strace $0x90000046  }
0xb2: {  	s29 =	simm.s32 $0x9;
	_ =	strace $0x80000048  }
0xb3: {  	_ =	swait.ge [sflag:s29], $0x1  }
0xb4: {  	[sflag:s29] =	ssyncadd.s32 $0xFFFFFFFF  }
0xb5: {  	_ =	strace $0x90000048  }
0xb6: {  	_ =	sfence  }
0xb7: {  	s30 =	sld [smem:$0x0];
	_ =	sdelay $0x2  }
0xb8: {  	s31 =	sshll.u32 s1, $0xD;
	s1 =	sshrl.u32 s1, $0x2  }
0xb9: {  	s3 =	sand.u32 $0x4000, s31;
	s1 =	sadd.s32 s1, s30  }
0xba: {  	s0 =	sor.u32 s3, s0;
	s1 =	sshll.u32 s1, $0x11  }
0xbb: {  	s0 =	sor.u32 s1, s0  }
0xbc: {  	s0 =	sadd.s32 $0x8F2B, s0  }
0xbd: {  	[sflag:s0] =	ssyncadd.remote.s32 $0x1  }
0xbe: {  	_ =	sfence.sel $0xFFFF  }
0xbf: {  	[dreg:$0x0] =	wrdreg $0xFFFFFFFF;
	(pc) =	sbr.abs _section_cstart, $3  }
0xc0: {  	[dreg:$0x1] =	wrdreg $0xFFFFFFFF  }
0xc1: {  	_ =	task.clear_ibuf [dreg:s7], $0x2FFFF;
	_ =	strace $0x9FFFFFFF  }
0xc2: {  	(tm) =	ssettm $0x7FFFFFFF  }
0xc3: {  	_ =	shalt  }
tec
execute0_lowered:
.L_overlay_start_1:
0x0: {  	(tag) =	ssettag $0x1  }
0x1: {  	v1 =	vimm.s32 $0xFEDCBA9;
	v0 =	vlaneseq.u32  }
0x2: {  	v3 =	vimm.s32 $0x87654321;
	v4 =	vimm.s32 $0x98765432;
	v5 =	vimm.s32 $0x210FEDCB  }
0x3: {  	v6 =	vimm.s32 $0xA9876543;
	v16 =	vimm.s32 $0xCBA98765;
	v18 =	vimm.s32 $0x6543210F  }
0x4: {  	v19 =	vimm.s32 $0xEDCBA987;
	v20 =	vimm.s32 $0xFEDCBA98;
	v21 =	vimm.s32 $0x76543210  }
0x5: {  	v2 =	vunpack.c.l.s4.s8 v1;
	v1 =	vmul.u32 $0x80, v0;
	v4 =	vunpack.c.l.s4.s8 v4  }
0x6: {  	v5 =	vunpack.c.l.s4.s8 v5;
	v18 =	vunpack.c.l.s4.s8 v18;
	v19 =	vunpack.c.l.s4.s8 v19  }
0x7: {  	v20 =	vunpack.c.l.s4.s8 v20;
	v8 =	vunpack.c.0.s8.s32 v2;
	v2 =	vunpack.c.l.s4.s8 v3  }
0x8: {  	v3 =	vimm.s32 $0x10FEDCBA;
	v11 =	vunpack.c.0.s8.s32 v4;
	v12 =	vunpack.c.0.s8.s32 v5  }
0x9: {  	v18 =	vunpack.c.0.s8.s32 v18;
	v19 =	vunpack.c.0.s8.s32 v19;
	v3 =	vunpack.c.l.s4.s8 v3  }
0xa: {  	v20 =	vunpack.c.0.s8.s32 v20;
	v9 =	vunpack.c.0.s8.s32 v2;
	v2 =	vunpack.c.l.s4.s8 v6  }
0xb: {  	v24 =	vcombine.low v19, v18;
	v10 =	vunpack.c.0.s8.s32 v3;
	v3 =	vimm.s32 $0x3210FEDC  }
0xc: {  	v20 =	vand.u32 $0xF, v20;
	v13 =	vunpack.c.0.s8.s32 v2;
	v2 =	vunpack.c.l.s4.s8 v3  }
0xd: {  	s0 =	rddreg [dreg:$0x0];
	v3 =	vimm.s32 $0xBA987654;
	v4 =	vcombine.low v9, v8;
	v63 =	vcombine.low v8, v9  }
0xe: {  	s1 =	rddreg [dreg:$0x1];
	s2 =	srdreg.scid;
	v9 =	vand.u32 $0xF, v24;
	v5 =	vcombine.low v11, v10;
	v3 =	vunpack.c.l.s4.s8 v3  }
0xf: {  	s9 =	stileid.u32;
	s3 =	simm.s32 $0x0;
	s13 =	simm.s32 $0x400;
	v11 =	vcombine.low v10, v11;
	v6 =	vcombine.low v13, v12;
	v14 =	vunpack.c.0.s8.s32 v2  }
0x10: {  	s14 =	simm.s32 $0x7A1400;
	s15 =	simm.s32 $0x2000;
	s16 =	simm.s32 $0x1;
	v2 =	vimm.s32 $0x43210FED;
	v12 =	vcombine.low v12, v13;
	v15 =	vunpack.c.0.s8.s32 v3  }
0x11: {  	s17 =	simm.s32 $0x4;
	s18 =	simm.s32 $0x4000;
	s19 =	simm.s32 $0x6000;
	v7 =	vunpack.c.l.s4.s8 v2;
	v3 =	vand.u32 $0xF, v5;
	v5 =	vunpack.c.l.s4.s8 v16  }
0x12: {  	s21 =	simm.s32 $0x7;
	s22 =	simm.s32 $0x2;
	s23 =	simm.s32 $0x3;
	v10 =	vand.u32 $0xF, v63;
	v2 =	vand.u32 $0xF, v4;
	v11 =	vand.u32 $0xF, v11  }
0x13: {  	s24 =	simm.s32 $0x0;
	s2 =	sand.u32 $0x1, s2;
	s4 =	sshll.u32 s9, $0x1;
	v4 =	vand.u32 $0xF, v6;
	v16 =	vunpack.c.0.s8.s32 v7;
	v17 =	vunpack.c.0.s8.s32 v5  }
0x14: {  	[smem:$0x7FF] =	sst s3;
	s5 =	sadd.s32 $0x1200, s1;
	p0 =	slt.u32 s9, $0x2;
	v5 =	vimm.s32 $0x543210FE;
	v7 =	vimm.s32 $0xDCBA9876;
	v13 =	vcombine.low v14, v15  }
0x15: {  	s9 =	simm.s32 $0xF4;
	s11 =	sadd.s32 $0xF43200, s1;
	s20 =	sor.u32 s2, s4;
	v12 =	vand.u32 $0xF, v12;
	v5 =	vunpack.c.l.s4.s8 v5;
	v7 =	vunpack.c.l.s4.s8 v7  }
0x16: {  	_ =	strace $0x80000047;
	s4 =	sadd.s32 $0xE00, s1;
	s6 =	smul.u32 $0xF4, s20;
	v6 =	vcombine.low v15, v14;
	v14 =	vcombine.low v16, v17;
	v13 =	vand.u32 $0xF, v13  }
.Ltmp0:
0x17: {  	s2 =	ssub.s32 $0x2, s2;
	s7 =	smin.u32 s20, $0x4;
	v22 =	vunpack.c.0.s8.s32 v5;
	v23 =	vunpack.c.0.s8.s32 v7;
	v7 =	vunpack.c.l.s4.s8 v21;
	(pc) =	sbr.rel .LBB2_1-.Ltmp0, $4  }
0x18: {  	s9 =	simm.s32 @!p0 $0xF3;
	s8 =	sshrl.u32 s2, $0x1;
	s6 =	sadd.s32 s7, s6;
	v5 =	vand.u32 $0xF, v6;
	v6 =	vcombine.low v17, v16;
	v16 =	vcombine.low v18, v19  }
0x19: {  	s2 =	ssub.s32 s2, s8;
	s7 =	simm.s32 $0xF5;
	s31 =	sshll.u32 s6, $0x7;
	v7 =	vunpack.c.0.s8.s32 v7;
	v62 =	vcombine.low v23, v22;
	v15 =	vcombine.low v22, v23  }
0x1a: {  	s12 =	smax.u32 s2, $0x1;
	s7 =	simm.s32 @!p0 $0xF4;
	s8 =	sadd.s32 s0, s31;
	v14 =	vand.u32 $0xF, v14;
	v6 =	vand.u32 $0xF, v6;
	v16 =	vand.u32 $0xF, v16  }
0x1b: {  	p0 =	sne.s32 s20, $0x1F;
	s20 =	simm.s32 $0x12000;
	s10 =	sadd.s32 $0x80, s8;
	v7 =	vcombine.low v20, v7;
	v8 =	vand.u32 $0xF, v62;
	v15 =	vand.u32 $0xF, v15  }
.LBB2_28:
0x1c: {  	s24 =	sadd.s32 $0x1, s24  }
0x1d: {  	p1 =	sne.s32 s24, s12  }
.Ltmp1:
0x1e: {  	_ = 	snop;
	(pc) =	sbr.rel @!p1 .LBB2_29-.Ltmp1, $1  }
0x1f: {  	_ =	sdelay $0x3  }
.LBB2_1:
0x20: {  	[tilespmem:s3], [sflag:$0x1] =	stream.strided.gather [hbm4b:s8+s13], $0x2000, s14, s13, $0x38;
	[tilespmem:$0x14000] =	vst v63  }
0x21: {  	s25 =	simm.s32 $0x0  }
0x22: {  	[tilespmem:s15], [sflag:$0x2] =	stream.strided.gather [hbm4b:s10+s13], $0x2000, s14, s13, $0x38;
	[tilespmem:$0x14000] =	vst v63  }
.LBB2_2:
0x23: {  	s1 =	smulhi.u32 $0xAAAAAAAB, s25;
	_ =	sdelay $0x1  }
0x24: {  	s1 =	sshrl.u32 s1, $0x1  }
0x25: {  	s1 =	smul.u32 $0x3, s1;
	_ =	sdelay $0x1  }
0x26: {  	s26 =	ssub.s32 s25, s1  }
0x27: {  	p1 =	seq.s32 s26, $0x0  }
.Ltmp2:
0x28: {  	_ = 	snop;
	(pc) =	sbr.rel @p1 .LBB2_10-.Ltmp2, $1  }
0x29: {  	_ =	sdelay $0x3  }
0x2a: {  	p1 =	seq.s32 s26, $0x1  }
.Ltmp3:
0x2b: {  	_ = 	snop;
	(pc) =	sbr.rel @!p1 .LBB2_6-.Ltmp3, $1  }
0x2c: {  	_ =	sdelay $0x3  }
0x2d: {  	p2 =	sgt.u32 s25, $0x2  }
.Ltmp4:
0x2e: {  	_ = 	snop;
	(pc) =	sbr.rel @p2 .LBB2_7-.Ltmp4, $4  }
0x2f: {  	_ = 	snop  }
0x30: {  	_ =	swait.ge [sflag:s22], $0x2000  }
0x31: {  	[sflag:s22] =	ssyncset.done $0x0  }
0x32: {  	s1 =	simm.s32 $0x5;
	[sflag:s22] =	ssyncadd.s32 $0xFFFFE000  }
.Ltmp5:
0x33: {  	(pc) =	sbr.rel .LBB2_8-.Ltmp5, $2  }
0x34: {  	_ =	sdelay $0x2  }
0x35: {  	p3 =	por $0x0, $0x0;
	p1 =	por $0x1, $0x1  }
.LBB2_10:
0x36: {  	p1 =	sgt.u32 s25, $0x2  }
.Ltmp6:
0x37: {  	_ = 	snop;
	(pc) =	sbr.rel @!p1 .LBB2_11-.Ltmp6, $4  }
0x38: {  	_ = 	snop  }
0x39: {  	_ =	swait.ge [sflag:s16], $0x2000  }
0x3a: {  	[sflag:s16] =	ssyncset.done $0x0  }
0x3b: {  	[sflag:s16] =	ssyncadd.s32 $0xFFFFE000  }
0x3c: {  	s1 =	sadd.s32 $0x2, s25  }
0x3d: {  	p3 =	slt.u32 s1, s7  }
.Ltmp7:
0x3e: {  	_ = 	snop;
	(pc) =	sbr.rel @!p3 .LBB2_19-.Ltmp7, $4  }
.Ltmp8:
0x3f: {  	_ = 	snop;
	(pc) =	sbr.rel @p3 .LBB2_14-.Ltmp8, $4  }
0x40: {  	_ =	swait.ge [sflag:s17], $0x4000  }
0x41: {  	[sflag:s17] =	ssyncset.done $0x0  }
0x42: {  	p2 =	por $0x0, $0x0;
	p1 =	por $0x0, $0x0;
	[sflag:s17] =	ssyncadd.s32 $0xFFFFC000  }
0x43: {  	_ = 	snop  }
.LBB2_6:
0x44: {  	p2 =	slt.u32 s25, $0x3  }
.Ltmp9:
0x45: {  	_ = 	snop;
	(pc) =	sbr.rel @p2 .LBB2_12-.Ltmp9, $4  }
0x46: {  	_ = 	snop  }
0x47: {  	_ =	swait.ge [sflag:s23], $0x2000  }
0x48: {  	[sflag:s23] =	ssyncset.done $0x0  }
0x49: {  	s1 =	simm.s32 $0x6;
	[sflag:s23] =	ssyncadd.s32 $0xFFFFE000  }
.LBB2_7:
0x4a: {  	_ =	swait.ge [sflag:s1], $0x4000  }
0x4b: {  	[sflag:s1] =	ssyncset.done $0x0  }
0x4c: {  	p3 =	sne.s32 s26, $0x1;
	[sflag:s1] =	ssyncadd.s32 $0xFFFFC000  }
.LBB2_8:
0x4d: {  	s1 =	sadd.s32 $0x2, s25  }
0x4e: {  	p2 =	slt.u32 s1, s7  }
.Ltmp10:
0x4f: {  	_ = 	snop;
	(pc) =	sbr.rel @!p2 .LBB2_9-.Ltmp10, $1  }
0x50: {  	_ =	sdelay $0x3  }
.Ltmp11:
0x51: {  	(pc) =	sbr.rel @!p1 .LBB2_15-.Ltmp11, $1  }
0x52: {  	_ =	sdelay $0x3  }
.Ltmp12:
0x53: {  	s2 =	sadd.s32 s6, s1;
	(pc) =	sbr.rel @!p3 .LBB2_19-.Ltmp12, $4  }
.Ltmp13:
0x54: {  	s2 =	sshll.u32 s2, $0x7;
	(pc) =	sbr.rel @p3 .LBB2_18-.Ltmp13, $4  }
0x55: {  	s2 =	sand.u32 $0x1FFFFF80, s2  }
0x56: {  	p2 =	por $0x0, $0x0;
	p1 =	por $0x1, $0x1;
	s2 =	sadd.s32 s0, s2  }
0x57: {  	[tilespmem:s3], [sflag:$0x1] =	stream.strided.gather [hbm4b:s2+s13], $0x2000, s14, s13, $0x38;
	[tilespmem:$0x14000] =	vst v63  }
0x58: {  	_ = 	snop  }
.LBB2_9:
.Ltmp14:
0x59: {  	(pc) =	sbr.rel .LBB2_19-.Ltmp14, $2  }
0x5a: {  	_ =	sdelay $0x2  }
0x5b: {  	p2 =	por p3, p3  }
.LBB2_11:
0x5c: {  	s1 =	sadd.s32 $0x2, s25  }
.LBB2_14:
0x5d: {  	s2 =	sadd.s32 s6, s1  }
0x5e: {  	s2 =	sshll.u32 s2, $0x7  }
0x5f: {  	s2 =	sand.u32 $0x1FFFFF80, s2  }
0x60: {  	p3 =	por $0x0, $0x0;
	s2 =	sadd.s32 s0, s2  }
0x61: {  	[tilespmem:s18], [sflag:$0x3] =	stream.strided.gather [hbm4b:s2+s13], $0x2000, s14, s13, $0x38;
	[tilespmem:$0x14000] =	vst v63  }
.LBB2_15:
.Ltmp15:
0x62: {  	(pc) =	sbr.rel @!p3 .LBB2_19-.Ltmp15, $4  }
.Ltmp16:
0x63: {  	(pc) =	sbr.rel @p3 .LBB2_18-.Ltmp16, $4  }
0x64: {  	_ = 	snop  }
0x65: {  	_ = 	snop  }
0x66: {  	p1 =	por $0x0, $0x0;
	p2 =	por $0x0, $0x0  }
0x67: {  	_ = 	snop  }
.LBB2_12:
0x68: {  	s1 =	sadd.s32 $0x2, s25;
	p1 =	por $0x0, $0x0  }
.LBB2_18:
0x69: {  	s1 =	sadd.s32 s6, s1  }
0x6a: {  	s1 =	sshll.u32 s1, $0x7  }
0x6b: {  	s1 =	sand.u32 $0x1FFFFF80, s1  }
0x6c: {  	p2 =	por $0x1, $0x1;
	s1 =	sadd.s32 s0, s1  }
0x6d: {  	[tilespmem:s15], [sflag:$0x2] =	stream.strided.gather [hbm4b:s1+s13], $0x2000, s14, s13, $0x38;
	[tilespmem:$0x14000] =	vst v63  }
.LBB2_19:
0x6e: {  	s28 =	simm.s32 $0x0  }
0x6f: {  	s29 =	sshll.u32 s26, $0x6;
	s1 =	sand.u32 $0x20, s28  }
0x70: {  	s2 =	sor.u32 s29, s1  }
0x71: {  	v17 =	vmov s2  }
0x72: {  	s30 =	sand.u32 $0x70, s28;
	v17 =	vshll.u32 v17, $0x7  }
0x73: {  	v19 =	vor.u32 s30, v0;
	v18 =	vor.u32 v1, v17  }
0x74: {  	v20 =	vor.u32 v19, v18  }
0x75: {  	s31 =	sshll.u32 s26, $0x7  }
0x76: {  	v17 =	vmov s31  }
0x77: {  	v21 =	vor.u32 v17, v19  }
0x78: {  	v22 =	vor.u32 s1, v0;
	v21 =	vshll.u32 v21, $0x7  }
0x79: {  	v24 =	vor.u32 s30, v2;
	v23 =	vor.u32 v22, v21;
	v20 =	vld.idx.msk [tilespmem:v20+s3+$0x0], $0xffff  }
0x7a: {  	v25 =	vor.u32 v24, v18;
	_ =	sdelay $0x2  }
0x7b: {  	v26 =	vor.u32 v17, v24  }
0x7c: {  	[tilespmem:v23+s19+$0x0] =	vst.idx.msk $0xffff, v20;
	v20 =	vshll.u32 v26, $0x7  }
0x7d: {  	v26 =	vor.u32 s30, v3;
	v23 =	vld.idx.msk [tilespmem:v25+s3+$0x0], $0xffff;
	v45 =	vor.u32 v22, v20  }
0x7e: {  	v27 =	vor.u32 v26, v18;
	_ =	sdelay $0x2  }
0x7f: {  	v28 =	vor.u32 v17, v26  }
0x80: {  	[tilespmem:v45+s19+$0x0] =	vst.idx.msk $0xffff, v23;
	v23 =	vshll.u32 v28, $0x7  }
0x81: {  	v28 =	vor.u32 s30, v4;
	v25 =	vld.idx.msk [tilespmem:v27+s3+$0x0], $0xffff;
	v46 =	vor.u32 v22, v23  }
0x82: {  	v29 =	vor.u32 v28, v18;
	_ =	sdelay $0x2  }
0x83: {  	v30 =	vor.u32 v17, v28  }
0x84: {  	[tilespmem:v46+s19+$0x0] =	vst.idx.msk $0xffff, v25;
	v25 =	vshll.u32 v30, $0x7  }
0x85: {  	v30 =	vor.u32 s30, v5;
	v27 =	vld.idx.msk [tilespmem:v29+s3+$0x0], $0xffff;
	v47 =	vor.u32 v22, v25  }
0x86: {  	v31 =	vor.u32 v30, v18;
	_ =	sdelay $0x2  }
0x87: {  	v32 =	vor.u32 v17, v30  }
0x88: {  	[tilespmem:v47+s19+$0x0] =	vst.idx.msk $0xffff, v27;
	v27 =	vshll.u32 v32, $0x7  }
0x89: {  	v32 =	vor.u32 s30, v6;
	v29 =	vld.idx.msk [tilespmem:v31+s3+$0x0], $0xffff;
	v48 =	vor.u32 v22, v27  }
0x8a: {  	v33 =	vor.u32 v32, v18;
	_ =	sdelay $0x2  }
0x8b: {  	v34 =	vor.u32 v17, v32  }
0x8c: {  	[tilespmem:v48+s19+$0x0] =	vst.idx.msk $0xffff, v29;
	v29 =	vshll.u32 v34, $0x7  }
0x8d: {  	v34 =	vor.u32 s30, v8;
	v31 =	vld.idx.msk [tilespmem:v33+s3+$0x0], $0xffff;
	v49 =	vor.u32 v22, v29  }
0x8e: {  	v35 =	vor.u32 v34, v18;
	_ =	sdelay $0x2  }
0x8f: {  	v36 =	vor.u32 v17, v34  }
0x90: {  	[tilespmem:v49+s19+$0x0] =	vst.idx.msk $0xffff, v31;
	v31 =	vshll.u32 v36, $0x7  }
0x91: {  	v36 =	vor.u32 s30, v9;
	v33 =	vld.idx.msk [tilespmem:v35+s3+$0x0], $0xffff;
	v50 =	vor.u32 v22, v31  }
0x92: {  	v37 =	vor.u32 v36, v18;
	_ =	sdelay $0x2  }
0x93: {  	v38 =	vor.u32 v17, v36  }
0x94: {  	[tilespmem:v50+s19+$0x0] =	vst.idx.msk $0xffff, v33;
	v33 =	vshll.u32 v38, $0x7  }
0x95: {  	v38 =	vor.u32 s30, v7;
	v35 =	vld.idx.msk [tilespmem:v37+s3+$0x0], $0xffff;
	v51 =	vor.u32 v22, v33  }
0x96: {  	v39 =	vor.u32 v38, v18;
	_ =	sdelay $0x2  }
0x97: {  	v40 =	vor.u32 v17, v38  }
0x98: {  	[tilespmem:v51+s19+$0x0] =	vst.idx.msk $0xffff, v35;
	v35 =	vshll.u32 v40, $0x7  }
0x99: {  	v40 =	vor.u32 s30, v10;
	v37 =	vld.idx.msk [tilespmem:v39+s3+$0x0], $0xffff;
	v52 =	vor.u32 v22, v35  }
0x9a: {  	v41 =	vor.u32 v40, v18;
	_ =	sdelay $0x2  }
0x9b: {  	v42 =	vor.u32 v17, v40  }
0x9c: {  	[tilespmem:v52+s19+$0x0] =	vst.idx.msk $0xffff, v37;
	v37 =	vshll.u32 v42, $0x7  }
0x9d: {  	v42 =	vor.u32 s30, v11;
	v39 =	vld.idx.msk [tilespmem:v41+s3+$0x0], $0xffff;
	v53 =	vor.u32 v22, v37  }
0x9e: {  	v43 =	vor.u32 v42, v18;
	_ =	sdelay $0x2  }
0x9f: {  	v44 =	vor.u32 v17, v42  }
0xa0: {  	[tilespmem:v53+s19+$0x0] =	vst.idx.msk $0xffff, v39;
	v39 =	vshll.u32 v44, $0x7  }
0xa1: {  	v44 =	vor.u32 s30, v12;
	v41 =	vld.idx.msk [tilespmem:v43+s3+$0x0], $0xffff;
	v54 =	vor.u32 v22, v39  }
0xa2: {  	v45 =	vor.u32 v44, v18;
	_ =	sdelay $0x2  }
0xa3: {  	v46 =	vor.u32 v17, v44  }
0xa4: {  	[tilespmem:v54+s19+$0x0] =	vst.idx.msk $0xffff, v41;
	v41 =	vshll.u32 v46, $0x7  }
0xa5: {  	v46 =	vor.u32 s30, v13;
	v43 =	vld.idx.msk [tilespmem:v45+s3+$0x0], $0xffff;
	v55 =	vor.u32 v22, v41  }
0xa6: {  	v47 =	vor.u32 v46, v18;
	_ =	sdelay $0x2  }
0xa7: {  	v48 =	vor.u32 v17, v46  }
0xa8: {  	[tilespmem:v55+s19+$0x0] =	vst.idx.msk $0xffff, v43;
	v43 =	vshll.u32 v48, $0x7  }
0xa9: {  	v48 =	vor.u32 s30, v14;
	v45 =	vld.idx.msk [tilespmem:v47+s3+$0x0], $0xffff;
	v56 =	vor.u32 v22, v43  }
0xaa: {  	v49 =	vor.u32 v48, v18;
	_ =	sdelay $0x2  }
0xab: {  	v50 =	vor.u32 v17, v48  }
0xac: {  	[tilespmem:v56+s19+$0x0] =	vst.idx.msk $0xffff, v45;
	v45 =	vshll.u32 v50, $0x7  }
0xad: {  	v58 =	vor.u32 s30, v15;
	v47 =	vld.idx.msk [tilespmem:v49+s3+$0x0], $0xffff;
	v57 =	vor.u32 v22, v45  }
0xae: {  	v51 =	vor.u32 v58, v18;
	_ =	sdelay $0x2  }
0xaf: {  	v52 =	vor.u32 v17, v58  }
0xb0: {  	v59 =	vshll.u32 v52, $0x7;
	[tilespmem:v57+s19+$0x0] =	vst.idx.msk $0xffff, v47  }
0xb1: {  	v61 =	vor.u32 s30, v16;
	v60 =	vor.u32 v22, v59;
	v49 =	vld.idx.msk [tilespmem:v51+s3+$0x0], $0xffff  }
0xb2: {  	v53 =	vor.u32 v61, v18;
	_ =	sdelay $0x1  }
0xb3: {  	s2 =	sor.u32 $0x10, s2  }
0xb4: {  	v54 =	vmov s2;
	v18 =	vor.u32 v17, v61  }
0xb5: {  	v62 =	vshll.u32 v54, $0x7;
	v18 =	vshll.u32 v18, $0x7;
	[tilespmem:v60+s19+$0x0] =	vst.idx.msk $0xffff, v49  }
0xb6: {  	v22 =	vor.u32 v22, v18;
	v49 =	vor.u32 v1, v62;
	v51 =	vld.idx.msk [tilespmem:v53+s3+$0x0], $0xffff  }
0xb7: {  	v63 =	vor.u32 v19, v49;
	_ =	sdelay $0x2  }
0xb8: {  	s1 =	sor.u32 $0x10, s1  }
0xb9: {  	v19 =	vor.u32 s1, v0;
	[tilespmem:v22+s19+$0x0] =	vst.idx.msk $0xffff, v51  }
0xba: {  	v21 =	vor.u32 v19, v21;
	v22 =	vld.idx.msk [tilespmem:v63+s3+$0x0], $0xffff  }
0xbb: {  	v24 =	vor.u32 v24, v49;
	_ =	sdelay $0x3  }
0xbc: {  	[tilespmem:v21+s19+$0x0] =	vst.idx.msk $0xffff, v22  }
0xbd: {  	v20 =	vor.u32 v19, v20;
	v21 =	vld.idx.msk [tilespmem:v24+s3+$0x0], $0xffff  }
0xbe: {  	v22 =	vor.u32 v26, v49;
	_ =	sdelay $0x3  }
0xbf: {  	[tilespmem:v20+s19+$0x0] =	vst.idx.msk $0xffff, v21  }
0xc0: {  	v21 =	vor.u32 v19, v23;
	v20 =	vld.idx.msk [tilespmem:v22+s3+$0x0], $0xffff  }
0xc1: {  	v22 =	vor.u32 v28, v49;
	_ =	sdelay $0x3  }
0xc2: {  	[tilespmem:v21+s19+$0x0] =	vst.idx.msk $0xffff, v20  }
0xc3: {  	v21 =	vor.u32 v19, v25;
	v20 =	vld.idx.msk [tilespmem:v22+s3+$0x0], $0xffff  }
0xc4: {  	v22 =	vor.u32 v30, v49;
	_ =	sdelay $0x3  }
0xc5: {  	[tilespmem:v21+s19+$0x0] =	vst.idx.msk $0xffff, v20  }
0xc6: {  	v21 =	vor.u32 v19, v27;
	v20 =	vld.idx.msk [tilespmem:v22+s3+$0x0], $0xffff  }
0xc7: {  	v22 =	vor.u32 v32, v49;
	_ =	sdelay $0x3  }
0xc8: {  	[tilespmem:v21+s19+$0x0] =	vst.idx.msk $0xffff, v20  }
0xc9: {  	v21 =	vor.u32 v19, v29;
	v20 =	vld.idx.msk [tilespmem:v22+s3+$0x0], $0xffff  }
0xca: {  	v22 =	vor.u32 v34, v49;
	_ =	sdelay $0x3  }
0xcb: {  	[tilespmem:v21+s19+$0x0] =	vst.idx.msk $0xffff, v20  }
0xcc: {  	v21 =	vor.u32 v19, v31;
	v20 =	vld.idx.msk [tilespmem:v22+s3+$0x0], $0xffff  }
0xcd: {  	v22 =	vor.u32 v36, v49;
	_ =	sdelay $0x3  }
0xce: {  	[tilespmem:v21+s19+$0x0] =	vst.idx.msk $0xffff, v20  }
0xcf: {  	v21 =	vor.u32 v19, v33;
	v20 =	vld.idx.msk [tilespmem:v22+s3+$0x0], $0xffff  }
0xd0: {  	v22 =	vor.u32 v38, v49;
	_ =	sdelay $0x3  }
0xd1: {  	[tilespmem:v21+s19+$0x0] =	vst.idx.msk $0xffff, v20  }
0xd2: {  	v21 =	vor.u32 v19, v35;
	v20 =	vld.idx.msk [tilespmem:v22+s3+$0x0], $0xffff  }
0xd3: {  	v22 =	vor.u32 v40, v49;
	_ =	sdelay $0x3  }
0xd4: {  	[tilespmem:v21+s19+$0x0] =	vst.idx.msk $0xffff, v20  }
0xd5: {  	v21 =	vor.u32 v19, v37;
	v20 =	vld.idx.msk [tilespmem:v22+s3+$0x0], $0xffff  }
0xd6: {  	v22 =	vor.u32 v42, v49;
	_ =	sdelay $0x3  }
0xd7: {  	[tilespmem:v21+s19+$0x0] =	vst.idx.msk $0xffff, v20  }
0xd8: {  	v21 =	vor.u32 v19, v39;
	v20 =	vld.idx.msk [tilespmem:v22+s3+$0x0], $0xffff  }
0xd9: {  	v22 =	vor.u32 v44, v49;
	_ =	sdelay $0x3  }
0xda: {  	[tilespmem:v21+s19+$0x0] =	vst.idx.msk $0xffff, v20  }
0xdb: {  	v21 =	vor.u32 v19, v41;
	v20 =	vld.idx.msk [tilespmem:v22+s3+$0x0], $0xffff  }
0xdc: {  	v22 =	vor.u32 v46, v49;
	_ =	sdelay $0x3  }
0xdd: {  	[tilespmem:v21+s19+$0x0] =	vst.idx.msk $0xffff, v20  }
0xde: {  	v21 =	vor.u32 v19, v43;
	v20 =	vld.idx.msk [tilespmem:v22+s3+$0x0], $0xffff  }
0xdf: {  	v22 =	vor.u32 v48, v49;
	_ =	sdelay $0x3  }
0xe0: {  	[tilespmem:v21+s19+$0x0] =	vst.idx.msk $0xffff, v20  }
0xe1: {  	v21 =	vor.u32 v19, v45;
	v20 =	vld.idx.msk [tilespmem:v22+s3+$0x0], $0xffff  }
0xe2: {  	v22 =	vor.u32 v58, v49;
	_ =	sdelay $0x3  }
0xe3: {  	[tilespmem:v21+s19+$0x0] =	vst.idx.msk $0xffff, v20  }
0xe4: {  	v21 =	vld.idx.msk [tilespmem:v22+s3+$0x0], $0xffff;
	v22 =	vor.u32 v19, v59  }
0xe5: {  	v20 =	vor.u32 v61, v49  }
0xe6: {  	s2 =	simm.s32 $0x20  }
0xe7: {  	s31 =	sand.u32 $0x20, s2;
	s30 =	simm.s32 $0x40  }
.LBB2_20:
0xe8: {  	p3 =	sne.s32 s30, $0x1E0;
	s1 =	sor.u32 s29, s31  }
0xe9: {  	s28 =	sadd.s32 $0x8, s28;
	v23 =	vmov s1;
	[tilespmem:v22+s19+$0x0] =	vst.idx.msk $0xffff, v21  }
0xea: {  	s2 =	sand.u32 $0x70, s28;
	v21 =	vshll.u32 v23, $0x7;
	v22 =	vld.idx.msk [tilespmem:v20+s3+$0x0], $0xffff  }
0xeb: {  	v18 =	vor.u32 v19, v18;
	v20 =	vor.u32 s2, v0;
	v31 =	vor.u32 v1, v21  }
0xec: {  	v21 =	vor.u32 v20, v31;
	_ =	sdelay $0x3  }
0xed: {  	v23 =	vor.u32 v17, v20;
	[tilespmem:v18+s19+$0x0] =	vst.idx.msk $0xffff, v22  }
0xee: {  	v19 =	vor.u32 s31, v0;
	v18 =	vld.idx.msk [tilespmem:v21+s3+$0x0], $0xffff;
	v21 =	vshll.u32 v23, $0x7  }
0xef: {  	v22 =	vor.u32 s2, v2;
	v23 =	vor.u32 v19, v21  }
0xf0: {  	v24 =	vor.u32 v22, v31;
	_ =	sdelay $0x3  }
0xf1: {  	[tilespmem:v23+s19+$0x0] =	vst.idx.msk $0xffff, v18;
	v18 =	vor.u32 v17, v22  }
0xf2: {  	v25 =	vld.idx.msk [tilespmem:v24+s3+$0x0], $0xffff;
	v23 =	vshll.u32 v18, $0x7  }
0xf3: {  	v24 =	vor.u32 s2, v3;
	v18 =	vor.u32 v19, v23  }
0xf4: {  	v26 =	vor.u32 v24, v31;
	_ =	sdelay $0x3  }
0xf5: {  	[tilespmem:v18+s19+$0x0] =	vst.idx.msk $0xffff, v25;
	v18 =	vor.u32 v17, v24  }
0xf6: {  	v27 =	vld.idx.msk [tilespmem:v26+s3+$0x0], $0xffff;
	v25 =	vshll.u32 v18, $0x7  }
0xf7: {  	v26 =	vor.u32 s2, v4;
	v18 =	vor.u32 v19, v25  }
0xf8: {  	v28 =	vor.u32 v26, v31;
	_ =	sdelay $0x3  }
0xf9: {  	[tilespmem:v18+s19+$0x0] =	vst.idx.msk $0xffff, v27;
	v18 =	vor.u32 v17, v26  }
0xfa: {  	v29 =	vld.idx.msk [tilespmem:v28+s3+$0x0], $0xffff;
	v27 =	vshll.u32 v18, $0x7  }
0xfb: {  	v28 =	vor.u32 s2, v5;
	v18 =	vor.u32 v19, v27  }
0xfc: {  	v30 =	vor.u32 v28, v31;
	_ =	sdelay $0x3  }
0xfd: {  	[tilespmem:v18+s19+$0x0] =	vst.idx.msk $0xffff, v29;
	v18 =	vor.u32 v17, v28  }
0xfe: {  	v32 =	vld.idx.msk [tilespmem:v30+s3+$0x0], $0xffff;
	v29 =	vshll.u32 v18, $0x7  }
0xff: {  	v30 =	vor.u32 s2, v6;
	v18 =	vor.u32 v19, v29  }
0x100: {  	v33 =	vor.u32 v30, v31;
	_ =	sdelay $0x3  }
0x101: {  	[tilespmem:v18+s19+$0x0] =	vst.idx.msk $0xffff, v32;
	v18 =	vor.u32 v17, v30  }
0x102: {  	v34 =	vld.idx.msk [tilespmem:v33+s3+$0x0], $0xffff;
	v32 =	vshll.u32 v18, $0x7  }
0x103: {  	v33 =	vor.u32 s2, v8;
	v18 =	vor.u32 v19, v32  }
0x104: {  	v35 =	vor.u32 v33, v31;
	_ =	sdelay $0x3  }
0x105: {  	[tilespmem:v18+s19+$0x0] =	vst.idx.msk $0xffff, v34;
	v18 =	vor.u32 v17, v33  }
0x106: {  	v36 =	vld.idx.msk [tilespmem:v35+s3+$0x0], $0xffff;
	v34 =	vshll.u32 v18, $0x7  }
0x107: {  	v35 =	vor.u32 s2, v9;
	v18 =	vor.u32 v19, v34  }
0x108: {  	v37 =	vor.u32 v35, v31;
	_ =	sdelay $0x3  }
0x109: {  	[tilespmem:v18+s19+$0x0] =	vst.idx.msk $0xffff, v36;
	v18 =	vor.u32 v17, v35  }
0x10a: {  	v38 =	vld.idx.msk [tilespmem:v37+s3+$0x0], $0xffff;
	v36 =	vshll.u32 v18, $0x7  }
0x10b: {  	v37 =	vor.u32 s2, v7;
	v18 =	vor.u32 v19, v36  }
0x10c: {  	v39 =	vor.u32 v37, v31;
	_ =	sdelay $0x3  }
0x10d: {  	[tilespmem:v18+s19+$0x0] =	vst.idx.msk $0xffff, v38;
	v18 =	vor.u32 v17, v37  }
0x10e: {  	v40 =	vld.idx.msk [tilespmem:v39+s3+$0x0], $0xffff;
	v38 =	vshll.u32 v18, $0x7  }
0x10f: {  	v39 =	vor.u32 s2, v10;
	v18 =	vor.u32 v19, v38  }
0x110: {  	v41 =	vor.u32 v39, v31;
	_ =	sdelay $0x3  }
0x111: {  	[tilespmem:v18+s19+$0x0] =	vst.idx.msk $0xffff, v40;
	v18 =	vor.u32 v17, v39  }
0x112: {  	v42 =	vld.idx.msk [tilespmem:v41+s3+$0x0], $0xffff;
	v40 =	vshll.u32 v18, $0x7  }
0x113: {  	v41 =	vor.u32 s2, v11;
	v18 =	vor.u32 v19, v40  }
0x114: {  	v43 =	vor.u32 v41, v31;
	_ =	sdelay $0x3  }
0x115: {  	[tilespmem:v18+s19+$0x0] =	vst.idx.msk $0xffff, v42;
	v18 =	vor.u32 v17, v41  }
0x116: {  	v44 =	vld.idx.msk [tilespmem:v43+s3+$0x0], $0xffff;
	v42 =	vshll.u32 v18, $0x7  }
0x117: {  	v43 =	vor.u32 s2, v12;
	v18 =	vor.u32 v19, v42  }
0x118: {  	v45 =	vor.u32 v43, v31;
	_ =	sdelay $0x3  }
0x119: {  	[tilespmem:v18+s19+$0x0] =	vst.idx.msk $0xffff, v44;
	v18 =	vor.u32 v17, v43  }
0x11a: {  	v46 =	vld.idx.msk [tilespmem:v45+s3+$0x0], $0xffff;
	v44 =	vshll.u32 v18, $0x7  }
0x11b: {  	v45 =	vor.u32 s2, v13;
	v18 =	vor.u32 v19, v44  }
0x11c: {  	v47 =	vor.u32 v45, v31;
	_ =	sdelay $0x3  }
0x11d: {  	[tilespmem:v18+s19+$0x0] =	vst.idx.msk $0xffff, v46;
	v18 =	vor.u32 v17, v45  }
0x11e: {  	v48 =	vld.idx.msk [tilespmem:v47+s3+$0x0], $0xffff;
	v46 =	vshll.u32 v18, $0x7  }
0x11f: {  	v47 =	vor.u32 s2, v14;
	v18 =	vor.u32 v19, v46  }
0x120: {  	v49 =	vor.u32 v47, v31;
	_ =	sdelay $0x3  }
0x121: {  	[tilespmem:v18+s19+$0x0] =	vst.idx.msk $0xffff, v48;
	v18 =	vor.u32 v17, v47  }
0x122: {  	v50 =	vld.idx.msk [tilespmem:v49+s3+$0x0], $0xffff;
	v48 =	vshll.u32 v18, $0x7  }
0x123: {  	v49 =	vor.u32 s2, v15;
	v18 =	vor.u32 v19, v48  }
0x124: {  	v51 =	vor.u32 v49, v31;
	_ =	sdelay $0x3  }
0x125: {  	[tilespmem:v18+s19+$0x0] =	vst.idx.msk $0xffff, v50;
	v18 =	vor.u32 v17, v49  }
0x126: {  	v52 =	vld.idx.msk [tilespmem:v51+s3+$0x0], $0xffff;
	v50 =	vshll.u32 v18, $0x7  }
0x127: {  	v51 =	vor.u32 s2, v16;
	v18 =	vor.u32 v19, v50  }
0x128: {  	v31 =	vor.u32 v51, v31;
	_ =	sdelay $0x2  }
0x129: {  	s1 =	sor.u32 $0x10, s1  }
0x12a: {  	[tilespmem:v18+s19+$0x0] =	vst.idx.msk $0xffff, v52;
	v18 =	vor.u32 v17, v51;
	v52 =	vmov s1  }
0x12b: {  	v53 =	vld.idx.msk [tilespmem:v31+s3+$0x0], $0xffff;
	v18 =	vshll.u32 v18, $0x7;
	v31 =	vshll.u32 v52, $0x7  }
0x12c: {  	v19 =	vor.u32 v19, v18;
	v31 =	vor.u32 v1, v31  }
0x12d: {  	v20 =	vor.u32 v20, v31;
	_ =	sdelay $0x3  }
0x12e: {  	s1 =	sor.u32 $0x10, s31;
	[tilespmem:v19+s19+$0x0] =	vst.idx.msk $0xffff, v53  }
0x12f: {  	v19 =	vor.u32 s1, v0;
	v20 =	vld.idx.msk [tilespmem:v20+s3+$0x0], $0xffff  }
0x130: {  	v21 =	vor.u32 v19, v21  }
0x131: {  	v22 =	vor.u32 v22, v31;
	_ =	sdelay $0x3  }
0x132: {  	[tilespmem:v21+s19+$0x0] =	vst.idx.msk $0xffff, v20  }
0x133: {  	v20 =	vld.idx.msk [tilespmem:v22+s3+$0x0], $0xffff  }
0x134: {  	v21 =	vor.u32 v19, v23  }
0x135: {  	v22 =	vor.u32 v24, v31;
	_ =	sdelay $0x3  }
0x136: {  	[tilespmem:v21+s19+$0x0] =	vst.idx.msk $0xffff, v20  }
0x137: {  	v20 =	vld.idx.msk [tilespmem:v22+s3+$0x0], $0xffff  }
0x138: {  	v21 =	vor.u32 v19, v25  }
0x139: {  	v22 =	vor.u32 v26, v31;
	_ =	sdelay $0x3  }
0x13a: {  	[tilespmem:v21+s19+$0x0] =	vst.idx.msk $0xffff, v20  }
0x13b: {  	v20 =	vld.idx.msk [tilespmem:v22+s3+$0x0], $0xffff  }
0x13c: {  	v21 =	vor.u32 v19, v27  }
0x13d: {  	v22 =	vor.u32 v28, v31;
	_ =	sdelay $0x3  }
0x13e: {  	[tilespmem:v21+s19+$0x0] =	vst.idx.msk $0xffff, v20  }
0x13f: {  	v20 =	vld.idx.msk [tilespmem:v22+s3+$0x0], $0xffff  }
0x140: {  	v21 =	vor.u32 v19, v29  }
0x141: {  	v22 =	vor.u32 v30, v31;
	_ =	sdelay $0x3  }
0x142: {  	[tilespmem:v21+s19+$0x0] =	vst.idx.msk $0xffff, v20  }
0x143: {  	v20 =	vld.idx.msk [tilespmem:v22+s3+$0x0], $0xffff  }
0x144: {  	v21 =	vor.u32 v19, v32  }
0x145: {  	v22 =	vor.u32 v33, v31;
	_ =	sdelay $0x3  }
0x146: {  	[tilespmem:v21+s19+$0x0] =	vst.idx.msk $0xffff, v20  }
0x147: {  	v20 =	vld.idx.msk [tilespmem:v22+s3+$0x0], $0xffff  }
0x148: {  	v21 =	vor.u32 v19, v34  }
0x149: {  	v22 =	vor.u32 v35, v31;
	_ =	sdelay $0x3  }
0x14a: {  	[tilespmem:v21+s19+$0x0] =	vst.idx.msk $0xffff, v20  }
0x14b: {  	v20 =	vld.idx.msk [tilespmem:v22+s3+$0x0], $0xffff  }
0x14c: {  	v21 =	vor.u32 v19, v36  }
0x14d: {  	v22 =	vor.u32 v37, v31;
	_ =	sdelay $0x3  }
0x14e: {  	[tilespmem:v21+s19+$0x0] =	vst.idx.msk $0xffff, v20  }
0x14f: {  	v20 =	vld.idx.msk [tilespmem:v22+s3+$0x0], $0xffff  }
0x150: {  	v21 =	vor.u32 v19, v38  }
0x151: {  	v22 =	vor.u32 v39, v31;
	_ =	sdelay $0x3  }
0x152: {  	[tilespmem:v21+s19+$0x0] =	vst.idx.msk $0xffff, v20  }
0x153: {  	v20 =	vld.idx.msk [tilespmem:v22+s3+$0x0], $0xffff  }
0x154: {  	v21 =	vor.u32 v19, v40  }
0x155: {  	v22 =	vor.u32 v41, v31;
	_ =	sdelay $0x3  }
0x156: {  	[tilespmem:v21+s19+$0x0] =	vst.idx.msk $0xffff, v20  }
0x157: {  	v20 =	vld.idx.msk [tilespmem:v22+s3+$0x0], $0xffff  }
0x158: {  	v21 =	vor.u32 v19, v42  }
0x159: {  	v22 =	vor.u32 v43, v31;
	_ =	sdelay $0x3  }
0x15a: {  	[tilespmem:v21+s19+$0x0] =	vst.idx.msk $0xffff, v20  }
0x15b: {  	v20 =	vld.idx.msk [tilespmem:v22+s3+$0x0], $0xffff  }
0x15c: {  	v21 =	vor.u32 v19, v44  }
0x15d: {  	v22 =	vor.u32 v45, v31;
	_ =	sdelay $0x3  }
0x15e: {  	[tilespmem:v21+s19+$0x0] =	vst.idx.msk $0xffff, v20  }
0x15f: {  	v20 =	vld.idx.msk [tilespmem:v22+s3+$0x0], $0xffff  }
0x160: {  	v21 =	vor.u32 v19, v46  }
0x161: {  	v22 =	vor.u32 v47, v31;
	_ =	sdelay $0x3  }
0x162: {  	[tilespmem:v21+s19+$0x0] =	vst.idx.msk $0xffff, v20  }
0x163: {  	v20 =	vld.idx.msk [tilespmem:v22+s3+$0x0], $0xffff  }
0x164: {  	v21 =	vor.u32 v19, v48  }
0x165: {  	v22 =	vor.u32 v49, v31;
	_ =	sdelay $0x3  }
0x166: {  	[tilespmem:v21+s19+$0x0] =	vst.idx.msk $0xffff, v20  }
.Ltmp17:
0x167: {  	v21 =	vld.idx.msk [tilespmem:v22+s3+$0x0], $0xffff;
	(pc) =	sbr.rel @p3 .LBB2_20-.Ltmp17, $3  }
0x168: {  	v22 =	vor.u32 v19, v50  }
0x169: {  	v20 =	vor.u32 v51, v31;
	_ =	sdelay $0x1  }
0x16a: {  	s31 =	sand.u32 $0x20, s30;
	s30 =	sadd.s32 $0x20, s30  }
0x16b: {  	_ =	sdelay $0x1  }
0x16c: {  	s1 =	sor.u32 s29, s31  }
0x16d: {  	s2 =	sadd.s32 $0x8, s28;
	v23 =	vmov s1  }
0x16e: {  	[tilespmem:v22+s19+$0x0] =	vst.idx.msk $0xffff, v21;
	s2 =	sand.u32 $0x70, s2;
	v59 =	vshll.u32 v23, $0x7  }
0x16f: {  	v18 =	vor.u32 v19, v18;
	v20 =	vld.idx.msk [tilespmem:v20+s3+$0x0], $0xffff;
	v22 =	vor.u32 s2, v0;
	v21 =	vor.u32 v1, v59  }
0x170: {  	v19 =	vor.u32 v22, v21;
	_ =	sdelay $0x2  }
0x171: {  	v60 =	vor.u32 v17, v22  }
0x172: {  	[tilespmem:v18+s19+$0x0] =	vst.idx.msk $0xffff, v20;
	v18 =	vor.u32 s31, v0;
	v20 =	vshll.u32 v60, $0x7  }
0x173: {  	v24 =	vor.u32 s2, v2;
	v23 =	vor.u32 v18, v20;
	v19 =	vld.idx.msk [tilespmem:v19+s3+$0x0], $0xffff  }
0x174: {  	v25 =	vor.u32 v24, v21;
	_ =	sdelay $0x2  }
0x175: {  	v26 =	vor.u32 v17, v24  }
0x176: {  	[tilespmem:v23+s19+$0x0] =	vst.idx.msk $0xffff, v19;
	v19 =	vshll.u32 v26, $0x7  }
0x177: {  	v62 =	vor.u32 s2, v3;
	v23 =	vld.idx.msk [tilespmem:v25+s3+$0x0], $0xffff;
	v61 =	vor.u32 v18, v19  }
0x178: {  	v27 =	vor.u32 v62, v21;
	_ =	sdelay $0x2  }
0x179: {  	v28 =	vor.u32 v17, v62  }
0x17a: {  	v63 =	vshll.u32 v28, $0x7;
	[tilespmem:v61+s19+$0x0] =	vst.idx.msk $0xffff, v23  }
0x17b: {  	v28 =	vor.u32 s2, v4;
	v47 =	vor.u32 v18, v63;
	v25 =	vld.idx.msk [tilespmem:v27+s3+$0x0], $0xffff  }
0x17c: {  	v29 =	vor.u32 v28, v21;
	_ =	sdelay $0x2  }
0x17d: {  	v30 =	vor.u32 v17, v28  }
0x17e: {  	[tilespmem:v47+s19+$0x0] =	vst.idx.msk $0xffff, v25;
	v25 =	vshll.u32 v30, $0x7  }
0x17f: {  	v30 =	vor.u32 s2, v5;
	v27 =	vld.idx.msk [tilespmem:v29+s3+$0x0], $0xffff;
	v48 =	vor.u32 v18, v25  }
0x180: {  	v31 =	vor.u32 v30, v21;
	_ =	sdelay $0x2  }
0x181: {  	v32 =	vor.u32 v17, v30  }
0x182: {  	[tilespmem:v48+s19+$0x0] =	vst.idx.msk $0xffff, v27;
	v27 =	vshll.u32 v32, $0x7  }
0x183: {  	v32 =	vor.u32 s2, v6;
	v29 =	vld.idx.msk [tilespmem:v31+s3+$0x0], $0xffff;
	v49 =	vor.u32 v18, v27  }
0x184: {  	v33 =	vor.u32 v32, v21;
	_ =	sdelay $0x2  }
0x185: {  	v34 =	vor.u32 v17, v32  }
0x186: {  	[tilespmem:v49+s19+$0x0] =	vst.idx.msk $0xffff, v29;
	v29 =	vshll.u32 v34, $0x7  }
0x187: {  	v34 =	vor.u32 s2, v8;
	v31 =	vld.idx.msk [tilespmem:v33+s3+$0x0], $0xffff;
	v50 =	vor.u32 v18, v29  }
0x188: {  	v35 =	vor.u32 v34, v21;
	_ =	sdelay $0x2  }
0x189: {  	v36 =	vor.u32 v17, v34  }
0x18a: {  	[tilespmem:v50+s19+$0x0] =	vst.idx.msk $0xffff, v31;
	v31 =	vshll.u32 v36, $0x7  }
0x18b: {  	v36 =	vor.u32 s2, v9;
	v33 =	vld.idx.msk [tilespmem:v35+s3+$0x0], $0xffff;
	v51 =	vor.u32 v18, v31  }
0x18c: {  	v37 =	vor.u32 v36, v21;
	_ =	sdelay $0x2  }
0x18d: {  	v38 =	vor.u32 v17, v36  }
0x18e: {  	[tilespmem:v51+s19+$0x0] =	vst.idx.msk $0xffff, v33;
	v33 =	vshll.u32 v38, $0x7  }
0x18f: {  	v38 =	vor.u32 s2, v7;
	v35 =	vld.idx.msk [tilespmem:v37+s3+$0x0], $0xffff;
	v52 =	vor.u32 v18, v33  }
0x190: {  	v39 =	vor.u32 v38, v21;
	_ =	sdelay $0x2  }
0x191: {  	v40 =	vor.u32 v17, v38  }
0x192: {  	[tilespmem:v52+s19+$0x0] =	vst.idx.msk $0xffff, v35;
	v35 =	vshll.u32 v40, $0x7  }
0x193: {  	v40 =	vor.u32 s2, v10;
	v37 =	vld.idx.msk [tilespmem:v39+s3+$0x0], $0xffff;
	v53 =	vor.u32 v18, v35  }
0x194: {  	v41 =	vor.u32 v40, v21;
	_ =	sdelay $0x2  }
0x195: {  	v42 =	vor.u32 v17, v40  }
0x196: {  	[tilespmem:v53+s19+$0x0] =	vst.idx.msk $0xffff, v37;
	v37 =	vshll.u32 v42, $0x7  }
0x197: {  	v42 =	vor.u32 s2, v11;
	v39 =	vld.idx.msk [tilespmem:v41+s3+$0x0], $0xffff;
	v54 =	vor.u32 v18, v37  }
0x198: {  	v43 =	vor.u32 v42, v21;
	_ =	sdelay $0x2  }
0x199: {  	v44 =	vor.u32 v17, v42  }
0x19a: {  	[tilespmem:v54+s19+$0x0] =	vst.idx.msk $0xffff, v39;
	v39 =	vshll.u32 v44, $0x7  }
0x19b: {  	v44 =	vor.u32 s2, v12;
	v41 =	vld.idx.msk [tilespmem:v43+s3+$0x0], $0xffff;
	v55 =	vor.u32 v18, v39  }
0x19c: {  	v45 =	vor.u32 v44, v21;
	_ =	sdelay $0x2  }
0x19d: {  	v46 =	vor.u32 v17, v44  }
0x19e: {  	[tilespmem:v55+s19+$0x0] =	vst.idx.msk $0xffff, v41;
	v41 =	vshll.u32 v46, $0x7  }
0x19f: {  	v46 =	vor.u32 s2, v13;
	v43 =	vld.idx.msk [tilespmem:v45+s3+$0x0], $0xffff;
	v56 =	vor.u32 v18, v41  }
0x1a0: {  	v47 =	vor.u32 v46, v21;
	_ =	sdelay $0x2  }
0x1a1: {  	v48 =	vor.u32 v17, v46  }
0x1a2: {  	[tilespmem:v56+s19+$0x0] =	vst.idx.msk $0xffff, v43;
	v43 =	vshll.u32 v48, $0x7  }
0x1a3: {  	v48 =	vor.u32 s2, v14;
	v45 =	vld.idx.msk [tilespmem:v47+s3+$0x0], $0xffff;
	v57 =	vor.u32 v18, v43  }
0x1a4: {  	v49 =	vor.u32 v48, v21;
	_ =	sdelay $0x2  }
0x1a5: {  	v50 =	vor.u32 v17, v48  }
0x1a6: {  	[tilespmem:v57+s19+$0x0] =	vst.idx.msk $0xffff, v45;
	v45 =	vshll.u32 v50, $0x7  }
0x1a7: {  	v50 =	vor.u32 s2, v15;
	v47 =	vld.idx.msk [tilespmem:v49+s3+$0x0], $0xffff;
	v58 =	vor.u32 v18, v45  }
0x1a8: {  	v51 =	vor.u32 v50, v21;
	_ =	sdelay $0x2  }
0x1a9: {  	v52 =	vor.u32 v17, v50  }
0x1aa: {  	[tilespmem:v58+s19+$0x0] =	vst.idx.msk $0xffff, v47;
	v47 =	vshll.u32 v52, $0x7  }
0x1ab: {  	v52 =	vor.u32 s2, v16;
	v49 =	vld.idx.msk [tilespmem:v51+s3+$0x0], $0xffff;
	v59 =	vor.u32 v18, v47  }
0x1ac: {  	v21 =	vor.u32 v52, v21;
	_ =	sdelay $0x1  }
0x1ad: {  	s1 =	sor.u32 $0x10, s1  }
0x1ae: {  	v53 =	vmov s1;
	v17 =	vor.u32 v17, v52  }
0x1af: {  	v60 =	vshll.u32 v53, $0x7;
	v17 =	vshll.u32 v17, $0x7;
	[tilespmem:v59+s19+$0x0] =	vst.idx.msk $0xffff, v49  }
0x1b0: {  	v18 =	vor.u32 v18, v17;
	v49 =	vor.u32 v1, v60;
	v21 =	vld.idx.msk [tilespmem:v21+s3+$0x0], $0xffff  }
0x1b1: {  	v22 =	vor.u32 v22, v49;
	_ =	sdelay $0x2  }
0x1b2: {  	s31 =	sor.u32 $0x10, s31  }
0x1b3: {  	[tilespmem:v18+s19+$0x0] =	vst.idx.msk $0xffff, v21;
	v18 =	vor.u32 s31, v0  }
0x1b4: {  	v21 =	vld.idx.msk [tilespmem:v22+s3+$0x0], $0xffff;
	v20 =	vor.u32 v18, v20  }
0x1b5: {  	v61 =	vor.u32 v24, v49;
	_ =	sdelay $0x3  }
0x1b6: {  	[tilespmem:v20+s19+$0x0] =	vst.idx.msk $0xffff, v21  }
0x1b7: {  	v19 =	vor.u32 v18, v19;
	v20 =	vld.idx.msk [tilespmem:v61+s3+$0x0], $0xffff  }
0x1b8: {  	v62 =	vor.u32 v62, v49;
	_ =	sdelay $0x3  }
0x1b9: {  	[tilespmem:v19+s19+$0x0] =	vst.idx.msk $0xffff, v20  }
0x1ba: {  	v63 =	vor.u32 v18, v63;
	v19 =	vld.idx.msk [tilespmem:v62+s3+$0x0], $0xffff  }
0x1bb: {  	v24 =	vor.u32 v28, v49;
	_ =	sdelay $0x3  }
0x1bc: {  	[tilespmem:v63+s19+$0x0] =	vst.idx.msk $0xffff, v19  }
0x1bd: {  	v25 =	vor.u32 v18, v25;
	v19 =	vld.idx.msk [tilespmem:v24+s3+$0x0], $0xffff  }
0x1be: {  	v26 =	vor.u32 v30, v49;
	_ =	sdelay $0x3  }
0x1bf: {  	[tilespmem:v25+s19+$0x0] =	vst.idx.msk $0xffff, v19  }
0x1c0: {  	v27 =	vor.u32 v18, v27;
	v19 =	vld.idx.msk [tilespmem:v26+s3+$0x0], $0xffff  }
0x1c1: {  	v28 =	vor.u32 v32, v49;
	_ =	sdelay $0x3  }
0x1c2: {  	[tilespmem:v27+s19+$0x0] =	vst.idx.msk $0xffff, v19  }
0x1c3: {  	v29 =	vor.u32 v18, v29;
	v19 =	vld.idx.msk [tilespmem:v28+s3+$0x0], $0xffff  }
0x1c4: {  	v30 =	vor.u32 v34, v49;
	_ =	sdelay $0x3  }
0x1c5: {  	[tilespmem:v29+s19+$0x0] =	vst.idx.msk $0xffff, v19  }
0x1c6: {  	v31 =	vor.u32 v18, v31;
	v19 =	vld.idx.msk [tilespmem:v30+s3+$0x0], $0xffff  }
0x1c7: {  	v32 =	vor.u32 v36, v49;
	_ =	sdelay $0x3  }
0x1c8: {  	[tilespmem:v31+s19+$0x0] =	vst.idx.msk $0xffff, v19  }
0x1c9: {  	v34 =	vor.u32 v18, v33;
	v19 =	vld.idx.msk [tilespmem:v32+s3+$0x0], $0xffff  }
0x1ca: {  	v36 =	vor.u32 v38, v49;
	_ =	sdelay $0x3  }
0x1cb: {  	[tilespmem:v34+s19+$0x0] =	vst.idx.msk $0xffff, v19  }
0x1cc: {  	v38 =	vor.u32 v18, v35;
	v19 =	vld.idx.msk [tilespmem:v36+s3+$0x0], $0xffff  }
0x1cd: {  	v40 =	vor.u32 v40, v49;
	_ =	sdelay $0x3  }
0x1ce: {  	[tilespmem:v38+s19+$0x0] =	vst.idx.msk $0xffff, v19  }
0x1cf: {  	v51 =	vor.u32 v18, v37;
	v19 =	vld.idx.msk [tilespmem:v40+s3+$0x0], $0xffff  }
0x1d0: {  	v53 =	vor.u32 v42, v49;
	_ =	sdelay $0x3  }
0x1d1: {  	[tilespmem:v51+s19+$0x0] =	vst.idx.msk $0xffff, v19  }
0x1d2: {  	v54 =	vor.u32 v18, v39;
	v19 =	vld.idx.msk [tilespmem:v53+s3+$0x0], $0xffff  }
0x1d3: {  	v55 =	vor.u32 v44, v49;
	_ =	sdelay $0x3  }
0x1d4: {  	[tilespmem:v54+s19+$0x0] =	vst.idx.msk $0xffff, v19  }
0x1d5: {  	v56 =	vor.u32 v18, v41;
	v19 =	vld.idx.msk [tilespmem:v55+s3+$0x0], $0xffff  }
0x1d6: {  	v57 =	vor.u32 v46, v49;
	_ =	sdelay $0x3  }
0x1d7: {  	[tilespmem:v56+s19+$0x0] =	vst.idx.msk $0xffff, v19  }
0x1d8: {  	v58 =	vor.u32 v18, v43;
	v19 =	vld.idx.msk [tilespmem:v57+s3+$0x0], $0xffff  }
0x1d9: {  	v59 =	vor.u32 v48, v49;
	_ =	sdelay $0x3  }
0x1da: {  	[tilespmem:v58+s19+$0x0] =	vst.idx.msk $0xffff, v19  }
0x1db: {  	v60 =	vor.u32 v18, v45;
	v19 =	vld.idx.msk [tilespmem:v59+s3+$0x0], $0xffff  }
0x1dc: {  	v61 =	vor.u32 v50, v49;
	_ =	sdelay $0x3  }
0x1dd: {  	[tilespmem:v60+s19+$0x0] =	vst.idx.msk $0xffff, v19  }
0x1de: {  	v62 =	vor.u32 v18, v47;
	v19 =	vld.idx.msk [tilespmem:v61+s3+$0x0], $0xffff  }
0x1df: {  	v63 =	vor.u32 v52, v49;
	_ =	sdelay $0x3  }
0x1e0: {  	[tilespmem:v62+s19+$0x0] =	vst.idx.msk $0xffff, v19  }
0x1e1: {  	v17 =	vor.u32 v18, v17;
	v19 =	vld.idx.msk [tilespmem:v63+s3+$0x0], $0xffff  }
0x1e2: {  	p3 =	sne.s32 s26, $0x0  }
0x1e3: {  	s1 =	sadd.s32 @!p3 s6, s25  }
0x1e4: {  	s1 =	sshll.u32 @!p3 s1, $0xB  }
0x1e5: {  	s1 =	sand.u32 @!p3 $0x1FFFF800, s1  }
0x1e6: {  	s26 =	simm.s32 @!p3 $0x6000;
	s1 =	sadd.s32 @!p3 s5, s1;
	s2 =	simm.s32 @!p3 $0x0;
	[tilespmem:v17+s19+$0x0] =	vst.idx.msk $0xffff, v19  }
0x1e7: {  	[hbm4b:s1+s2] =	stream.linear.scatter @!p3 [tilespmem:s26], [sflag:$0x4], $0x4000, $0x38;
	[tilespmem:$0x14000] =	vst v63  }
0x1e8: {  	s1 =	sadd.s32 @p1 s6, s25  }
0x1e9: {  	s1 =	sshll.u32 @p1 s1, $0xB  }
0x1ea: {  	s1 =	sand.u32 @p1 $0x1FFFF800, s1  }
0x1eb: {  	s2 =	simm.s32 @p1 $0x0;
	s26 =	simm.s32 @p1 $0xA000;
	s1 =	sadd.s32 @p1 s5, s1  }
0x1ec: {  	[hbm4b:s1+s2] =	stream.linear.scatter @p1 [tilespmem:s26], [sflag:$0x5], $0x4000, $0x38;
	[tilespmem:$0x14000] =	vst v63  }
0x1ed: {  	s1 =	sadd.s32 @p2 s6, s25;
	s25 =	sadd.s32 $0x1, s25  }
0x1ee: {  	p1 =	sne.s32 s25, s7  }
.Ltmp18:
0x1ef: {  	_ = 	snop;
	(pc) =	sbr.rel @p1 .LBB2_2-.Ltmp18, $4  }
0x1f0: {  	s1 =	sshll.u32 @p2 s1, $0xB  }
0x1f1: {  	s1 =	sand.u32 @p2 $0x1FFFF800, s1  }
0x1f2: {  	s2 =	simm.s32 @p2 $0x0;
	s26 =	simm.s32 @p2 $0xE000;
	s1 =	sadd.s32 @p2 s5, s1  }
0x1f3: {  	[hbm4b:s1+s2] =	stream.linear.scatter @p2 [tilespmem:s26], [sflag:$0x6], $0x4000, $0x38;
	[tilespmem:$0x14000] =	vst v63  }
0x1f4: {  	s1 =	simm.s32 $0x0  }
.LBB2_23:
0x1f5: {  	s2 =	sadd.s32 s1, s9  }
0x1f6: {  	s25 =	smul.u32 $0xAB, s2;
	_ =	sdelay $0x1  }
0x1f7: {  	s25 =	sshrl.u32 s25, $0x9  }
0x1f8: {  	s25 =	sand.u32 $0x7F, s25  }
0x1f9: {  	s25 =	smul.u32 $0x3, s25;
	_ =	sdelay $0x1  }
0x1fa: {  	s2 =	ssub.s32 s2, s25  }
0x1fb: {  	s2 =	sand.u32 $0xFF, s2  }
0x1fc: {  	p1 =	seq.s32 s2, $0x0  }
0x1fd: {  	p2 =	seq.s32 @!p1 s2, $0x2  }
0x1fe: {  	p2 =	por !p2, p1  }
0x1ff: {  	s2 =	simm.s32 @!p2 $0x6  }
0x200: {  	s1 =	sadd.s32 $0xFFFFFFFF, s1;
	s2 =	simm.s32 @p2 $0x5  }
0x201: {  	s2 =	simm.s32 @p1 $0x4;
	p1 =	sne.s32 s1, $0xFFFFFFFD  }
.Ltmp19:
0x202: {  	_ = 	snop;
	(pc) =	sbr.rel @p1 .LBB2_23-.Ltmp19, $4  }
0x203: {  	_ = 	snop  }
0x204: {  	_ =	swait.ge [sflag:s2], $0x4000  }
0x205: {  	[sflag:s2] =	ssyncset.done $0x0  }
0x206: {  	[sflag:s2] =	ssyncadd.s32 $0xFFFFC000  }
.Ltmp20:
0x207: {  	(pc) =	sbr.rel @p0 .LBB2_28-.Ltmp20, $1  }
0x208: {  	_ =	sdelay $0x3  }
0x209: {  	s2 =	simm.s32 $0x0  }
0x20a: {  	s1 =	sand.u32 $0x30, s2  }
0x20b: {  	v17 =	vor.u32 s1, v0  }
0x20c: {  	v18 =	vshll.u32 v17, $0x7  }
0x20d: {  	v19 =	vor.u32 v17, v18  }
0x20e: {  	[tilespmem:s20], [sflag:$0x7] =	stream.linear.gather [hbm4b:s4+s2], $0x2000, $0x38;
	[tilespmem:$0x14000] =	vst v63  }
0x20f: {  	_ =	swait.ge [sflag:s21], $0x2000  }
0x210: {  	[sflag:s21] =	ssyncset.done $0x0  }
0x211: {  	[sflag:s21] =	ssyncadd.s32 $0xFFFFE000  }
0x212: {  	v21 =	vor.u32 s1, v2;
	v20 =	vor.u32 v17, v18;
	v19 =	vld.idx.msk [tilespmem:v19+s20+$0x0], $0xffff  }
0x213: {  	v22 =	vor.u32 v21, v18;
	_ =	sdelay $0x3  }
0x214: {  	[tilespmem:v20+s19+$0x0] =	vst.idx.msk $0xffff, v19;
	v19 =	vshll.u32 v21, $0x7  }
0x215: {  	v38 =	vor.u32 s1, v3;
	v20 =	vld.idx.msk [tilespmem:v22+s20+$0x0], $0xffff;
	v19 =	vor.u32 v17, v19  }
0x216: {  	v39 =	vor.u32 v38, v18;
	_ =	sdelay $0x3  }
0x217: {  	[tilespmem:v19+s19+$0x0] =	vst.idx.msk $0xffff, v20;
	v19 =	vshll.u32 v38, $0x7  }
0x218: {  	v40 =	vor.u32 s1, v4;
	v20 =	vld.idx.msk [tilespmem:v39+s20+$0x0], $0xffff;
	v19 =	vor.u32 v17, v19  }
0x219: {  	v41 =	vor.u32 v40, v18;
	_ =	sdelay $0x3  }
0x21a: {  	[tilespmem:v19+s19+$0x0] =	vst.idx.msk $0xffff, v20;
	v19 =	vshll.u32 v40, $0x7  }
0x21b: {  	v42 =	vor.u32 s1, v5;
	v20 =	vld.idx.msk [tilespmem:v41+s20+$0x0], $0xffff;
	v19 =	vor.u32 v17, v19  }
0x21c: {  	v43 =	vor.u32 v42, v18;
	_ =	sdelay $0x3  }
0x21d: {  	[tilespmem:v19+s19+$0x0] =	vst.idx.msk $0xffff, v20;
	v19 =	vshll.u32 v42, $0x7  }
0x21e: {  	v44 =	vor.u32 s1, v6;
	v20 =	vld.idx.msk [tilespmem:v43+s20+$0x0], $0xffff;
	v19 =	vor.u32 v17, v19  }
0x21f: {  	v45 =	vor.u32 v44, v18;
	_ =	sdelay $0x3  }
0x220: {  	[tilespmem:v19+s19+$0x0] =	vst.idx.msk $0xffff, v20;
	v19 =	vshll.u32 v44, $0x7  }
0x221: {  	v46 =	vor.u32 s1, v8;
	v20 =	vld.idx.msk [tilespmem:v45+s20+$0x0], $0xffff;
	v19 =	vor.u32 v17, v19  }
0x222: {  	v47 =	vor.u32 v46, v18;
	_ =	sdelay $0x3  }
0x223: {  	[tilespmem:v19+s19+$0x0] =	vst.idx.msk $0xffff, v20;
	v19 =	vshll.u32 v46, $0x7  }
0x224: {  	v48 =	vor.u32 s1, v9;
	v20 =	vld.idx.msk [tilespmem:v47+s20+$0x0], $0xffff;
	v19 =	vor.u32 v17, v19  }
0x225: {  	v49 =	vor.u32 v48, v18;
	_ =	sdelay $0x3  }
0x226: {  	[tilespmem:v19+s19+$0x0] =	vst.idx.msk $0xffff, v20;
	v19 =	vshll.u32 v48, $0x7  }
0x227: {  	v50 =	vor.u32 s1, v7;
	v20 =	vld.idx.msk [tilespmem:v49+s20+$0x0], $0xffff;
	v19 =	vor.u32 v17, v19  }
0x228: {  	v51 =	vor.u32 v50, v18;
	_ =	sdelay $0x3  }
0x229: {  	[tilespmem:v19+s19+$0x0] =	vst.idx.msk $0xffff, v20;
	v19 =	vshll.u32 v50, $0x7  }
0x22a: {  	v52 =	vor.u32 s1, v10;
	v20 =	vld.idx.msk [tilespmem:v51+s20+$0x0], $0xffff;
	v19 =	vor.u32 v17, v19  }
0x22b: {  	v53 =	vor.u32 v52, v18;
	_ =	sdelay $0x3  }
0x22c: {  	[tilespmem:v19+s19+$0x0] =	vst.idx.msk $0xffff, v20;
	v19 =	vshll.u32 v52, $0x7  }
0x22d: {  	v54 =	vor.u32 s1, v11;
	v20 =	vld.idx.msk [tilespmem:v53+s20+$0x0], $0xffff;
	v19 =	vor.u32 v17, v19  }
0x22e: {  	v55 =	vor.u32 v54, v18;
	_ =	sdelay $0x3  }
0x22f: {  	[tilespmem:v19+s19+$0x0] =	vst.idx.msk $0xffff, v20;
	v19 =	vshll.u32 v54, $0x7  }
0x230: {  	v56 =	vor.u32 s1, v12;
	v20 =	vld.idx.msk [tilespmem:v55+s20+$0x0], $0xffff;
	v19 =	vor.u32 v17, v19  }
0x231: {  	v57 =	vor.u32 v56, v18;
	_ =	sdelay $0x3  }
0x232: {  	[tilespmem:v19+s19+$0x0] =	vst.idx.msk $0xffff, v20;
	v19 =	vshll.u32 v56, $0x7  }
0x233: {  	v58 =	vor.u32 s1, v13;
	v20 =	vld.idx.msk [tilespmem:v57+s20+$0x0], $0xffff;
	v19 =	vor.u32 v17, v19  }
0x234: {  	v59 =	vor.u32 v58, v18;
	_ =	sdelay $0x3  }
0x235: {  	[tilespmem:v19+s19+$0x0] =	vst.idx.msk $0xffff, v20;
	v19 =	vshll.u32 v58, $0x7  }
0x236: {  	v60 =	vor.u32 s1, v14;
	v20 =	vld.idx.msk [tilespmem:v59+s20+$0x0], $0xffff;
	v19 =	vor.u32 v17, v19  }
0x237: {  	v61 =	vor.u32 v60, v18;
	_ =	sdelay $0x3  }
0x238: {  	[tilespmem:v19+s19+$0x0] =	vst.idx.msk $0xffff, v20;
	v19 =	vshll.u32 v60, $0x7  }
0x239: {  	v62 =	vor.u32 s1, v15;
	v20 =	vld.idx.msk [tilespmem:v61+s20+$0x0], $0xffff;
	v19 =	vor.u32 v17, v19  }
0x23a: {  	v63 =	vor.u32 v62, v18;
	_ =	sdelay $0x3  }
0x23b: {  	[tilespmem:v19+s19+$0x0] =	vst.idx.msk $0xffff, v20;
	v19 =	vshll.u32 v62, $0x7  }
0x23c: {  	v20 =	vld.idx.msk [tilespmem:v63+s20+$0x0], $0xffff;
	v21 =	vor.u32 v17, v19;
	v19 =	vor.u32 s1, v16  }
0x23d: {  	v18 =	vor.u32 v19, v18;
	_ =	sdelay $0x2  }
0x23e: {  	s31 =	simm.s32 $0x10  }
0x23f: {  	s25 =	simm.s32 $0x4;
	s26 =	sand.u32 $0x30, s31;
	s1 =	simm.s32 $0x20;
	[tilespmem:v21+s19+$0x0] =	vst.idx.msk $0xffff, v20  }
.LBB2_26:
0x240: {  	p1 =	sne.s32 s1, $0xF0;
	s2 =	sand.u32 $0x30, s25;
	v20 =	vor.u32 s26, v0;
	v21 =	vld.idx.msk [tilespmem:v18+s20+$0x0], $0xffff;
	v19 =	vshll.u32 v19, $0x7  }
0x241: {  	v22 =	vor.u32 s2, v0;
	v18 =	vshll.u32 v20, $0x7;
	v19 =	vor.u32 v17, v19;
	v17 =	vmovc v20  }
0x242: {  	v20 =	vor.u32 v22, v18;
	_ =	sdelay $0x3  }
0x243: {  	[tilespmem:v19+s19+$0x0] =	vst.idx.msk $0xffff, v21  }
0x244: {  	v19 =	vld.idx.msk [tilespmem:v20+s20+$0x0], $0xffff;
	v20 =	vshll.u32 v22, $0x7  }
0x245: {  	v21 =	vor.u32 s2, v2;
	v20 =	vor.u32 v17, v20  }
0x246: {  	v22 =	vor.u32 v21, v18;
	_ =	sdelay $0x3  }
0x247: {  	[tilespmem:v20+s19+$0x0] =	vst.idx.msk $0xffff, v19  }
0x248: {  	v20 =	vshll.u32 v21, $0x7;
	v19 =	vld.idx.msk [tilespmem:v22+s20+$0x0], $0xffff  }
0x249: {  	v21 =	vor.u32 s2, v3;
	v20 =	vor.u32 v17, v20  }
0x24a: {  	v22 =	vor.u32 v21, v18;
	_ =	sdelay $0x3  }
0x24b: {  	[tilespmem:v20+s19+$0x0] =	vst.idx.msk $0xffff, v19  }
0x24c: {  	v20 =	vshll.u32 v21, $0x7;
	v19 =	vld.idx.msk [tilespmem:v22+s20+$0x0], $0xffff  }
0x24d: {  	v21 =	vor.u32 s2, v4;
	v20 =	vor.u32 v17, v20  }
0x24e: {  	v22 =	vor.u32 v21, v18;
	_ =	sdelay $0x3  }
0x24f: {  	[tilespmem:v20+s19+$0x0] =	vst.idx.msk $0xffff, v19  }
0x250: {  	v20 =	vshll.u32 v21, $0x7;
	v19 =	vld.idx.msk [tilespmem:v22+s20+$0x0], $0xffff  }
0x251: {  	v21 =	vor.u32 s2, v5;
	v20 =	vor.u32 v17, v20  }
0x252: {  	v22 =	vor.u32 v21, v18;
	_ =	sdelay $0x3  }
0x253: {  	[tilespmem:v20+s19+$0x0] =	vst.idx.msk $0xffff, v19  }
0x254: {  	v20 =	vshll.u32 v21, $0x7;
	v19 =	vld.idx.msk [tilespmem:v22+s20+$0x0], $0xffff  }
0x255: {  	v21 =	vor.u32 s2, v6;
	v20 =	vor.u32 v17, v20  }
0x256: {  	v22 =	vor.u32 v21, v18;
	_ =	sdelay $0x3  }
0x257: {  	[tilespmem:v20+s19+$0x0] =	vst.idx.msk $0xffff, v19  }
0x258: {  	v20 =	vshll.u32 v21, $0x7;
	v19 =	vld.idx.msk [tilespmem:v22+s20+$0x0], $0xffff  }
0x259: {  	v21 =	vor.u32 s2, v8;
	v20 =	vor.u32 v17, v20  }
0x25a: {  	v22 =	vor.u32 v21, v18;
	_ =	sdelay $0x3  }
0x25b: {  	[tilespmem:v20+s19+$0x0] =	vst.idx.msk $0xffff, v19  }
0x25c: {  	v20 =	vshll.u32 v21, $0x7;
	v19 =	vld.idx.msk [tilespmem:v22+s20+$0x0], $0xffff  }
0x25d: {  	v21 =	vor.u32 s2, v9;
	v20 =	vor.u32 v17, v20  }
0x25e: {  	v22 =	vor.u32 v21, v18;
	_ =	sdelay $0x3  }
0x25f: {  	[tilespmem:v20+s19+$0x0] =	vst.idx.msk $0xffff, v19  }
0x260: {  	v20 =	vshll.u32 v21, $0x7;
	v19 =	vld.idx.msk [tilespmem:v22+s20+$0x0], $0xffff  }
0x261: {  	v21 =	vor.u32 s2, v7;
	v20 =	vor.u32 v17, v20  }
0x262: {  	v22 =	vor.u32 v21, v18;
	_ =	sdelay $0x3  }
0x263: {  	[tilespmem:v20+s19+$0x0] =	vst.idx.msk $0xffff, v19  }
0x264: {  	v20 =	vshll.u32 v21, $0x7;
	v19 =	vld.idx.msk [tilespmem:v22+s20+$0x0], $0xffff  }
0x265: {  	v21 =	vor.u32 s2, v10;
	v20 =	vor.u32 v17, v20  }
0x266: {  	v22 =	vor.u32 v21, v18;
	_ =	sdelay $0x3  }
0x267: {  	[tilespmem:v20+s19+$0x0] =	vst.idx.msk $0xffff, v19  }
0x268: {  	v20 =	vshll.u32 v21, $0x7;
	v19 =	vld.idx.msk [tilespmem:v22+s20+$0x0], $0xffff  }
0x269: {  	v21 =	vor.u32 s2, v11;
	v20 =	vor.u32 v17, v20  }
0x26a: {  	v22 =	vor.u32 v21, v18;
	_ =	sdelay $0x3  }
0x26b: {  	[tilespmem:v20+s19+$0x0] =	vst.idx.msk $0xffff, v19  }
0x26c: {  	v20 =	vshll.u32 v21, $0x7;
	v19 =	vld.idx.msk [tilespmem:v22+s20+$0x0], $0xffff  }
0x26d: {  	v21 =	vor.u32 s2, v12;
	v20 =	vor.u32 v17, v20  }
0x26e: {  	v22 =	vor.u32 v21, v18;
	_ =	sdelay $0x3  }
0x26f: {  	[tilespmem:v20+s19+$0x0] =	vst.idx.msk $0xffff, v19  }
0x270: {  	v20 =	vshll.u32 v21, $0x7;
	v19 =	vld.idx.msk [tilespmem:v22+s20+$0x0], $0xffff  }
0x271: {  	v21 =	vor.u32 s2, v13;
	v20 =	vor.u32 v17, v20  }
0x272: {  	v22 =	vor.u32 v21, v18;
	_ =	sdelay $0x3  }
0x273: {  	[tilespmem:v20+s19+$0x0] =	vst.idx.msk $0xffff, v19  }
0x274: {  	v20 =	vshll.u32 v21, $0x7;
	v19 =	vld.idx.msk [tilespmem:v22+s20+$0x0], $0xffff  }
0x275: {  	v21 =	vor.u32 s2, v14;
	v20 =	vor.u32 v17, v20  }
0x276: {  	v22 =	vor.u32 v21, v18;
	_ =	sdelay $0x3  }
0x277: {  	[tilespmem:v20+s19+$0x0] =	vst.idx.msk $0xffff, v19  }
0x278: {  	v20 =	vshll.u32 v21, $0x7;
	v19 =	vld.idx.msk [tilespmem:v22+s20+$0x0], $0xffff  }
0x279: {  	v21 =	vor.u32 s2, v15;
	v20 =	vor.u32 v17, v20  }
0x27a: {  	v22 =	vor.u32 v21, v18;
	_ =	sdelay $0x3  }
0x27b: {  	[tilespmem:v20+s19+$0x0] =	vst.idx.msk $0xffff, v19  }
0x27c: {  	v19 =	vshll.u32 v21, $0x7;
	v20 =	vld.idx.msk [tilespmem:v22+s20+$0x0], $0xffff  }
0x27d: {  	v21 =	vor.u32 v17, v19;
	v19 =	vor.u32 s2, v16  }
.Ltmp21:
0x27e: {  	v18 =	vor.u32 v19, v18;
	(pc) =	sbr.rel @p1 .LBB2_26-.Ltmp21, $2  }
0x27f: {  	_ =	sdelay $0x2  }
0x280: {  	s26 =	sand.u32 $0x30, s1;
	s1 =	sadd.s32 $0x10, s1;
	s25 =	sadd.s32 $0x4, s25;
	[tilespmem:v21+s19+$0x0] =	vst.idx.msk $0xffff, v20  }
0x281: {  	_ =	sdelay $0x2  }
0x282: {  	s1 =	sand.u32 $0x30, s25;
	v20 =	vor.u32 s26, v0;
	v19 =	vshll.u32 v19, $0x7  }
0x283: {  	v18 =	vld.idx.msk [tilespmem:v18+s20+$0x0], $0xffff;
	v21 =	vor.u32 s1, v0;
	v22 =	vshll.u32 v20, $0x7;
	v17 =	vor.u32 v17, v19  }
0x284: {  	v19 =	vor.u32 v21, v22;
	_ =	sdelay $0x3  }
0x285: {  	[tilespmem:v17+s19+$0x0] =	vst.idx.msk $0xffff, v18;
	v17 =	vshll.u32 v21, $0x7  }
0x286: {  	v18 =	vld.idx.msk [tilespmem:v19+s20+$0x0], $0xffff;
	v17 =	vor.u32 v20, v17;
	v19 =	vor.u32 s1, v2  }
0x287: {  	v49 =	vor.u32 v19, v22;
	_ =	sdelay $0x3  }
0x288: {  	[tilespmem:v17+s19+$0x0] =	vst.idx.msk $0xffff, v18;
	v17 =	vshll.u32 v19, $0x7  }
0x289: {  	v19 =	vor.u32 s1, v3;
	v18 =	vld.idx.msk [tilespmem:v49+s20+$0x0], $0xffff;
	v17 =	vor.u32 v20, v17  }
0x28a: {  	v50 =	vor.u32 v19, v22;
	_ =	sdelay $0x3  }
0x28b: {  	[tilespmem:v17+s19+$0x0] =	vst.idx.msk $0xffff, v18;
	v17 =	vshll.u32 v19, $0x7  }
0x28c: {  	v19 =	vor.u32 s1, v4;
	v18 =	vld.idx.msk [tilespmem:v50+s20+$0x0], $0xffff;
	v17 =	vor.u32 v20, v17  }
0x28d: {  	v51 =	vor.u32 v19, v22;
	_ =	sdelay $0x3  }
0x28e: {  	[tilespmem:v17+s19+$0x0] =	vst.idx.msk $0xffff, v18;
	v17 =	vshll.u32 v19, $0x7  }
0x28f: {  	v19 =	vor.u32 s1, v5;
	v18 =	vld.idx.msk [tilespmem:v51+s20+$0x0], $0xffff;
	v17 =	vor.u32 v20, v17  }
0x290: {  	v52 =	vor.u32 v19, v22;
	_ =	sdelay $0x3  }
0x291: {  	[tilespmem:v17+s19+$0x0] =	vst.idx.msk $0xffff, v18;
	v17 =	vshll.u32 v19, $0x7  }
0x292: {  	v19 =	vor.u32 s1, v6;
	v18 =	vld.idx.msk [tilespmem:v52+s20+$0x0], $0xffff;
	v17 =	vor.u32 v20, v17  }
0x293: {  	v53 =	vor.u32 v19, v22;
	_ =	sdelay $0x3  }
0x294: {  	[tilespmem:v17+s19+$0x0] =	vst.idx.msk $0xffff, v18;
	v17 =	vshll.u32 v19, $0x7  }
0x295: {  	v19 =	vor.u32 s1, v8;
	v18 =	vld.idx.msk [tilespmem:v53+s20+$0x0], $0xffff;
	v17 =	vor.u32 v20, v17  }
0x296: {  	v54 =	vor.u32 v19, v22;
	_ =	sdelay $0x3  }
0x297: {  	[tilespmem:v17+s19+$0x0] =	vst.idx.msk $0xffff, v18;
	v17 =	vshll.u32 v19, $0x7  }
0x298: {  	v19 =	vor.u32 s1, v9;
	v18 =	vld.idx.msk [tilespmem:v54+s20+$0x0], $0xffff;
	v17 =	vor.u32 v20, v17  }
0x299: {  	v55 =	vor.u32 v19, v22;
	_ =	sdelay $0x3  }
0x29a: {  	[tilespmem:v17+s19+$0x0] =	vst.idx.msk $0xffff, v18;
	v17 =	vshll.u32 v19, $0x7  }
0x29b: {  	v19 =	vor.u32 s1, v7;
	v18 =	vld.idx.msk [tilespmem:v55+s20+$0x0], $0xffff;
	v17 =	vor.u32 v20, v17  }
0x29c: {  	v56 =	vor.u32 v19, v22;
	_ =	sdelay $0x3  }
0x29d: {  	[tilespmem:v17+s19+$0x0] =	vst.idx.msk $0xffff, v18;
	v17 =	vshll.u32 v19, $0x7  }
0x29e: {  	v19 =	vor.u32 s1, v10;
	v18 =	vld.idx.msk [tilespmem:v56+s20+$0x0], $0xffff;
	v17 =	vor.u32 v20, v17  }
0x29f: {  	v57 =	vor.u32 v19, v22;
	_ =	sdelay $0x3  }
0x2a0: {  	[tilespmem:v17+s19+$0x0] =	vst.idx.msk $0xffff, v18;
	v17 =	vshll.u32 v19, $0x7  }
0x2a1: {  	v19 =	vor.u32 s1, v11;
	v18 =	vld.idx.msk [tilespmem:v57+s20+$0x0], $0xffff;
	v17 =	vor.u32 v20, v17  }
0x2a2: {  	v58 =	vor.u32 v19, v22;
	_ =	sdelay $0x3  }
0x2a3: {  	[tilespmem:v17+s19+$0x0] =	vst.idx.msk $0xffff, v18;
	v17 =	vshll.u32 v19, $0x7  }
0x2a4: {  	v19 =	vor.u32 s1, v12;
	v18 =	vld.idx.msk [tilespmem:v58+s20+$0x0], $0xffff;
	v17 =	vor.u32 v20, v17  }
0x2a5: {  	v59 =	vor.u32 v19, v22;
	_ =	sdelay $0x3  }
0x2a6: {  	[tilespmem:v17+s19+$0x0] =	vst.idx.msk $0xffff, v18;
	v17 =	vshll.u32 v19, $0x7  }
0x2a7: {  	v19 =	vor.u32 s1, v13;
	v18 =	vld.idx.msk [tilespmem:v59+s20+$0x0], $0xffff;
	v17 =	vor.u32 v20, v17  }
0x2a8: {  	v60 =	vor.u32 v19, v22;
	_ =	sdelay $0x3  }
0x2a9: {  	[tilespmem:v17+s19+$0x0] =	vst.idx.msk $0xffff, v18;
	v17 =	vshll.u32 v19, $0x7  }
0x2aa: {  	v19 =	vor.u32 s1, v14;
	v18 =	vld.idx.msk [tilespmem:v60+s20+$0x0], $0xffff;
	v17 =	vor.u32 v20, v17  }
0x2ab: {  	v61 =	vor.u32 v19, v22;
	_ =	sdelay $0x3  }
0x2ac: {  	[tilespmem:v17+s19+$0x0] =	vst.idx.msk $0xffff, v18;
	v17 =	vshll.u32 v19, $0x7  }
0x2ad: {  	v19 =	vor.u32 s1, v15;
	v18 =	vld.idx.msk [tilespmem:v61+s20+$0x0], $0xffff;
	v17 =	vor.u32 v20, v17  }
0x2ae: {  	v62 =	vor.u32 v19, v22;
	_ =	sdelay $0x3  }
0x2af: {  	[tilespmem:v17+s19+$0x0] =	vst.idx.msk $0xffff, v18;
	v17 =	vshll.u32 v19, $0x7  }
0x2b0: {  	v19 =	vor.u32 s1, v16;
	v18 =	vld.idx.msk [tilespmem:v62+s20+$0x0], $0xffff;
	v17 =	vor.u32 v20, v17  }
0x2b1: {  	v63 =	vor.u32 v19, v22;
	_ =	sdelay $0x3  }
0x2b2: {  	[tilespmem:v17+s19+$0x0] =	vst.idx.msk $0xffff, v18;
	v17 =	vshll.u32 v19, $0x7  }
0x2b3: {  	v18 =	vld.idx.msk [tilespmem:v63+s20+$0x0], $0xffff;
	v17 =	vor.u32 v20, v17;
	_ =	sdelay $0x4  }
.Ltmp22:
0x2b4: {  	[tilespmem:v17+s19+$0x0] =	vst.idx.msk $0xffff, v18;
	(pc) =	sbr.rel .LBB2_28-.Ltmp22, $4  }
0x2b5: {  	[hbm4b:s11+s3] =	stream.linear.scatter [tilespmem:s19], [sflag:$0x4], $0x2000, $0x38;
	[tilespmem:$0x14000] =	vst v63  }
0x2b6: {  	_ =	swait.ge [sflag:s17], $0x2000  }
0x2b7: {  	[sflag:s17] =	ssyncset.done $0x0  }
0x2b8: {  	[sflag:s17] =	ssyncadd.s32 $0xFFFFE000  }
.LBB2_29:
0x2b9: {  	_ =	sfence.sel $0x180000  }
0x2ba: {  	[bflag:$0x0] =	sbarrier.arrive $0xFFFF  }
0x2bb: {  	_ =	strace $0x90000047  }
0x2bc: {  	s0 =	stileid.u32;
	[bflag:$0x2] =	sbarrier.arrive $0xFFFF  }
0x2bd: {  	p0 =	sne.s32 s0, $0x0;
	s0 =	rddreg [dreg:$0x2]  }
0x2be: {  	s0 =	sadd.s32 @!p0 $0x100000, s0  }
0x2bf: {  	[sflag:s0] =	ssyncadd.tile.s32 @!p0 $0x1;
	_ =	shalt  }
.Lfunc_end2:
_tile_overlayer_lowered:
.L_overlay_start_2:
0x2c0: {  	(tag) =	ssettag $0x2  }
0x2c1: {  	s0 =	rddreg [dreg:$0x0];
	s2 =	stileid.u32  }
0x2c2: {  	s1 =	rddreg [dreg:$0x1];
	p0 =	sne.s32 s2, $0x0  }
0x2c3: {  	s3 =	rddreg [dreg:$0x2];
	[bflag:$0x3] =	sbarrier.arrive $0xFFFF;
	s2 =	simm.s32 @!p0 $0x1C07  }
0x2c4: {  	[timem:s3], [sflag:s2] =	dma.local @!p0 [hbm:s0], s1  }
0x2c5: {  	s0 =	simm.s32 @!p0 $0x7  }
0x2c6: {  	_ =	swait.ge @!p0 [sflag:s0], s1  }
0x2c7: {  	s1 =	ssub.s32 @!p0 $0x0, s1;
	[sflag:s0] =	ssyncset.done @!p0 $0x0  }
0x2c8: {  	[sflag:s0] =	ssyncadd.s32 @!p0 s1  }
0x2c9: {  	[bflag:$0x3] =	sbarrier.arrive $0xFFFF  }
0x2ca: {  	_ =	shalt  }

// kernel: kernel.7.cloned.1.call-start
scs
__scs_entry_jumppad:
0x0: {  	(pc) =	sbr.rel $0x88, $3  }
0x1: {  	(tag) =	ssettag $0x0;
	lr =	simm.s32 $0x1  }
0x2: {  	[smem:$0x3F9F] =	sst lr;
	_ =	strace $0xD0000000  }
0x3: {  	_ = 	snop  }
0x4: {  	_ = 	snop  }
0x5: {  	_ = 	snop  }
0x6: {  	_ = 	snop  }
0x7: {  	_ = 	snop  }
__scs_overlays_trampoline_lowered:
0x8: {  	[smem:$0x3FAE] =	sst s0  }
0x9: {  	[smem:$0x3FAF] =	sst s1  }
0xa: {  	[smem:$0x3FB0] =	sst s2  }
0xb: {  	[smem:$0x3FB1] =	sst s3  }
0xc: {  	[smem:$0x3FB2] =	sst s4  }
0xd: {  	[smem:$0x3FB3] =	sst s5  }
0xe: {  	[smem:$0x3FB4] =	sst s6  }
0xf: {  	[smem:$0x3FB5] =	sst s7  }
0x10: {  	[smem:$0x3FB6] =	sst s8  }
0x11: {  	[smem:$0x3FB7] =	sst s9;
	s0 =	simm.s32 @!p0 $0x0  }
0x12: {  	s1 =	sld [smem:$0x3F9D];
	s0 =	simm.s32 @p0 $0x1  }
0x13: {  	[smem:$0x3FB8] =	sst s0;
	s0 =	simm.s32 @!p1 $0x0  }
0x14: {  	s2 =	sld [smem:$0x3F9C];
	s0 =	simm.s32 @p1 $0x1  }
0x15: {  	[smem:$0x3FB9] =	sst s0;
	s0 =	simm.s32 @!p2 $0x0  }
0x16: {  	s3 =	sld [smem:$0x3FDB];
	s0 =	simm.s32 @p2 $0x1  }
0x17: {  	s4 =	simm.s32 $0x1BF5;
	[smem:$0x3FBB] =	sst s0  }
0x18: {  	s0 =	sld [smem:$0x3F9E];
	_ =	swait.ge [sflag:s4], $0x0  }
0x19: {  	s7 =	sld [smem:$0x3F9F]  }
0x1a: {  	s8 =	sadd.s32 $0xFFFFE003, lr  }
0x1b: {  	s9 =	sadd.s32 $0xFFFFFEF7, lr;
	s5 =	simm.s32 $0xFFFFFFFF;
	p2 =	slt.u32 s8, $0xFFFFF086  }
0x1c: {  	p1 =	slt.u32 s9, $0xF7A;
	s5 =	simm.s32 @!p2 $0x0  }
0x1d: {  	s5 =	simm.s32 @p1 $0x1;
	p0 =	seq.s32 s7, s2  }
0x1e: {  	s7 =	smul.u32 @!p0 $0xF7A, s2;
	p2 =	seq.s32 @!p0 s5, $0x0  }
0x1f: {  	s9 =	smul.u32 $0xF7A, s1;
	s8 =	simm.s32 @!p0 $0x1BF5;
	p2 =	por !p2, p0  }
0x20: {  	[sflag:s8] =	ssyncset.s32 @!p0 $0xFFFFF086;
	s6 =	sadd.s32 @!p0 s3, s7;
	s7 =	simm.s32 @!p0 $0x108  }
0x21: {  	s3 =	sadd.s32 s3, s9;
	s6 =	sadd.s32 @!p0 $0x88, s6;
	s7 =	simm.s32 @p2 $0x1082  }
0x22: {  	[simem:s7], [sflag:s8] =	dma.local @!p0 [hbm:s6], $0xF7A  }
0x23: {  	s9 =	sor.u32 $0xD0000000, s2;
	s6 =	simm.s32 $0x108;
	_ =	swait.ge @!p0 [sflag:s8], $0x0  }
0x24: {  	s3 =	sadd.s32 $0x88, s3;
	s6 =	simm.s32 @!p1 $0x1082;
	[sflag:s4] =	ssyncset.s32 $0xFFFFF086  }
0x25: {  	[simem:s6], [sflag:s4] =	dma.local [hbm:s3], $0xF7A  }
0x26: {  	[smem:$0x3F9F] =	sst s1;
	(tag) =	ssettag s2;
	_ =	strace s9  }
0x27: {  	s1 =	sld [smem:$0x3FAF]  }
0x28: {  	s2 =	sld [smem:$0x3FB0]  }
0x29: {  	s4 =	sld [smem:$0x3FB2]  }
0x2a: {  	p0 =	seq.s32 s5, $0x0;
	s5 =	sld [smem:$0x3FB3]  }
0x2b: {  	s6 =	sld [smem:$0x3FB4]  }
0x2c: {  	s7 =	sld [smem:$0x3FB5]  }
0x2d: {  	s3 =	simm.s32 $0x108;
	s8 =	sld [smem:$0x3FB6]  }
0x2e: {  	s3 =	simm.s32 @!p0 $0x1082;
	s9 =	sld [smem:$0x3FB7]  }
0x2f: {  	lr =	sadd.s32 s0, s3;
	s0 =	sld [smem:$0x3FAE]  }
0x30: {  	s3 =	sld [smem:$0x3FB1]  }
0x31: {  	[smem:$0x3FBA] =	sst s10  }
0x32: {  	s10 =	sld [smem:$0x3FB8];
	_ =	sdelay $0x3  }
0x33: {  	p0 =	seq.s32 s10, $0x1;
	s10 =	sld [smem:$0x3FBA];
	_ =	sdelay $0x3  }
0x34: {  	[smem:$0x3FBA] =	sst s10  }
0x35: {  	s10 =	sld [smem:$0x3FB9];
	_ =	sdelay $0x3  }
0x36: {  	p1 =	seq.s32 s10, $0x1;
	s10 =	sld [smem:$0x3FBA];
	_ =	sdelay $0x3  }
0x37: {  	[smem:$0x3FBA] =	sst s10  }
0x38: {  	s10 =	sld [smem:$0x3FBB]  }
0x39: {  	_ = 	snop;
	(pc) =	sbr.ind lr, $3  }
0x3a: {  	_ = 	snop  }
0x3b: {  	_ = 	snop  }
0x3c: {  	p2 =	seq.s32 s10, $0x1;
	s10 =	sld [smem:$0x3FBA]  }
0x3d: {  	_ =	shalt  }
0x3e: {  	_ =	shalt  }
0x3f: {  	_ =	shalt  }
0x40: {  	_ =	shalt  }
0x41: {  	_ =	shalt  }
0x42: {  	_ =	shalt  }
0x43: {  	_ =	shalt  }
0x44: {  	_ =	shalt  }
0x45: {  	_ =	shalt  }
0x46: {  	_ =	shalt  }
0x47: {  	_ =	shalt  }
0x48: {  	_ =	shalt  }
0x49: {  	_ =	shalt  }
0x4a: {  	_ =	shalt  }
0x4b: {  	_ =	shalt  }
0x4c: {  	_ =	shalt  }
0x4d: {  	_ =	shalt  }
0x4e: {  	_ =	shalt  }
0x4f: {  	_ =	shalt  }
0x50: {  	_ =	shalt  }
0x51: {  	_ =	shalt  }
0x52: {  	_ =	shalt  }
0x53: {  	_ =	shalt  }
0x54: {  	_ =	shalt  }
0x55: {  	_ =	shalt  }
0x56: {  	_ =	shalt  }
0x57: {  	_ =	shalt  }
0x58: {  	_ =	shalt  }
0x59: {  	_ =	shalt  }
0x5a: {  	_ =	shalt  }
0x5b: {  	_ =	shalt  }
0x5c: {  	_ =	shalt  }
0x5d: {  	_ =	shalt  }
0x5e: {  	_ =	shalt  }
0x5f: {  	_ =	shalt  }
0x60: {  	_ =	shalt  }
0x61: {  	_ =	shalt  }
0x62: {  	_ =	shalt  }
0x63: {  	_ =	shalt  }
0x64: {  	_ =	shalt  }
0x65: {  	_ =	shalt  }
0x66: {  	_ =	shalt  }
0x67: {  	_ =	shalt  }
0x68: {  	_ =	shalt  }
0x69: {  	_ =	shalt  }
0x6a: {  	_ =	shalt  }
0x6b: {  	_ =	shalt  }
0x6c: {  	_ =	shalt  }
0x6d: {  	_ =	shalt  }
0x6e: {  	_ =	shalt  }
0x6f: {  	_ =	shalt  }
0x70: {  	_ =	shalt  }
0x71: {  	_ =	shalt  }
0x72: {  	_ =	shalt  }
0x73: {  	_ =	shalt  }
0x74: {  	_ =	shalt  }
0x75: {  	_ =	shalt  }
0x76: {  	_ =	shalt  }
0x77: {  	_ =	shalt  }
0x78: {  	_ =	shalt  }
0x79: {  	_ =	shalt  }
0x7a: {  	_ =	shalt  }
0x7b: {  	_ =	shalt  }
0x7c: {  	_ =	shalt  }
0x7d: {  	_ =	shalt  }
0x7e: {  	_ =	shalt  }
0x7f: {  	_ =	shalt  }
0x80: {  	_ =	shalt  }
0x81: {  	_ =	shalt  }
0x82: {  	_ =	shalt  }
0x83: {  	_ =	shalt  }
0x84: {  	_ =	shalt  }
0x85: {  	_ =	shalt  }
0x86: {  	_ =	shalt  }
0x87: {  	_ =	shalt  }
.Lfunc_end0:
.L_simem_size_0:
called_computation.2_lowered:
.L_overlay_start_0:
0x88: {  	s2 =	sld [smem:$0x3FD9]  }
0x89: {  	s3 =	sld [smem:$0x3FFE];
	_ =	sdelay $0x1  }
0x8a: {  	s1 =	srdreg.scid  }
0x8b: {  	s0 =	sand.u32 $0x1, s1  }
0x8c: {  	s17 =	sshll.u32 s0, $0xA;
	s2 =	sadd.s32 s3, s2  }
0x8d: {  	s2 =	sadd.s32 s2, s17  }
0x8e: {  	[smem:$0x3FC6] =	sst s2  }
0x8f: {  	_ = 	snop  }
0x90: {  	s2 =	sld [smem:$0x3FD0];
	(tm) =	ssettm $0x1  }
0x91: {  	s18 =	sld [smem:$0x3FFB];
	_ =	sdelay $0x3  }
0x92: {  	_ =	strace s18  }
0x93: {  	s3 =	sld [smem:$0x3FFC];
	_ =	sdelay $0x3  }
0x94: {  	_ =	strace s3  }
0x95: {  	s3 =	sld [smem:$0x3FFD];
	_ =	sdelay $0x3  }
0x96: {  	_ =	strace s3  }
0x97: {  	_ =	strace $0x8FFFFFFF  }
0x98: {  	s19 =	sld [smem:$0x3FDB];
	_ =	sdelay $0x1  }
0x99: {  	s4 =	simm.s32 $_scs_section_size  }
0x9a: {  	s5 =	simm.s32 $_size__tile_overlayer_lowered;
	s6 =	simm.s32 $_tile_overlayer_lowered  }
0x9b: {  	s22 =	simm.s32 $0x1BFF;
	s21 =	sshll.u32 s6, $0x1;
	s3 =	sadd.s32 s4, s19  }
0x9c: {  	s7 =	simm.s32 $0x0;
	s20 =	sshll.u32 s5, $0x1;
	s5 =	sadd.s32 s21, s3  }
0x9d: {  	[timem:s7], [sflag:s22] =	dma.local [hbm:s5], s20  }
0x9e: {  	_ =	swait.ge [sflag:s22], s20  }
0x9f: {  	s4 =	ssub.s32 $0x0, s20;
	[sflag:s22] =	ssyncset.done $0x0  }
0xa0: {  	[sflag:s22] =	ssyncadd.s32 s4;
	_ =	sdelay $0x1  }
0xa1: {  	s23 =	simm.s32 $0x1B8B  }
0xa2: {  	_ =	swait.ge [sflag:s23], $0x1  }
0xa3: {  	[sflag:s23] =	ssyncset.done $0x0  }
0xa4: {  	s25 =	simm.s32 $0x1B8E;
	s24 =	sld [smem:$0x3FFE];
	[sflag:s23] =	ssyncadd.s32 $0xFFFFFFFF  }
0xa5: {  	s26 =	simm.s32 $execute0_lowered;
	[smem:$0x3FD2] =	sst s25  }
0xa6: {  	s5 =	sshll.u32 s26, $0x1;
	_ =	strace $0x80000049;
	[dreg:$0x1] =	wrdreg $0xFFFFFFFF  }
0xa7: {  	s28 =	simm.s32 $_size_execute0_lowered;
	s3 =	sadd.s32 s3, s5;
	[dreg:$0x0] =	wrdreg $0x0  }
0xa8: {  	s5 =	sshll.u32 s28, $0x1;
	[dreg:$0x2] =	wrdreg s3  }
0xa9: {  	[dreg:$0x3] =	wrdreg s5  }
0xaa: {  	[dreg:$0x4] =	wrdreg $0xC0  }
0xab: {  	_ =	task [dreg:s7], $0x5FFFF  }
0xac: {  	[dreg:$0x1] =	wrdreg $0xFFFFFFFF  }
0xad: {  	[dreg:$0x0] =	wrdreg $0x60  }
0xae: {  	[dreg:$0x2] =	wrdreg s2  }
0xaf: {  	[dreg:$0x3] =	wrdreg s24  }
0xb0: {  	[dreg:$0x4] =	wrdreg $0x9  }
0xb1: {  	_ =	task.clear_ibuf [dreg:s7], $0x5FFFF;
	_ =	strace $0x90000049  }
0xb2: {  	s29 =	simm.s32 $0x9;
	_ =	strace $0x8000004B  }
0xb3: {  	_ =	swait.ge [sflag:s29], $0x1  }
0xb4: {  	[sflag:s29] =	ssyncadd.s32 $0xFFFFFFFF  }
0xb5: {  	_ =	strace $0x9000004B  }
0xb6: {  	_ =	sfence  }
0xb7: {  	s30 =	sld [smem:$0x0];
	_ =	sdelay $0x2  }
0xb8: {  	s31 =	sshll.u32 s1, $0xD;
	s1 =	sshrl.u32 s1, $0x2  }
0xb9: {  	s3 =	sand.u32 $0x4000, s31;
	s1 =	sadd.s32 s1, s30  }
0xba: {  	s0 =	sor.u32 s3, s0;
	s1 =	sshll.u32 s1, $0x11  }
0xbb: {  	s0 =	sor.u32 s1, s0  }
0xbc: {  	s0 =	sadd.s32 $0x8F2B, s0  }
0xbd: {  	[sflag:s0] =	ssyncadd.remote.s32 $0x1  }
0xbe: {  	_ =	sfence.sel $0xFFFF  }
0xbf: {  	[dreg:$0x0] =	wrdreg $0xFFFFFFFF;
	(pc) =	sbr.abs _section_cstart, $3  }
0xc0: {  	[dreg:$0x1] =	wrdreg $0xFFFFFFFF  }
0xc1: {  	_ =	task.clear_ibuf [dreg:s7], $0x2FFFF;
	_ =	strace $0x9FFFFFFF  }
0xc2: {  	(tm) =	ssettm $0x7FFFFFFF  }
0xc3: {  	_ =	shalt  }
tec
execute0_lowered:
.L_overlay_start_1:
0x0: {  	(tag) =	ssettag $0x1  }
0x1: {  	s4 =	rddreg [dreg:$0x0]  }
0x2: {  	s5 =	rddreg [dreg:$0x1]  }
0x3: {  	s0 =	rddreg [dreg:$0x2];
	s2 =	simm.s32 $0x0  }
0x4: {  	s3 =	srdreg.scid;
	s1 =	stileid.u32;
	s11 =	simm.s32 $0x400  }
0x5: {  	s12 =	simm.s32 $0xC000;
	s13 =	simm.s32 $0xE400;
	s14 =	simm.s32 $0x480  }
0x6: {  	s15 =	simm.s32 $0x12400;
	s16 =	simm.s32 $0x3;
	s17 =	simm.s32 $0x14800  }
0x7: {  	s18 =	simm.s32 $0x4;
	s19 =	simm.s32 $0x5;
	s20 =	simm.s32 $0x2  }
0x8: {  	s21 =	simm.s32 $0x1;
	s22 =	simm.s32 $0x0;
	[smem:$0x7FF] =	sst s2  }
0x9: {  	s6 =	sand.u32 $0x1, s3;
	s3 =	sadd.s32 $0x1200, s5;
	s7 =	smul.u32 $0xC8000, s1  }
0xa: {  	s8 =	ssub.s32 $0x2, s6;
	s10 =	sshll.u32 s6, $0xC;
	s6 =	smul.u32 $0x64000, s6  }
.Ltmp0:
0xb: {  	s9 =	sshll.u32 s1, $0xD;
	_ =	strace $0x8000004A;
	(pc) =	sbr.rel .LBB2_1-.Ltmp0, $4  }
0xc: {  	s5 =	sadd.s32 s7, s5;
	s31 =	sshrl.u32 s8, $0x1;
	s9 =	sor.u32 s10, s9  }
0xd: {  	s10 =	simm.s32 $0x48;
	s7 =	ssub.s32 s8, s31;
	s4 =	sadd.s32 s4, s9  }
0xe: {  	s6 =	sadd.s32 s6, s5;
	s8 =	simm.s32 $0x80;
	s9 =	simm.s32 $0x8000  }
0xf: {  	s5 =	smax.u32 s7, $0x1;
	s6 =	sadd.s32 $0xF43600, s6;
	s7 =	simm.s32 $0x7  }
.LBB2_8:
0x10: {  	s22 =	sadd.s32 $0x1, s22  }
0x11: {  	_ =	swait.ge [sflag:s18], $0x6400;
	p0 =	sne.s32 s22, s5  }
.Ltmp1:
0x12: {  	[sflag:s18] =	ssyncset.done $0x0;
	(pc) =	sbr.rel @!p0 .LBB2_9-.Ltmp1, $4  }
0x13: {  	[sflag:s18] =	ssyncadd.s32 $0xFFFF9C00  }
0x14: {  	_ =	swait.ge [sflag:s19], $0x6400  }
0x15: {  	[sflag:s19] =	ssyncset.done $0x0  }
0x16: {  	[sflag:s19] =	ssyncadd.s32 $0xFFFF9C00  }
.LBB2_1:
0x17: {  	[tilespmem:s2], [sflag:$0x7] =	stream.linear.gather [hbm4b:s4+s2], $0x8000, $0x38;
	[tilespmem:$0x1AC00] =	vst v63  }
0x18: {  	_ =	swait.ge [sflag:s7], $0x8000  }
0x19: {  	[sflag:s7] =	ssyncset.done $0x0  }
0x1a: {  	[sflag:s7] =	ssyncadd.s32 $0xFFFF8000  }
0x1b: {  	[tilespmem:s9], [sflag:$0x1] =	stream.indirect.gather [hbm4b:s3+s8], $0x80, s2, s8, $0xb8;
	[tilespmem:$0x1AC00] =	vst v63  }
0x1c: {  	_ = 	snop  }
0x1d: {  	[tilespmem:s12], [sflag:$0x1] =	stream.indirect.gather [hbm4b:s3+s10], $0x80, s11, s10, $0xb8;
	[tilespmem:$0x1AC00] =	vst v63  }
.Ltmp2:
0x1e: {  	_ = 	snop;
	(pc) =	sbr.rel .LBB2_2-.Ltmp2, $4  }
0x1f: {  	s23 =	simm.s32 $0x200  }
0x20: {  	[tilespmem:s13], [sflag:$0x2] =	stream.indirect.gather [hbm4b:s3+s8], $0x80, s8, s8, $0xb8;
	[tilespmem:$0x1AC00] =	vst v63  }
0x21: {  	s24 =	simm.s32 $0x100;
	s25 =	smov.u32 s6;
	s26 =	simm.s32 $0x0  }
0x22: {  	[tilespmem:s15], [sflag:$0x2] =	stream.indirect.gather [hbm4b:s3+s10], $0x80, s14, s10, $0xb8;
	[tilespmem:$0x1AC00] =	vst v63  }
.LBB2_6:
0x23: {  	_ =	swait.ge [sflag:s16], $0x6400  }
0x24: {  	p0 =	sgt.u32 s26, $0x7D;
	[sflag:s16] =	ssyncset.done $0x0  }
0x25: {  	s28 =	simm.s32 @!p0 $0x5;
	[sflag:s16] =	ssyncadd.s32 $0xFFFF9C00  }
0x26: {  	_ =	swait.ge @!p0 [sflag:s28], $0x6400  }
0x27: {  	[sflag:s28] =	ssyncset.done @!p0 $0x0  }
0x28: {  	s29 =	sand.u32 @!p0 $0x380, s24;
	[sflag:s28] =	ssyncadd.s32 @!p0 $0xFFFF9C00;
	s28 =	sand.u32 @!p0 $0xF800, s23  }
0x29: {  	s30 =	simm.s32 @!p0 $0xE400;
	s28 =	sor.u32 @!p0 s29, s28;
	s29 =	simm.s32 @!p0 $0x80  }
0x2a: {  	[tilespmem:s30], [sflag:$0x2] =	stream.indirect.gather @!p0 [hbm4b:s3+s29], $0x80, s28, s29, $0xb8;
	[tilespmem:$0x1AC00] =	vst v63  }
0x2b: {  	s28 =	sor.u32 @!p0 $0x400, s28;
	s29 =	simm.s32 @!p0 $0x48;
	s30 =	simm.s32 @!p0 $0x12400  }
0x2c: {  	[tilespmem:s30], [sflag:$0x2] =	stream.indirect.gather @!p0 [hbm4b:s3+s29], $0x80, s28, s29, $0xb8;
	[tilespmem:$0x1AC00] =	vst v63  }
0x2d: {  	_ = 	snop  }
0x2e: {  	[hbm4b:s25+s2] =	stream.linear.scatter [tilespmem:s17], [sflag:$0x6], $0x6400, $0x38;
	[tilespmem:$0x1AC00] =	vst v63  }
.LBB2_7:
0x2f: {  	s24 =	sadd.s32 $0x80, s24  }
0x30: {  	p0 =	sne.s32 s24, $0x4100  }
.Ltmp3:
0x31: {  	_ = 	snop;
	(pc) =	sbr.rel @!p0 .LBB2_8-.Ltmp3, $2  }
0x32: {  	_ =	sdelay $0x2  }
0x33: {  	s26 =	sadd.s32 $0x1, s26;
	s23 =	sadd.s32 $0x100, s23;
	s25 =	sadd.s32 $0xC80, s25  }
.LBB2_2:
0x34: {  	s28 =	smul.u32 $0xAB, s26;
	_ =	sdelay $0x1  }
0x35: {  	s28 =	sshrl.u32 s28, $0x9  }
0x36: {  	s28 =	sand.u32 $0x7F, s28  }
0x37: {  	s28 =	smul.u32 $0x3, s28;
	_ =	sdelay $0x1  }
0x38: {  	s28 =	ssub.s32 s26, s28  }
0x39: {  	s28 =	sand.u32 $0xFF, s28  }
0x3a: {  	p0 =	seq.s32 s28, $0x2  }
.Ltmp4:
0x3b: {  	_ = 	snop;
	(pc) =	sbr.rel @p0 .LBB2_6-.Ltmp4, $1  }
0x3c: {  	_ =	sdelay $0x3  }
0x3d: {  	p0 =	seq.s32 s28, $0x1  }
.Ltmp5:
0x3e: {  	_ = 	snop;
	(pc) =	sbr.rel @!p0 .LBB2_4-.Ltmp5, $1  }
0x3f: {  	_ =	sdelay $0x3  }
0x40: {  	_ =	swait.ge [sflag:s20], $0x6400  }
0x41: {  	p0 =	sgt.u32 s26, $0x7D;
	[sflag:s20] =	ssyncset.done $0x0  }
0x42: {  	s28 =	simm.s32 @!p0 $0x4;
	[sflag:s20] =	ssyncadd.s32 $0xFFFF9C00  }
0x43: {  	_ =	swait.ge @!p0 [sflag:s28], $0x6400  }
0x44: {  	[sflag:s28] =	ssyncset.done @!p0 $0x0  }
0x45: {  	s29 =	sand.u32 @!p0 $0x380, s24;
	[sflag:s28] =	ssyncadd.s32 @!p0 $0xFFFF9C00;
	s28 =	sand.u32 @!p0 $0xF800, s23  }
0x46: {  	s30 =	simm.s32 @!p0 $0x8000;
	s28 =	sor.u32 @!p0 s29, s28;
	s29 =	simm.s32 @!p0 $0x80  }
0x47: {  	[tilespmem:s30], [sflag:$0x1] =	stream.indirect.gather @!p0 [hbm4b:s3+s29], $0x80, s28, s29, $0xb8;
	[tilespmem:$0x1AC00] =	vst v63  }
.Ltmp6:
0x48: {  	_ = 	snop;
	(pc) =	sbr.rel .LBB2_7-.Ltmp6, $4  }
0x49: {  	s28 =	sor.u32 @!p0 $0x400, s28;
	s29 =	simm.s32 @!p0 $0x48;
	s30 =	simm.s32 @!p0 $0xC000  }
0x4a: {  	[tilespmem:s30], [sflag:$0x1] =	stream.indirect.gather @!p0 [hbm4b:s3+s29], $0x80, s28, s29, $0xb8;
	[tilespmem:$0x1AC00] =	vst v63  }
0x4b: {  	_ = 	snop  }
0x4c: {  	[hbm4b:s25+s2] =	stream.linear.scatter [tilespmem:s13], [sflag:$0x5], $0x6400, $0x38;
	[tilespmem:$0x1AC00] =	vst v63  }
.LBB2_4:
0x4d: {  	p0 =	sgt.u32 s26, $0x7D  }
0x4e: {  	_ =	swait.ge [sflag:s21], $0x6400;
	p1 =	seq.s32 @!p0 s24, $0x100  }
0x4f: {  	[sflag:s21] =	ssyncset.done $0x0;
	p1 =	por p1, p0  }
0x50: {  	[sflag:s21] =	ssyncadd.s32 $0xFFFF9C00;
	s28 =	simm.s32 @!p1 $0x6  }
0x51: {  	_ =	swait.ge @!p1 [sflag:s28], $0x6400  }
0x52: {  	[sflag:s28] =	ssyncset.done @!p1 $0x0  }
0x53: {  	s29 =	sand.u32 @!p0 $0x380, s24;
	[sflag:s28] =	ssyncadd.s32 @!p1 $0xFFFF9C00;
	s28 =	sand.u32 @!p0 $0xF800, s23  }
0x54: {  	s30 =	simm.s32 @!p0 $0x14800;
	s28 =	sor.u32 @!p0 s29, s28;
	s29 =	simm.s32 @!p0 $0x80  }
0x55: {  	[tilespmem:s30], [sflag:$0x3] =	stream.indirect.gather @!p0 [hbm4b:s3+s29], $0x80, s28, s29, $0xb8;
	[tilespmem:$0x1AC00] =	vst v63  }
.Ltmp7:
0x56: {  	_ = 	snop;
	(pc) =	sbr.rel .LBB2_7-.Ltmp7, $4  }
0x57: {  	s28 =	sor.u32 @!p0 $0x400, s28;
	s29 =	simm.s32 @!p0 $0x48;
	s30 =	simm.s32 @!p0 $0x18800  }
0x58: {  	[tilespmem:s30], [sflag:$0x3] =	stream.indirect.gather @!p0 [hbm4b:s3+s29], $0x80, s28, s29, $0xb8;
	[tilespmem:$0x1AC00] =	vst v63  }
0x59: {  	_ = 	snop  }
0x5a: {  	[hbm4b:s25+s2] =	stream.linear.scatter [tilespmem:s9], [sflag:$0x4], $0x6400, $0x38;
	[tilespmem:$0x1AC00] =	vst v63  }
.LBB2_9:
0x5b: {  	_ =	sfence.sel $0x180000  }
0x5c: {  	[bflag:$0x0] =	sbarrier.arrive $0xFFFF  }
0x5d: {  	p0 =	sne.s32 s1, $0x0;
	_ =	strace $0x9000004A  }
0x5e: {  	s0 =	sadd.s32 @!p0 $0x100000, s0;
	[bflag:$0x2] =	sbarrier.arrive $0xFFFF  }
0x5f: {  	[sflag:s0] =	ssyncadd.tile.s32 @!p0 $0x1;
	_ =	shalt  }
.Lfunc_end2:
_tile_overlayer_lowered:
.L_overlay_start_2:
0x60: {  	(tag) =	ssettag $0x2  }
0x61: {  	s0 =	rddreg [dreg:$0x0];
	s2 =	stileid.u32  }
0x62: {  	s1 =	rddreg [dreg:$0x1];
	p0 =	sne.s32 s2, $0x0  }
0x63: {  	s3 =	rddreg [dreg:$0x2];
	[bflag:$0x3] =	sbarrier.arrive $0xFFFF;
	s2 =	simm.s32 @!p0 $0x1C07  }
0x64: {  	[timem:s3], [sflag:s2] =	dma.local @!p0 [hbm:s0], s1  }
0x65: {  	s0 =	simm.s32 @!p0 $0x7  }
0x66: {  	_ =	swait.ge @!p0 [sflag:s0], s1  }
0x67: {  	s1 =	ssub.s32 @!p0 $0x0, s1;
	[sflag:s0] =	ssyncset.done @!p0 $0x0  }
0x68: {  	[sflag:s0] =	ssyncadd.s32 @!p0 s1  }
0x69: {  	[bflag:$0x3] =	sbarrier.arrive $0xFFFF  }
0x6a: {  	_ =	shalt  }

// kernel: sparse-core-data-format-call.cloned.1.call-start
scs
called_computation_lowered:
.L_overlay_start_0:
0x0: {  	s2 =	sld [smem:$0x3FD9]  }
0x1: {  	s3 =	sld [smem:$0x3FFE];
	_ =	sdelay $0x1  }
0x2: {  	s1 =	srdreg.scid  }
0x3: {  	s0 =	sand.u32 $0x1, s1  }
0x4: {  	s18 =	sshll.u32 s0, $0xA;
	s2 =	sadd.s32 s3, s2  }
0x5: {  	s2 =	sadd.s32 s2, s18  }
0x6: {  	[smem:$0x3FC6] =	sst s2  }
0x7: {  	_ = 	snop  }
0x8: {  	s2 =	sld [smem:$0x3FD0];
	(tm) =	ssettm $0x1  }
0x9: {  	s19 =	sld [smem:$0x3FFB];
	_ =	sdelay $0x3  }
0xa: {  	_ =	strace s19  }
0xb: {  	s3 =	sld [smem:$0x3FFC];
	_ =	sdelay $0x3  }
0xc: {  	_ =	strace s3  }
0xd: {  	s3 =	sld [smem:$0x3FFD];
	_ =	sdelay $0x3  }
0xe: {  	_ =	strace s3  }
0xf: {  	_ =	strace $0x8FFFFFFF  }
0x10: {  	s20 =	sld [smem:$0x3FDB];
	_ =	sdelay $0x1  }
0x11: {  	s4 =	simm.s32 $_scs_section_size  }
0x12: {  	s5 =	simm.s32 $_size__tile_overlayer_lowered;
	s6 =	simm.s32 $_tile_overlayer_lowered  }
0x13: {  	s23 =	simm.s32 $0x1BFF;
	s22 =	sshll.u32 s6, $0x1;
	s3 =	sadd.s32 s4, s20  }
0x14: {  	s7 =	simm.s32 $0x0;
	s21 =	sshll.u32 s5, $0x1;
	s5 =	sadd.s32 s22, s3  }
0x15: {  	[timem:s7], [sflag:s23] =	dma.local [hbm:s5], s21  }
0x16: {  	_ =	swait.ge [sflag:s23], s21  }
0x17: {  	s4 =	ssub.s32 $0x0, s21;
	[sflag:s23] =	ssyncset.done $0x0  }
0x18: {  	[sflag:s23] =	ssyncadd.s32 s4;
	_ =	sdelay $0x1  }
0x19: {  	s24 =	simm.s32 $0x1B8B  }
0x1a: {  	_ =	swait.ge [sflag:s24], $0x1  }
0x1b: {  	[sflag:s24] =	ssyncset.done $0x0  }
0x1c: {  	s26 =	simm.s32 $0x1B8E;
	s25 =	sld [smem:$0x3FFE];
	[sflag:s24] =	ssyncadd.s32 $0xFFFFFFFF  }
0x1d: {  	s27 =	simm.s32 $execute0_lowered;
	[smem:$0x3FD2] =	sst s26  }
0x1e: {  	s5 =	sshll.u32 s27, $0x1;
	_ =	strace $0x8000004C;
	[dreg:$0x1] =	wrdreg $0xFFFFFFFF  }
0x1f: {  	s28 =	simm.s32 $_size_execute0_lowered;
	s3 =	sadd.s32 s3, s5;
	[dreg:$0x0] =	wrdreg $0x0  }
0x20: {  	s5 =	sshll.u32 s28, $0x1;
	[dreg:$0x2] =	wrdreg s3  }
0x21: {  	[dreg:$0x3] =	wrdreg s5  }
0x22: {  	[dreg:$0x4] =	wrdreg $0xC0  }
0x23: {  	_ =	task [dreg:s7], $0x5FFFF  }
0x24: {  	[dreg:$0x1] =	wrdreg $0xFFFFFFFF  }
0x25: {  	[dreg:$0x0] =	wrdreg $0x60  }
0x26: {  	[dreg:$0x2] =	wrdreg s25  }
0x27: {  	[dreg:$0x3] =	wrdreg s2  }
0x28: {  	[dreg:$0x4] =	wrdreg $0x9  }
0x29: {  	_ =	task.clear_ibuf [dreg:s7], $0x5FFFF;
	_ =	strace $0x9000004C  }
0x2a: {  	s29 =	simm.s32 $0x9;
	_ =	strace $0x8000004E  }
0x2b: {  	_ =	swait.ge [sflag:s29], $0x1  }
0x2c: {  	[sflag:s29] =	ssyncadd.s32 $0xFFFFFFFF  }
0x2d: {  	_ =	strace $0x9000004E  }
0x2e: {  	_ =	sfence  }
0x2f: {  	s30 =	sld [smem:$0x0];
	_ =	sdelay $0x2  }
0x30: {  	s31 =	sshll.u32 s1, $0xD;
	s1 =	sshrl.u32 s1, $0x2  }
0x31: {  	s3 =	sand.u32 $0x4000, s31;
	s1 =	sadd.s32 s1, s30  }
0x32: {  	s0 =	sor.u32 s3, s0;
	s1 =	sshll.u32 s1, $0x11  }
0x33: {  	s0 =	sor.u32 s1, s0  }
0x34: {  	s0 =	sadd.s32 $0x8F2B, s0  }
0x35: {  	[sflag:s0] =	ssyncadd.remote.s32 $0x1  }
0x36: {  	_ =	sfence.sel $0xFFFF  }
0x37: {  	[dreg:$0x0] =	wrdreg $0xFFFFFFFF;
	(pc) =	sbr.abs _section_cstart, $3  }
0x38: {  	[dreg:$0x1] =	wrdreg $0xFFFFFFFF  }
0x39: {  	_ =	task.clear_ibuf [dreg:s7], $0x2FFFF;
	_ =	strace $0x9FFFFFFF  }
0x3a: {  	(tm) =	ssettm $0x7FFFFFFF  }
0x3b: {  	_ =	shalt  }
tec
execute0_lowered:
.L_overlay_start_1:
0x0: {  	(tag) =	ssettag $0x1  }
0x1: {  	s0 =	srdreg.scid  }
0x2: {  	s1 =	sshll.u32 s0, $0x4  }
0x3: {  	s0 =	stileid.u32;
	s1 =	sand.u32 $0x10, s1  }
0x4: {  	s1 =	sor.u32 s0, s1  }
0x5: {  	s6 =	rddreg [dreg:$0x0];
	s4 =	simm.s32 $0x1;
	s2 =	sshll.u32 s1, $0x7  }
0x6: {  	s7 =	simm.s32 $0x2;
	s12 =	simm.s32 $0x0;
	s1 =	ssub.s32 $0x1000, s2  }
0x7: {  	s8 =	simm.s32 $0x8000;
	s13 =	simm.s32 $0x0;
	s3 =	sand.u32 $0xF80, s1  }
0x8: {  	s9 =	simm.s32 $0x0;
	s5 =	sshrl.u32 s1, $0xC;
	p0 =	sne.s32 s3, $0x0  }
.Ltmp0:
0x9: {  	s1 =	rddreg [dreg:$0x2];
	s4 =	simm.s32 @!p0 $0x0;
	(pc) =	sbr.rel .LBB1_1-.Ltmp0, $4  }
0xa: {  	s11 =	simm.s32 $0x0;
	s3 =	rddreg [dreg:$0x1];
	s5 =	sadd.s32 s4, s5  }
0xb: {  	_ =	strace $0x8000004D;
	s4 =	simm.s32 $0x1;
	s5 =	smul.u32 $0xC8, s5  }
0xc: {  	s6 =	sadd.s32 $0xF43600, s6;
	s10 =	smov.u32 s2;
	[sflag:s4] =	ssyncpa.u1 $0x0  }
0xd: {  	p0 =	por $0x0, $0x0;
	[sflag:s7] =	ssyncpa.u1 $0x0;
	s7 =	sor.u32 $0x1, s5  }
.LBB1_4:
0xe: {  	s16 =	sshll.u32 s13, $0x3;
	s17 =	sand.u32 $0x78, s13  }
0xf: {  	s30 =	sand.u32 $0x7E00, s13;
	s12 =	sshll.u32 s12, $0xF;
	s16 =	sand.u32 $0xC00, s16  }
0x10: {  	[tilespmem:s15+$0x810 ss:$0x81] =	vst.msk $0xffff, v2;
	s31 =	sand.u32 $0x7, s13;
	s16 =	sor.u32 s17, s16;
	s17 =	sadd.s32 s3, s30  }
0x11: {  	[tilespmem:s15+$0x1020 ss:$0x81] =	vst.msk $0xffff, v0;
	s13 =	sshll.u32 s31, $0x12;
	s12 =	sadd.s32 s12, s17;
	s16 =	sshrl.u32 s16, $0x3  }
0x12: {  	[tilespmem:s15+$0x0 ss:$0x81] =	vst.msk $0xffff, v1;
	s13 =	sor.u32 $0x400, s13;
	s12 =	sadd.s32 s16, s12  }
0x13: {  	[hbm4b:s12+s13] =	stream.strided.scatter [tilespmem:s14], [sflag:$0x2], $0x2000, s8, s13, $0x20;
	[tilespmem:$0x8080] =	vst v63  }
.LBB1_5:
0x14: {  	s14 =	sadd.s32 $0x1, s9  }
0x15: {  	s12 =	sadd.s32 $0x1000, s10;
	s16 =	smov.u32 s10;
	p2 =	sgt.s32 s14, $0xC7  }
0x16: {  	s16 =	smov.u32 @p2 s12  }
0x17: {  	s14 =	simm.s32 @p2 $0x0;
	p2 =	sgt.s32 s16, $0xFFF  }
0x18: {  	s16 =	smov.u32 @p2 s2;
	p2 =	sne.s32 s11, s7  }
.Ltmp1:
0x19: {  	p1 =	slt.u32 s11, $0x2;
	(pc) =	sbr.rel @!p2 .LBB1_6-.Ltmp1, $4  }
0x1a: {  	s15 =	simm.s32 @!p1 $0x2  }
0x1b: {  	s13 =	smov.u32 s10;
	p0 =	por !p0, !p0;
	_ =	swait.ge @!p1 [sflag:s15], $0x2000  }
0x1c: {  	s12 =	smov.u32 s9;
	[sflag:s15] =	ssyncset.done @!p1 $0x0;
	s9 =	smov.u32 s14  }
0x1d: {  	s11 =	sadd.s32 $0x1, s11;
	[sflag:s15] =	ssyncadd.s32 @!p1 $0xFFFFE000;
	s10 =	smov.u32 s16  }
.LBB1_1:
0x1e: {  	p1 =	sge.u32 s11, s5  }
0x1f: {  	s14 =	sand.u32 @!p1 $0x1FFFFFF, s9  }
0x20: {  	s15 =	smulhi.u32 @!p1 $0x147AE15, s14;
	_ =	sdelay $0x1  }
0x21: {  	s15 =	smul.u32 @!p1 $0xC8, s15  }
0x22: {  	s16 =	sxor.u32 @!p1 $0xFFFFFFFF, s11;
	s17 =	smul.u32 @!p1 $0xC80, s10  }
0x23: {  	s31 =	sadd.s32 $0xFFFFFFFF, s11;
	s16 =	sshll.u32 @!p1 s16, $0xD;
	s14 =	ssub.s32 @!p1 s14, s15  }
0x24: {  	s15 =	sand.u32 @!p1 $0x2000, s16;
	s16 =	sadd.s32 @!p1 s6, s17;
	s14 =	sshll.u32 @!p1 s14, $0x4  }
0x25: {  	s17 =	simm.s32 @!p1 $0x6400;
	s14 =	sadd.s32 @!p1 s14, s16;
	s16 =	simm.s32 @!p1 $0x40  }
0x26: {  	[tilespmem:s15], [sflag:$0x1] =	stream.strided.gather @!p1 [hbm4b:s14+s16], $0x2000, s17, s16, $0x38;
	[tilespmem:$0x8080] =	vst v63  }
0x27: {  	p1 =	sge.u32 s31, s5  }
.Ltmp2:
0x28: {  	_ = 	snop;
	(pc) =	sbr.rel @p1 .LBB1_5-.Ltmp2, $1  }
0x29: {  	_ =	sdelay $0x3  }
0x2a: {  	s14 =	simm.s32 $0x1  }
0x2b: {  	_ =	swait.ge [sflag:s4], $0x2000;
	s14 =	simm.s32 @!p0 $0x0  }
0x2c: {  	[sflag:s4] =	ssyncset.done $0x0;
	s15 =	sshll.u32 s14, $0xD  }
0x2d: {  	[sflag:s4] =	ssyncadd.s32 $0xFFFFE000;
	s18 =	sor.u32 $0x20, s15  }
0x2e: {  	s14 =	smul.u32 $0x8100, s14;
	v3 =	vld [tilespmem:s18+$0x10]  }
0x2f: {  	s30 =	sand.u32 $0x1, s11;
	v2 =	vld [tilespmem:s18+$0xFFFFFFF0]  }
0x30: {  	s15 =	smul.u32 $0x8100, s30;
	s14 =	sshrl.u32 s14, $0x2;
	v0 =	vld [tilespmem:s18+$0x0]  }
0x31: {  	v1 =	vld [tilespmem:s18+$0xFFFFFFE0];
	s16 =	sor.u32 $0x4000, s14  }
0x32: {  	s31 =	sshrl.u32 s15, $0x2;
	s15 =	sadd.s32 $0x0, s16  }
0x33: {  	s17 =	simm.s32 $0x4;
	s18 =	sadd.s32 $0x40, s18;
	s14 =	sor.u32 $0x4000, s31;
	[tilespmem:s15+$0x1830 ss:$0x81] =	vst.msk $0xffff, v3  }
.LBB1_3:
0x34: {  	v3 =	vld [tilespmem:s18+$0x10];
	p1 =	sne.s32 s17, $0x1FC;
	[tilespmem:s15+$0x810 ss:$0x81] =	vst.msk $0xffff, v2;
	s19 =	smov.u32 s17;
	s17 =	sadd.s32 $0x4, s17  }
.Ltmp3:
0x35: {  	v2 =	vld [tilespmem:s18+$0xFFFFFFF0];
	[tilespmem:s15+$0x1020 ss:$0x81] =	vst.msk $0xffff, v0;
	(pc) =	sbr.rel @p1 .LBB1_3-.Ltmp3, $4  }
0x36: {  	v0 =	vld [tilespmem:s18+$0x0];
	[tilespmem:s15+$0x0 ss:$0x81] =	vst.msk $0xffff, v1  }
0x37: {  	s15 =	sshra.s32 s19, $0x2;
	v1 =	vld [tilespmem:s18+$0xFFFFFFE0]  }
0x38: {  	s15 =	sadd.s32 s15, s16  }
0x39: {  	s18 =	sadd.s32 $0x40, s18;
	[tilespmem:s15+$0x1830 ss:$0x81] =	vst.msk $0xffff, v3  }
.Ltmp4:
0x3a: {  	_ = 	snop;
	(pc) =	sbr.rel .LBB1_4-.Ltmp4, $1  }
0x3b: {  	_ =	sdelay $0x3  }
.LBB1_6:
0x3c: {  	_ =	sfence.sel $0x180000  }
0x3d: {  	s2 =	simm.s32 $0x1;
	[bflag:$0x0] =	sbarrier.arrive $0xFFFF  }
0x3e: {  	s31 =	simm.s32 $0x2;
	[sflag:s2] =	ssyncpa.u1 $0x1  }
0x3f: {  	[sflag:s31] =	ssyncpa.u1 $0x1  }
0x40: {  	p0 =	sne.s32 s0, $0x0;
	_ =	strace $0x9000004D  }
0x41: {  	s0 =	sadd.s32 @!p0 $0x100000, s1;
	[bflag:$0x2] =	sbarrier.arrive $0xFFFF  }
0x42: {  	[sflag:s0] =	ssyncadd.tile.s32 @!p0 $0x1;
	_ =	shalt  }
.Lfunc_end1:
_tile_overlayer_lowered:
.L_overlay_start_2:
0x43: {  	(tag) =	ssettag $0x2  }
0x44: {  	s0 =	rddreg [dreg:$0x0];
	s2 =	stileid.u32  }
0x45: {  	s1 =	rddreg [dreg:$0x1];
	p0 =	sne.s32 s2, $0x0  }
0x46: {  	s3 =	rddreg [dreg:$0x2];
	[bflag:$0x3] =	sbarrier.arrive $0xFFFF;
	s2 =	simm.s32 @!p0 $0x1C01  }
0x47: {  	[timem:s3], [sflag:s2] =	dma.local @!p0 [hbm:s0], s1  }
0x48: {  	s0 =	simm.s32 @!p0 $0x1  }
0x49: {  	_ =	swait.ge @!p0 [sflag:s0], s1  }
0x4a: {  	s1 =	ssub.s32 @!p0 $0x0, s1;
	[sflag:s0] =	ssyncset.done @!p0 $0x0  }
0x4b: {  	[sflag:s0] =	ssyncadd.s32 @!p0 s1  }
0x4c: {  	[bflag:$0x3] =	sbarrier.arrive $0xFFFF  }
0x4d: {  	_ =	shalt  }

</sc_bundles>
